<compile_context>
chip_gen: v7x
topology: tpu7x:2x2x1
jax: 0.10.2.dev20260603
libtpu: 0.0.44.dev20260713+nightly
codegen_flags: <defaults>
</compile_context>

<pallas_src>
import functools

import jax
import jax.numpy as jnp
from jax import lax
from jax.experimental import pallas as pl
from jax.experimental.pallas import tpu as pltpu
from jax.experimental.pallas import tpu_sc as plsc

_BATCH = 16384
_DIM = 32
_EPS = 1e-8

_info = plsc.get_sparse_core_info()
_NC, _NS, _L = _info.num_cores, _info.num_subcores, _info.num_lanes
_NW = _NC * _NS
_PAIRS_PER_W = _BATCH // _NW
_ROWS_PER_W = 2 * _PAIRS_PER_W
_GROUPS = _PAIRS_PER_W // _L


def _rsqrt(s):
    i = lax.bitcast_convert_type(s, jnp.int32)
    y = lax.bitcast_convert_type(0x5F3759DF - (i >> 1), jnp.float32)
    for _ in range(3):
        y = y * (1.5 - 0.5 * s * y * y)
    return y


def _sc_body(idx_hbm, table_hbm, out_hbm, idx_s, rows_v, out_v, sem, sem2):
    wid = lax.axis_index("s") * _NC + lax.axis_index("c")

    pltpu.sync_copy(idx_hbm.at[wid], idx_s)

    def fire(c, _):
        vec = idx_s[c >> 3, pl.ds((c & 7) * _L, _L)]
        for j in range(_L):
            q = c * _L + j
            i = vec[j]
            pltpu.make_async_copy(
                table_hbm.at[i, :],
                rows_v.at[q >> 2, pl.ds((q & 3) * _DIM, _DIM)],
                sem if j % 2 == 0 else sem2,
            ).start()
        return _

    lax.fori_loop(0, _ROWS_PER_W // _L, fire, None)

    def drain(j, _):
        pltpu.make_async_copy(
            table_hbm.at[0, :],
            rows_v.at[0, pl.ds(0, _DIM)],
            sem,
        ).wait()
        pltpu.make_async_copy(
            table_hbm.at[0, :],
            rows_v.at[0, pl.ds(0, _DIM)],
            sem2,
        ).wait()
        return _

    lax.fori_loop(0, _ROWS_PER_W // 2, drain, None)

    iota = lax.iota(jnp.int32, _L)

    def group(g, _):
        base1 = g * (_L * _DIM) + _DIM * iota
        base2 = base1 + _PAIRS_PER_W * _DIM
        dot = jnp.zeros((_L,), jnp.float32)
        s1 = jnp.zeros((_L,), jnp.float32)
        s2 = jnp.zeros((_L,), jnp.float32)
        for t in range(_DIM):
            d = (iota + t) & (_DIM - 1)
            f1 = base1 + d
            f2 = base2 + d
            v1 = plsc.load_gather(rows_v, [f1 >> 7, f1 & 127])
            v2 = plsc.load_gather(rows_v, [f2 >> 7, f2 & 127])
            dot = dot + v1 * v2
            s1 = s1 + v1 * v1
            s2 = s2 + v2 * v2
        s = jnp.maximum(s1 * s2, jnp.float32(_EPS * _EPS))
        out_v[pl.ds(g * _L, _L)] = dot * _rsqrt(s)
        return _

    lax.fori_loop(0, _GROUPS, group, None)

    pltpu.sync_copy(out_v, out_hbm.at[pl.ds(wid * _PAIRS_PER_W, _PAIRS_PER_W)])


@functools.partial(
    pl.kernel,
    out_type=jax.ShapeDtypeStruct((_BATCH,), jnp.float32),
    mesh=plsc.VectorSubcoreMesh(core_axis_name="c", subcore_axis_name="s"),
    compiler_params=pltpu.CompilerParams(
        needs_layout_passes=False, use_tc_tiling_on_sc=True
    ),
    scratch_types=[
        pltpu.VMEM((8, 128), jnp.int32),
        pltpu.VMEM((_ROWS_PER_W * _DIM // 128, 128), jnp.float32),
        pltpu.VMEM((_PAIRS_PER_W,), jnp.float32),
        pltpu.SemaphoreType.DMA,
        pltpu.SemaphoreType.DMA,
    ],
)
def _sc_kernel(idx_hbm, table_hbm, out_hbm, idx_s, rows_v, out_v, sem, sem2):
    _sc_body(idx_hbm, table_hbm, out_hbm, idx_s, rows_v, out_v, sem, sem2)


def kernel(item_pairs, table):
    idx = (
        item_pairs.T.reshape(2, _NW, 4, 128)
        .swapaxes(0, 1)
        .reshape(_NW, 8, 128)
    )
    return _sc_kernel(idx, table)

# --- scband reference (transcript-rebuilt; emitter-appended) ---
"""Pipeline reference for scband-co-purchase-predictor-43774306680878 (READ-ONLY COPY).

The authoritative reference and input builder live on the scoring server;
editing this copy changes nothing except your own understanding.
"""

import jax, jax.numpy as jnp
import numpy as np

NUM_ITEMS = 1000000
EMBED_DIM = 32
BATCH = 16384
EPS = 1e-8


def setup_inputs(seed: int = 0) -> dict:
    key = jax.random.key(seed)
    k_idx, k_tab = jax.random.split(key)
    item_pairs = jax.random.randint(k_idx, (BATCH, 2), 0, NUM_ITEMS, dtype=jnp.int32)
    # xavier_uniform init for the embedding table
    bound = float(np.sqrt(6.0 / (NUM_ITEMS + EMBED_DIM)))
    table = jax.random.uniform(k_tab, (NUM_ITEMS, EMBED_DIM), dtype=jnp.float32, minval=-bound, maxval=bound)
    # padding_idx=0 -> zero row
    table = table.at[0].set(0.0)
    return {"item_pairs": item_pairs, "table": table}


def reference(item_pairs, table):
    # embedding lookups (gathers)
    item1_emb = jnp.take(table, item_pairs[:, 0], axis=0)
    item2_emb = jnp.take(table, item_pairs[:, 1], axis=0)
    # F.cosine_similarity(dim=-1): dot / max(||a||*||b||, eps)
    dot = jnp.sum(item1_emb * item2_emb, axis=-1)
    n1 = jnp.sqrt(jnp.sum(item1_emb * item1_emb, axis=-1))
    n2 = jnp.sqrt(jnp.sum(item2_emb * item2_emb, axis=-1))
    scores = dot / jnp.maximum(n1 * n2, EPS)
    return scores

if __name__ == "__main__":
    import jax
    _d = setup_inputs()
    print(jax.jit(kernel)(*tuple(_d.values())))

</pallas_src>

<mosaic_0001>
#map = affine_map<(d0, d1) -> (0, 0, 0)>
#map1 = affine_map<(d0, d1) -> (0, 0)>
#map2 = affine_map<(d0, d1) -> (0)>
module attributes {stable_mosaic.version = 14 : i64} {
  func.func @_sc_kernel(%arg0: i32, %arg1: i32, %arg2: memref<32x8x128xi32, #tpu.memory_space<hbm>>, %arg3: memref<1000000x32xf32, #tpu.memory_space<hbm>>, %arg4: memref<16384xf32, #tpu.memory_space<hbm>>, %arg5: memref<8x128xi32, #tpu.memory_space<vmem>>, %arg6: memref<256x128xf32, #tpu.memory_space<vmem>>, %arg7: memref<512xf32, #tpu.memory_space<vmem>>, %arg8: memref<!tpu.dma_semaphore, #tpu.memory_space<semaphore_mem>>, %arg9: memref<!tpu.dma_semaphore, #tpu.memory_space<semaphore_mem>>) attributes {dimension_semantics = [#tpu.dimension_semantics<core_parallel>, #tpu.dimension_semantics<subcore_parallel>], iteration_bounds = array<i64: 2, 16>, scalar_prefetch = 0 : i64, scratch_operands = 5 : i64, tpu.core_type = #tpu.core_type<sc_vector_subcore>, window_params = [{transform_indices = #map}, {transform_indices = #map1}, {transform_indices = #map2}]} {
    %mul3A = arith.constant 2 : i32
    %mul3A_0 = arith.muli %arg1, %mul3A : i32
    %add3A = arith.addi %mul3A_0, %arg0 : i32
    "tpu.region"() ({
      %run_scoped3A = tpu.sem_alloc : memref<!tpu.dma_semaphore, #tpu.memory_space<semaphore_mem>>
      %dma_start3A = arith.constant 0 : i32
      %dma_start3A_17 = arith.constant 0 : i32
      %dma_start3A_18 = tpu.memref_slice %arg2[%add3A, %dma_start3A, %dma_start3A_17] : memref<32x8x128xi32, #tpu.memory_space<hbm>> -> memref<1x8x128xi32, #tpu.memory_space<hbm>>
      %dma_start3A_19 = tpu.memref_squeeze %dma_start3A_18 : memref<1x8x128xi32, #tpu.memory_space<hbm>> -> memref<8x128xi32, #tpu.memory_space<hbm>>
      %dma_start3A_20 = arith.constant 0 : i32
      %dma_start3A_21 = arith.constant 0 : i32
      %dma_start3A_22 = tpu.memref_slice %arg2[%add3A, %dma_start3A_20, %dma_start3A_21] : memref<32x8x128xi32, #tpu.memory_space<hbm>> -> memref<1x8x128xi32, #tpu.memory_space<hbm>>
      %dma_start3A_23 = tpu.memref_squeeze %dma_start3A_22 : memref<1x8x128xi32, #tpu.memory_space<hbm>> -> memref<8x128xi32, #tpu.memory_space<hbm>>
      tpu.enqueue_dma source(%dma_start3A_23 : memref<8x128xi32, #tpu.memory_space<hbm>>) target(%arg5 : memref<8x128xi32, #tpu.memory_space<vmem>>) target_semaphore(%run_scoped3A : memref<!tpu.dma_semaphore, #tpu.memory_space<semaphore_mem>>)
      %dma_wait3A = arith.constant 0 : i32
      %dma_wait3A_24 = arith.constant 0 : i32
      %dma_wait3A_25 = tpu.memref_slice %arg2[%add3A, %dma_wait3A, %dma_wait3A_24] : memref<32x8x128xi32, #tpu.memory_space<hbm>> -> memref<1x8x128xi32, #tpu.memory_space<hbm>>
      %dma_wait3A_26 = tpu.memref_squeeze %dma_wait3A_25 : memref<1x8x128xi32, #tpu.memory_space<hbm>> -> memref<8x128xi32, #tpu.memory_space<hbm>>
      %dma_wait3A_27 = arith.constant 0 : i32
      %dma_wait3A_28 = arith.constant 0 : i32
      %dma_wait3A_29 = tpu.memref_slice %arg2[%add3A, %dma_wait3A_27, %dma_wait3A_28] : memref<32x8x128xi32, #tpu.memory_space<hbm>> -> memref<1x8x128xi32, #tpu.memory_space<hbm>>
      %dma_wait3A_30 = tpu.memref_squeeze %dma_wait3A_29 : memref<1x8x128xi32, #tpu.memory_space<hbm>> -> memref<8x128xi32, #tpu.memory_space<hbm>>
      tpu.wait_dma2 semaphore(%run_scoped3A : memref<!tpu.dma_semaphore, #tpu.memory_space<semaphore_mem>>) src(%dma_wait3A_30 : memref<8x128xi32, #tpu.memory_space<hbm>>) dst(%arg5 : memref<8x128xi32, #tpu.memory_space<vmem>>)
      tpu.yield
    }) : () -> ()
    %scan3A = arith.constant 0 : i32
    %scan3A_1 = arith.constant 64 : i32
    %scan3A_2 = arith.addi %scan3A, %scan3A_1 : i32
    %scan3A_3 = arith.constant 1 : i32
    scf.for %scan3A_17 = %scan3A to %scan3A_2 step %scan3A_3  : i32 {
      %shift_right_arithmetic3A = arith.constant 3 : i32
      %shift_right_arithmetic3A_18 = arith.shrsi %scan3A_17, %shift_right_arithmetic3A : i32
      %and3A = arith.constant 7 : i32
      %and3A_19 = arith.andi %scan3A_17, %and3A : i32
      %mul3A_20 = arith.constant 16 : i32
      %mul3A_21 = arith.muli %and3A_19, %mul3A_20 : i32
      %get3A = arith.index_cast %shift_right_arithmetic3A_18 : i32 to index
      %get3A_22 = arith.index_cast %mul3A_21 : i32 to index
      %get3A_23 = tpu.vector_load %arg5[%get3A, %get3A_22] {strides = array<i32>} : memref<8x128xi32, #tpu.memory_space<vmem>>, vector<16xi32>,
      %mul3A_24 = arith.constant 16 : i32
      %mul3A_25 = arith.muli %scan3A_17, %mul3A_24 : i32
      %add3A_26 = arith.constant 0 : i32
      %add3A_27 = arith.addi %mul3A_25, %add3A_26 : i32
      %slice3A = vector.extract_strided_slice %get3A_23 {offsets = [0], sizes = [1], strides = [1]} : vector<16xi32> to vector<1xi32>
      %squeeze3A = vector.extract %slice3A[0] : i32 from vector<1xi32>
      %shift_right_arithmetic3A_28 = arith.constant 2 : i32
      %shift_right_arithmetic3A_29 = arith.shrsi %add3A_27, %shift_right_arithmetic3A_28 : i32
      %and3A_30 = arith.constant 3 : i32
      %and3A_31 = arith.andi %add3A_27, %and3A_30 : i32
      %mul3A_32 = arith.constant 32 : i32
      %mul3A_33 = arith.muli %and3A_31, %mul3A_32 : i32
      %dma_start3A = tpu.memref_slice %arg6[%shift_right_arithmetic3A_29, %mul3A_33] : memref<256x128xf32, #tpu.memory_space<vmem>> -> memref<1x32xf32, #tpu.memory_space<vmem>>
      %dma_start3A_34 = tpu.memref_squeeze %dma_start3A : memref<1x32xf32, #tpu.memory_space<vmem>> -> memref<32xf32, #tpu.memory_space<vmem>>
      %dma_start3A_35 = arith.constant 0 : i32
      %dma_start3A_36 = tpu.memref_slice %arg3[%squeeze3A, %dma_start3A_35] : memref<1000000x32xf32, #tpu.memory_space<hbm>> -> memref<1x32xf32, #tpu.memory_space<hbm>>
      %dma_start3A_37 = tpu.memref_squeeze %dma_start3A_36 : memref<1x32xf32, #tpu.memory_space<hbm>> -> memref<32xf32, #tpu.memory_space<hbm>>
      %dma_start3A_38 = tpu.memref_slice %arg6[%shift_right_arithmetic3A_29, %mul3A_33] : memref<256x128xf32, #tpu.memory_space<vmem>> -> memref<1x32xf32, #tpu.memory_space<vmem>>
      %dma_start3A_39 = tpu.memref_squeeze %dma_start3A_38 : memref<1x32xf32, #tpu.memory_space<vmem>> -> memref<32xf32, #tpu.memory_space<vmem>>
      %dma_start3A_40 = arith.constant 0 : i32
      %dma_start3A_41 = tpu.memref_slice %arg3[%squeeze3A, %dma_start3A_40] : memref<1000000x32xf32, #tpu.memory_space<hbm>> -> memref<1x32xf32, #tpu.memory_space<hbm>>
      %dma_start3A_42 = tpu.memref_squeeze %dma_start3A_41 : memref<1x32xf32, #tpu.memory_space<hbm>> -> memref<32xf32, #tpu.memory_space<hbm>>
      tpu.enqueue_dma source(%dma_start3A_42 : memref<32xf32, #tpu.memory_space<hbm>>) target(%dma_start3A_39 : memref<32xf32, #tpu.memory_space<vmem>>) target_semaphore(%arg8 : memref<!tpu.dma_semaphore, #tpu.memory_space<semaphore_mem>>)
      %mul3A_43 = arith.constant 16 : i32
      %mul3A_44 = arith.muli %scan3A_17, %mul3A_43 : i32
      %add3A_45 = arith.constant 1 : i32
      %add3A_46 = arith.addi %mul3A_44, %add3A_45 : i32
      %slice3A_47 = vector.extract_strided_slice %get3A_23 {offsets = [1], sizes = [1], strides = [1]} : vector<16xi32> to vector<1xi32>
      %squeeze3A_48 = vector.extract %slice3A_47[0] : i32 from vector<1xi32>
      %shift_right_arithmetic3A_49 = arith.constant 2 : i32
      %shift_right_arithmetic3A_50 = arith.shrsi %add3A_46, %shift_right_arithmetic3A_49 : i32
      %and3A_51 = arith.constant 3 : i32
      %and3A_52 = arith.andi %add3A_46, %and3A_51 : i32
      %mul3A_53 = arith.constant 32 : i32
      %mul3A_54 = arith.muli %and3A_52, %mul3A_53 : i32
      %dma_start3A_55 = tpu.memref_slice %arg6[%shift_right_arithmetic3A_50, %mul3A_54] : memref<256x128xf32, #tpu.memory_space<vmem>> -> memref<1x32xf32, #tpu.memory_space<vmem>>
      %dma_start3A_56 = tpu.memref_squeeze %dma_start3A_55 : memref<1x32xf32, #tpu.memory_space<vmem>> -> memref<32xf32, #tpu.memory_space<vmem>>
      %dma_start3A_57 = arith.constant 0 : i32
      %dma_start3A_58 = tpu.memref_slice %arg3[%squeeze3A_48, %dma_start3A_57] : memref<1000000x32xf32, #tpu.memory_space<hbm>> -> memref<1x32xf32, #tpu.memory_space<hbm>>
      %dma_start3A_59 = tpu.memref_squeeze %dma_start3A_58 : memref<1x32xf32, #tpu.memory_space<hbm>> -> memref<32xf32, #tpu.memory_space<hbm>>
      %dma_start3A_60 = tpu.memref_slice %arg6[%shift_right_arithmetic3A_50, %mul3A_54] : memref<256x128xf32, #tpu.memory_space<vmem>> -> memref<1x32xf32, #tpu.memory_space<vmem>>
      %dma_start3A_61 = tpu.memref_squeeze %dma_start3A_60 : memref<1x32xf32, #tpu.memory_space<vmem>> -> memref<32xf32, #tpu.memory_space<vmem>>
      %dma_start3A_62 = arith.constant 0 : i32
      %dma_start3A_63 = tpu.memref_slice %arg3[%squeeze3A_48, %dma_start3A_62] : memref<1000000x32xf32, #tpu.memory_space<hbm>> -> memref<1x32xf32, #tpu.memory_space<hbm>>
      %dma_start3A_64 = tpu.memref_squeeze %dma_start3A_63 : memref<1x32xf32, #tpu.memory_space<hbm>> -> memref<32xf32, #tpu.memory_space<hbm>>
      tpu.enqueue_dma source(%dma_start3A_64 : memref<32xf32, #tpu.memory_space<hbm>>) target(%dma_start3A_61 : memref<32xf32, #tpu.memory_space<vmem>>) target_semaphore(%arg9 : memref<!tpu.dma_semaphore, #tpu.memory_space<semaphore_mem>>)
      %mul3A_65 = arith.constant 16 : i32
      %mul3A_66 = arith.muli %scan3A_17, %mul3A_65 : i32
      %add3A_67 = arith.constant 2 : i32
      %add3A_68 = arith.addi %mul3A_66, %add3A_67 : i32
      %slice3A_69 = vector.extract_strided_slice %get3A_23 {offsets = [2], sizes = [1], strides = [1]} : vector<16xi32> to vector<1xi32>
      %squeeze3A_70 = vector.extract %slice3A_69[0] : i32 from vector<1xi32>
      %shift_right_arithmetic3A_71 = arith.constant 2 : i32
      %shift_right_arithmetic3A_72 = arith.shrsi %add3A_68, %shift_right_arithmetic3A_71 : i32
      %and3A_73 = arith.constant 3 : i32
      %and3A_74 = arith.andi %add3A_68, %and3A_73 : i32
      %mul3A_75 = arith.constant 32 : i32
      %mul3A_76 = arith.muli %and3A_74, %mul3A_75 : i32
      %dma_start3A_77 = tpu.memref_slice %arg6[%shift_right_arithmetic3A_72, %mul3A_76] : memref<256x128xf32, #tpu.memory_space<vmem>> -> memref<1x32xf32, #tpu.memory_space<vmem>>
      %dma_start3A_78 = tpu.memref_squeeze %dma_start3A_77 : memref<1x32xf32, #tpu.memory_space<vmem>> -> memref<32xf32, #tpu.memory_space<vmem>>
      %dma_start3A_79 = arith.constant 0 : i32
      %dma_start3A_80 = tpu.memref_slice %arg3[%squeeze3A_70, %dma_start3A_79] : memref<1000000x32xf32, #tpu.memory_space<hbm>> -> memref<1x32xf32, #tpu.memory_space<hbm>>
      %dma_start3A_81 = tpu.memref_squeeze %dma_start3A_80 : memref<1x32xf32, #tpu.memory_space<hbm>> -> memref<32xf32, #tpu.memory_space<hbm>>
      %dma_start3A_82 = tpu.memref_slice %arg6[%shift_right_arithmetic3A_72, %mul3A_76] : memref<256x128xf32, #tpu.memory_space<vmem>> -> memref<1x32xf32, #tpu.memory_space<vmem>>
      %dma_start3A_83 = tpu.memref_squeeze %dma_start3A_82 : memref<1x32xf32, #tpu.memory_space<vmem>> -> memref<32xf32, #tpu.memory_space<vmem>>
      %dma_start3A_84 = arith.constant 0 : i32
      %dma_start3A_85 = tpu.memref_slice %arg3[%squeeze3A_70, %dma_start3A_84] : memref<1000000x32xf32, #tpu.memory_space<hbm>> -> memref<1x32xf32, #tpu.memory_space<hbm>>
      %dma_start3A_86 = tpu.memref_squeeze %dma_start3A_85 : memref<1x32xf32, #tpu.memory_space<hbm>> -> memref<32xf32, #tpu.memory_space<hbm>>
      tpu.enqueue_dma source(%dma_start3A_86 : memref<32xf32, #tpu.memory_space<hbm>>) target(%dma_start3A_83 : memref<32xf32, #tpu.memory_space<vmem>>) target_semaphore(%arg8 : memref<!tpu.dma_semaphore, #tpu.memory_space<semaphore_mem>>)
      %mul3A_87 = arith.constant 16 : i32
      %mul3A_88 = arith.muli %scan3A_17, %mul3A_87 : i32
      %add3A_89 = arith.constant 3 : i32
      %add3A_90 = arith.addi %mul3A_88, %add3A_89 : i32
      %slice3A_91 = vector.extract_strided_slice %get3A_23 {offsets = [3], sizes = [1], strides = [1]} : vector<16xi32> to vector<1xi32>
      %squeeze3A_92 = vector.extract %slice3A_91[0] : i32 from vector<1xi32>
      %shift_right_arithmetic3A_93 = arith.constant 2 : i32
      %shift_right_arithmetic3A_94 = arith.shrsi %add3A_90, %shift_right_arithmetic3A_93 : i32
      %and3A_95 = arith.constant 3 : i32
      %and3A_96 = arith.andi %add3A_90, %and3A_95 : i32
      %mul3A_97 = arith.constant 32 : i32
      %mul3A_98 = arith.muli %and3A_96, %mul3A_97 : i32
      %dma_start3A_99 = tpu.memref_slice %arg6[%shift_right_arithmetic3A_94, %mul3A_98] : memref<256x128xf32, #tpu.memory_space<vmem>> -> memref<1x32xf32, #tpu.memory_space<vmem>>
      %dma_start3A_100 = tpu.memref_squeeze %dma_start3A_99 : memref<1x32xf32, #tpu.memory_space<vmem>> -> memref<32xf32, #tpu.memory_space<vmem>>
      %dma_start3A_101 = arith.constant 0 : i32
      %dma_start3A_102 = tpu.memref_slice %arg3[%squeeze3A_92, %dma_start3A_101] : memref<1000000x32xf32, #tpu.memory_space<hbm>> -> memref<1x32xf32, #tpu.memory_space<hbm>>
      %dma_start3A_103 = tpu.memref_squeeze %dma_start3A_102 : memref<1x32xf32, #tpu.memory_space<hbm>> -> memref<32xf32, #tpu.memory_space<hbm>>
      %dma_start3A_104 = tpu.memref_slice %arg6[%shift_right_arithmetic3A_94, %mul3A_98] : memref<256x128xf32, #tpu.memory_space<vmem>> -> memref<1x32xf32, #tpu.memory_space<vmem>>
      %dma_start3A_105 = tpu.memref_squeeze %dma_start3A_104 : memref<1x32xf32, #tpu.memory_space<vmem>> -> memref<32xf32, #tpu.memory_space<vmem>>
      %dma_start3A_106 = arith.constant 0 : i32
      %dma_start3A_107 = tpu.memref_slice %arg3[%squeeze3A_92, %dma_start3A_106] : memref<1000000x32xf32, #tpu.memory_space<hbm>> -> memref<1x32xf32, #tpu.memory_space<hbm>>
      %dma_start3A_108 = tpu.memref_squeeze %dma_start3A_107 : memref<1x32xf32, #tpu.memory_space<hbm>> -> memref<32xf32, #tpu.memory_space<hbm>>
      tpu.enqueue_dma source(%dma_start3A_108 : memref<32xf32, #tpu.memory_space<hbm>>) target(%dma_start3A_105 : memref<32xf32, #tpu.memory_space<vmem>>) target_semaphore(%arg9 : memref<!tpu.dma_semaphore, #tpu.memory_space<semaphore_mem>>)
      %mul3A_109 = arith.constant 16 : i32
      %mul3A_110 = arith.muli %scan3A_17, %mul3A_109 : i32
      %add3A_111 = arith.constant 4 : i32
      %add3A_112 = arith.addi %mul3A_110, %add3A_111 : i32
      %slice3A_113 = vector.extract_strided_slice %get3A_23 {offsets = [4], sizes = [1], strides = [1]} : vector<16xi32> to vector<1xi32>
      %squeeze3A_114 = vector.extract %slice3A_113[0] : i32 from vector<1xi32>
      %shift_right_arithmetic3A_115 = arith.constant 2 : i32
      %shift_right_arithmetic3A_116 = arith.shrsi %add3A_112, %shift_right_arithmetic3A_115 : i32
      %and3A_117 = arith.constant 3 : i32
      %and3A_118 = arith.andi %add3A_112, %and3A_117 : i32
      %mul3A_119 = arith.constant 32 : i32
      %mul3A_120 = arith.muli %and3A_118, %mul3A_119 : i32
      %dma_start3A_121 = tpu.memref_slice %arg6[%shift_right_arithmetic3A_116, %mul3A_120] : memref<256x128xf32, #tpu.memory_space<vmem>> -> memref<1x32xf32, #tpu.memory_space<vmem>>
      %dma_start3A_122 = tpu.memref_squeeze %dma_start3A_121 : memref<1x32xf32, #tpu.memory_space<vmem>> -> memref<32xf32, #tpu.memory_space<vmem>>
      %dma_start3A_123 = arith.constant 0 : i32
      %dma_start3A_124 = tpu.memref_slice %arg3[%squeeze3A_114, %dma_start3A_123] : memref<1000000x32xf32, #tpu.memory_space<hbm>> -> memref<1x32xf32, #tpu.memory_space<hbm>>
      %dma_start3A_125 = tpu.memref_squeeze %dma_start3A_124 : memref<1x32xf32, #tpu.memory_space<hbm>> -> memref<32xf32, #tpu.memory_space<hbm>>
      %dma_start3A_126 = tpu.memref_slice %arg6[%shift_right_arithmetic3A_116, %mul3A_120] : memref<256x128xf32, #tpu.memory_space<vmem>> -> memref<1x32xf32, #tpu.memory_space<vmem>>
      %dma_start3A_127 = tpu.memref_squeeze %dma_start3A_126 : memref<1x32xf32, #tpu.memory_space<vmem>> -> memref<32xf32, #tpu.memory_space<vmem>>
      %dma_start3A_128 = arith.constant 0 : i32
      %dma_start3A_129 = tpu.memref_slice %arg3[%squeeze3A_114, %dma_start3A_128] : memref<1000000x32xf32, #tpu.memory_space<hbm>> -> memref<1x32xf32, #tpu.memory_space<hbm>>
      %dma_start3A_130 = tpu.memref_squeeze %dma_start3A_129 : memref<1x32xf32, #tpu.memory_space<hbm>> -> memref<32xf32, #tpu.memory_space<hbm>>
      tpu.enqueue_dma source(%dma_start3A_130 : memref<32xf32, #tpu.memory_space<hbm>>) target(%dma_start3A_127 : memref<32xf32, #tpu.memory_space<vmem>>) target_semaphore(%arg8 : memref<!tpu.dma_semaphore, #tpu.memory_space<semaphore_mem>>)
      %mul3A_131 = arith.constant 16 : i32
      %mul3A_132 = arith.muli %scan3A_17, %mul3A_131 : i32
      %add3A_133 = arith.constant 5 : i32
      %add3A_134 = arith.addi %mul3A_132, %add3A_133 : i32
      %slice3A_135 = vector.extract_strided_slice %get3A_23 {offsets = [5], sizes = [1], strides = [1]} : vector<16xi32> to vector<1xi32>
      %squeeze3A_136 = vector.extract %slice3A_135[0] : i32 from vector<1xi32>
      %shift_right_arithmetic3A_137 = arith.constant 2 : i32
      %shift_right_arithmetic3A_138 = arith.shrsi %add3A_134, %shift_right_arithmetic3A_137 : i32
      %and3A_139 = arith.constant 3 : i32
      %and3A_140 = arith.andi %add3A_134, %and3A_139 : i32
      %mul3A_141 = arith.constant 32 : i32
      %mul3A_142 = arith.muli %and3A_140, %mul3A_141 : i32
      %dma_start3A_143 = tpu.memref_slice %arg6[%shift_right_arithmetic3A_138, %mul3A_142] : memref<256x128xf32, #tpu.memory_space<vmem>> -> memref<1x32xf32, #tpu.memory_space<vmem>>
      %dma_start3A_144 = tpu.memref_squeeze %dma_start3A_143 : memref<1x32xf32, #tpu.memory_space<vmem>> -> memref<32xf32, #tpu.memory_space<vmem>>
      %dma_start3A_145 = arith.constant 0 : i32
      %dma_start3A_146 = tpu.memref_slice %arg3[%squeeze3A_136, %dma_start3A_145] : memref<1000000x32xf32, #tpu.memory_space<hbm>> -> memref<1x32xf32, #tpu.memory_space<hbm>>
      %dma_start3A_147 = tpu.memref_squeeze %dma_start3A_146 : memref<1x32xf32, #tpu.memory_space<hbm>> -> memref<32xf32, #tpu.memory_space<hbm>>
      %dma_start3A_148 = tpu.memref_slice %arg6[%shift_right_arithmetic3A_138, %mul3A_142] : memref<256x128xf32, #tpu.memory_space<vmem>> -> memref<1x32xf32, #tpu.memory_space<vmem>>
      %dma_start3A_149 = tpu.memref_squeeze %dma_start3A_148 : memref<1x32xf32, #tpu.memory_space<vmem>> -> memref<32xf32, #tpu.memory_space<vmem>>
      %dma_start3A_150 = arith.constant 0 : i32
      %dma_start3A_151 = tpu.memref_slice %arg3[%squeeze3A_136, %dma_start3A_150] : memref<1000000x32xf32, #tpu.memory_space<hbm>> -> memref<1x32xf32, #tpu.memory_space<hbm>>
      %dma_start3A_152 = tpu.memref_squeeze %dma_start3A_151 : memref<1x32xf32, #tpu.memory_space<hbm>> -> memref<32xf32, #tpu.memory_space<hbm>>
      tpu.enqueue_dma source(%dma_start3A_152 : memref<32xf32, #tpu.memory_space<hbm>>) target(%dma_start3A_149 : memref<32xf32, #tpu.memory_space<vmem>>) target_semaphore(%arg9 : memref<!tpu.dma_semaphore, #tpu.memory_space<semaphore_mem>>)
      %mul3A_153 = arith.constant 16 : i32
      %mul3A_154 = arith.muli %scan3A_17, %mul3A_153 : i32
      %add3A_155 = arith.constant 6 : i32
      %add3A_156 = arith.addi %mul3A_154, %add3A_155 : i32
      %slice3A_157 = vector.extract_strided_slice %get3A_23 {offsets = [6], sizes = [1], strides = [1]} : vector<16xi32> to vector<1xi32>
      %squeeze3A_158 = vector.extract %slice3A_157[0] : i32 from vector<1xi32>
      %shift_right_arithmetic3A_159 = arith.constant 2 : i32
      %shift_right_arithmetic3A_160 = arith.shrsi %add3A_156, %shift_right_arithmetic3A_159 : i32
      %and3A_161 = arith.constant 3 : i32
      %and3A_162 = arith.andi %add3A_156, %and3A_161 : i32
      %mul3A_163 = arith.constant 32 : i32
      %mul3A_164 = arith.muli %and3A_162, %mul3A_163 : i32
      %dma_start3A_165 = tpu.memref_slice %arg6[%shift_right_arithmetic3A_160, %mul3A_164] : memref<256x128xf32, #tpu.memory_space<vmem>> -> memref<1x32xf32, #tpu.memory_space<vmem>>
      %dma_start3A_166 = tpu.memref_squeeze %dma_start3A_165 : memref<1x32xf32, #tpu.memory_space<vmem>> -> memref<32xf32, #tpu.memory_space<vmem>>
      %dma_start3A_167 = arith.constant 0 : i32
      %dma_start3A_168 = tpu.memref_slice %arg3[%squeeze3A_158, %dma_start3A_167] : memref<1000000x32xf32, #tpu.memory_space<hbm>> -> memref<1x32xf32, #tpu.memory_space<hbm>>
      %dma_start3A_169 = tpu.memref_squeeze %dma_start3A_168 : memref<1x32xf32, #tpu.memory_space<hbm>> -> memref<32xf32, #tpu.memory_space<hbm>>
      %dma_start3A_170 = tpu.memref_slice %arg6[%shift_right_arithmetic3A_160, %mul3A_164] : memref<256x128xf32, #tpu.memory_space<vmem>> -> memref<1x32xf32, #tpu.memory_space<vmem>>
      %dma_start3A_171 = tpu.memref_squeeze %dma_start3A_170 : memref<1x32xf32, #tpu.memory_space<vmem>> -> memref<32xf32, #tpu.memory_space<vmem>>
      %dma_start3A_172 = arith.constant 0 : i32
      %dma_start3A_173 = tpu.memref_slice %arg3[%squeeze3A_158, %dma_start3A_172] : memref<1000000x32xf32, #tpu.memory_space<hbm>> -> memref<1x32xf32, #tpu.memory_space<hbm>>
      %dma_start3A_174 = tpu.memref_squeeze %dma_start3A_173 : memref<1x32xf32, #tpu.memory_space<hbm>> -> memref<32xf32, #tpu.memory_space<hbm>>
      tpu.enqueue_dma source(%dma_start3A_174 : memref<32xf32, #tpu.memory_space<hbm>>) target(%dma_start3A_171 : memref<32xf32, #tpu.memory_space<vmem>>) target_semaphore(%arg8 : memref<!tpu.dma_semaphore, #tpu.memory_space<semaphore_mem>>)
      %mul3A_175 = arith.constant 16 : i32
      %mul3A_176 = arith.muli %scan3A_17, %mul3A_175 : i32
      %add3A_177 = arith.constant 7 : i32
      %add3A_178 = arith.addi %mul3A_176, %add3A_177 : i32
      %slice3A_179 = vector.extract_strided_slice %get3A_23 {offsets = [7], sizes = [1], strides = [1]} : vector<16xi32> to vector<1xi32>
      %squeeze3A_180 = vector.extract %slice3A_179[0] : i32 from vector<1xi32>
      %shift_right_arithmetic3A_181 = arith.constant 2 : i32
      %shift_right_arithmetic3A_182 = arith.shrsi %add3A_178, %shift_right_arithmetic3A_181 : i32
      %and3A_183 = arith.constant 3 : i32
      %and3A_184 = arith.andi %add3A_178, %and3A_183 : i32
      %mul3A_185 = arith.constant 32 : i32
      %mul3A_186 = arith.muli %and3A_184, %mul3A_185 : i32
      %dma_start3A_187 = tpu.memref_slice %arg6[%shift_right_arithmetic3A_182, %mul3A_186] : memref<256x128xf32, #tpu.memory_space<vmem>> -> memref<1x32xf32, #tpu.memory_space<vmem>>
      %dma_start3A_188 = tpu.memref_squeeze %dma_start3A_187 : memref<1x32xf32, #tpu.memory_space<vmem>> -> memref<32xf32, #tpu.memory_space<vmem>>
      %dma_start3A_189 = arith.constant 0 : i32
      %dma_start3A_190 = tpu.memref_slice %arg3[%squeeze3A_180, %dma_start3A_189] : memref<1000000x32xf32, #tpu.memory_space<hbm>> -> memref<1x32xf32, #tpu.memory_space<hbm>>
      %dma_start3A_191 = tpu.memref_squeeze %dma_start3A_190 : memref<1x32xf32, #tpu.memory_space<hbm>> -> memref<32xf32, #tpu.memory_space<hbm>>
      %dma_start3A_192 = tpu.memref_slice %arg6[%shift_right_arithmetic3A_182, %mul3A_186] : memref<256x128xf32, #tpu.memory_space<vmem>> -> memref<1x32xf32, #tpu.memory_space<vmem>>
      %dma_start3A_193 = tpu.memref_squeeze %dma_start3A_192 : memref<1x32xf32, #tpu.memory_space<vmem>> -> memref<32xf32, #tpu.memory_space<vmem>>
      %dma_start3A_194 = arith.constant 0 : i32
      %dma_start3A_195 = tpu.memref_slice %arg3[%squeeze3A_180, %dma_start3A_194] : memref<1000000x32xf32, #tpu.memory_space<hbm>> -> memref<1x32xf32, #tpu.memory_space<hbm>>
      %dma_start3A_196 = tpu.memref_squeeze %dma_start3A_195 : memref<1x32xf32, #tpu.memory_space<hbm>> -> memref<32xf32, #tpu.memory_space<hbm>>
      tpu.enqueue_dma source(%dma_start3A_196 : memref<32xf32, #tpu.memory_space<hbm>>) target(%dma_start3A_193 : memref<32xf32, #tpu.memory_space<vmem>>) target_semaphore(%arg9 : memref<!tpu.dma_semaphore, #tpu.memory_space<semaphore_mem>>)
      %mul3A_197 = arith.constant 16 : i32
      %mul3A_198 = arith.muli %scan3A_17, %mul3A_197 : i32
      %add3A_199 = arith.constant 8 : i32
      %add3A_200 = arith.addi %mul3A_198, %add3A_199 : i32
      %slice3A_201 = vector.extract_strided_slice %get3A_23 {offsets = [8], sizes = [1], strides = [1]} : vector<16xi32> to vector<1xi32>
      %squeeze3A_202 = vector.extract %slice3A_201[0] : i32 from vector<1xi32>
      %shift_right_arithmetic3A_203 = arith.constant 2 : i32
      %shift_right_arithmetic3A_204 = arith.shrsi %add3A_200, %shift_right_arithmetic3A_203 : i32
      %and3A_205 = arith.constant 3 : i32
      %and3A_206 = arith.andi %add3A_200, %and3A_205 : i32
      %mul3A_207 = arith.constant 32 : i32
      %mul3A_208 = arith.muli %and3A_206, %mul3A_207 : i32
      %dma_start3A_209 = tpu.memref_slice %arg6[%shift_right_arithmetic3A_204, %mul3A_208] : memref<256x128xf32, #tpu.memory_space<vmem>> -> memref<1x32xf32, #tpu.memory_space<vmem>>
      %dma_start3A_210 = tpu.memref_squeeze %dma_start3A_209 : memref<1x32xf32, #tpu.memory_space<vmem>> -> memref<32xf32, #tpu.memory_space<vmem>>
      %dma_start3A_211 = arith.constant 0 : i32
      %dma_start3A_212 = tpu.memref_slice %arg3[%squeeze3A_202, %dma_start3A_211] : memref<1000000x32xf32, #tpu.memory_space<hbm>> -> memref<1x32xf32, #tpu.memory_space<hbm>>
      %dma_start3A_213 = tpu.memref_squeeze %dma_start3A_212 : memref<1x32xf32, #tpu.memory_space<hbm>> -> memref<32xf32, #tpu.memory_space<hbm>>
      %dma_start3A_214 = tpu.memref_slice %arg6[%shift_right_arithmetic3A_204, %mul3A_208] : memref<256x128xf32, #tpu.memory_space<vmem>> -> memref<1x32xf32, #tpu.memory_space<vmem>>
      %dma_start3A_215 = tpu.memref_squeeze %dma_start3A_214 : memref<1x32xf32, #tpu.memory_space<vmem>> -> memref<32xf32, #tpu.memory_space<vmem>>
      %dma_start3A_216 = arith.constant 0 : i32
      %dma_start3A_217 = tpu.memref_slice %arg3[%squeeze3A_202, %dma_start3A_216] : memref<1000000x32xf32, #tpu.memory_space<hbm>> -> memref<1x32xf32, #tpu.memory_space<hbm>>
      %dma_start3A_218 = tpu.memref_squeeze %dma_start3A_217 : memref<1x32xf32, #tpu.memory_space<hbm>> -> memref<32xf32, #tpu.memory_space<hbm>>
      tpu.enqueue_dma source(%dma_start3A_218 : memref<32xf32, #tpu.memory_space<hbm>>) target(%dma_start3A_215 : memref<32xf32, #tpu.memory_space<vmem>>) target_semaphore(%arg8 : memref<!tpu.dma_semaphore, #tpu.memory_space<semaphore_mem>>)
      %mul3A_219 = arith.constant 16 : i32
      %mul3A_220 = arith.muli %scan3A_17, %mul3A_219 : i32
      %add3A_221 = arith.constant 9 : i32
      %add3A_222 = arith.addi %mul3A_220, %add3A_221 : i32
      %slice3A_223 = vector.extract_strided_slice %get3A_23 {offsets = [9], sizes = [1], strides = [1]} : vector<16xi32> to vector<1xi32>
      %squeeze3A_224 = vector.extract %slice3A_223[0] : i32 from vector<1xi32>
      %shift_right_arithmetic3A_225 = arith.constant 2 : i32
      %shift_right_arithmetic3A_226 = arith.shrsi %add3A_222, %shift_right_arithmetic3A_225 : i32
      %and3A_227 = arith.constant 3 : i32
      %and3A_228 = arith.andi %add3A_222, %and3A_227 : i32
      %mul3A_229 = arith.constant 32 : i32
      %mul3A_230 = arith.muli %and3A_228, %mul3A_229 : i32
      %dma_start3A_231 = tpu.memref_slice %arg6[%shift_right_arithmetic3A_226, %mul3A_230] : memref<256x128xf32, #tpu.memory_space<vmem>> -> memref<1x32xf32, #tpu.memory_space<vmem>>
      %dma_start3A_232 = tpu.memref_squeeze %dma_start3A_231 : memref<1x32xf32, #tpu.memory_space<vmem>> -> memref<32xf32, #tpu.memory_space<vmem>>
      %dma_start3A_233 = arith.constant 0 : i32
      %dma_start3A_234 = tpu.memref_slice %arg3[%squeeze3A_224, %dma_start3A_233] : memref<1000000x32xf32, #tpu.memory_space<hbm>> -> memref<1x32xf32, #tpu.memory_space<hbm>>
      %dma_start3A_235 = tpu.memref_squeeze %dma_start3A_234 : memref<1x32xf32, #tpu.memory_space<hbm>> -> memref<32xf32, #tpu.memory_space<hbm>>
      %dma_start3A_236 = tpu.memref_slice %arg6[%shift_right_arithmetic3A_226, %mul3A_230] : memref<256x128xf32, #tpu.memory_space<vmem>> -> memref<1x32xf32, #tpu.memory_space<vmem>>
      %dma_start3A_237 = tpu.memref_squeeze %dma_start3A_236 : memref<1x32xf32, #tpu.memory_space<vmem>> -> memref<32xf32, #tpu.memory_space<vmem>>
      %dma_start3A_238 = arith.constant 0 : i32
      %dma_start3A_239 = tpu.memref_slice %arg3[%squeeze3A_224, %dma_start3A_238] : memref<1000000x32xf32, #tpu.memory_space<hbm>> -> memref<1x32xf32, #tpu.memory_space<hbm>>
      %dma_start3A_240 = tpu.memref_squeeze %dma_start3A_239 : memref<1x32xf32, #tpu.memory_space<hbm>> -> memref<32xf32, #tpu.memory_space<hbm>>
      tpu.enqueue_dma source(%dma_start3A_240 : memref<32xf32, #tpu.memory_space<hbm>>) target(%dma_start3A_237 : memref<32xf32, #tpu.memory_space<vmem>>) target_semaphore(%arg9 : memref<!tpu.dma_semaphore, #tpu.memory_space<semaphore_mem>>)
      %mul3A_241 = arith.constant 16 : i32
      %mul3A_242 = arith.muli %scan3A_17, %mul3A_241 : i32
      %add3A_243 = arith.constant 10 : i32
      %add3A_244 = arith.addi %mul3A_242, %add3A_243 : i32
      %slice3A_245 = vector.extract_strided_slice %get3A_23 {offsets = [10], sizes = [1], strides = [1]} : vector<16xi32> to vector<1xi32>
      %squeeze3A_246 = vector.extract %slice3A_245[0] : i32 from vector<1xi32>
      %shift_right_arithmetic3A_247 = arith.constant 2 : i32
      %shift_right_arithmetic3A_248 = arith.shrsi %add3A_244, %shift_right_arithmetic3A_247 : i32
      %and3A_249 = arith.constant 3 : i32
      %and3A_250 = arith.andi %add3A_244, %and3A_249 : i32
      %mul3A_251 = arith.constant 32 : i32
      %mul3A_252 = arith.muli %and3A_250, %mul3A_251 : i32
      %dma_start3A_253 = tpu.memref_slice %arg6[%shift_right_arithmetic3A_248, %mul3A_252] : memref<256x128xf32, #tpu.memory_space<vmem>> -> memref<1x32xf32, #tpu.memory_space<vmem>>
      %dma_start3A_254 = tpu.memref_squeeze %dma_start3A_253 : memref<1x32xf32, #tpu.memory_space<vmem>> -> memref<32xf32, #tpu.memory_space<vmem>>
      %dma_start3A_255 = arith.constant 0 : i32
      %dma_start3A_256 = tpu.memref_slice %arg3[%squeeze3A_246, %dma_start3A_255] : memref<1000000x32xf32, #tpu.memory_space<hbm>> -> memref<1x32xf32, #tpu.memory_space<hbm>>
      %dma_start3A_257 = tpu.memref_squeeze %dma_start3A_256 : memref<1x32xf32, #tpu.memory_space<hbm>> -> memref<32xf32, #tpu.memory_space<hbm>>
      %dma_start3A_258 = tpu.memref_slice %arg6[%shift_right_arithmetic3A_248, %mul3A_252] : memref<256x128xf32, #tpu.memory_space<vmem>> -> memref<1x32xf32, #tpu.memory_space<vmem>>
      %dma_start3A_259 = tpu.memref_squeeze %dma_start3A_258 : memref<1x32xf32, #tpu.memory_space<vmem>> -> memref<32xf32, #tpu.memory_space<vmem>>
      %dma_start3A_260 = arith.constant 0 : i32
      %dma_start3A_261 = tpu.memref_slice %arg3[%squeeze3A_246, %dma_start3A_260] : memref<1000000x32xf32, #tpu.memory_space<hbm>> -> memref<1x32xf32, #tpu.memory_space<hbm>>
      %dma_start3A_262 = tpu.memref_squeeze %dma_start3A_261 : memref<1x32xf32, #tpu.memory_space<hbm>> -> memref<32xf32, #tpu.memory_space<hbm>>
      tpu.enqueue_dma source(%dma_start3A_262 : memref<32xf32, #tpu.memory_space<hbm>>) target(%dma_start3A_259 : memref<32xf32, #tpu.memory_space<vmem>>) target_semaphore(%arg8 : memref<!tpu.dma_semaphore, #tpu.memory_space<semaphore_mem>>)
      %mul3A_263 = arith.constant 16 : i32
      %mul3A_264 = arith.muli %scan3A_17, %mul3A_263 : i32
      %add3A_265 = arith.constant 11 : i32
      %add3A_266 = arith.addi %mul3A_264, %add3A_265 : i32
      %slice3A_267 = vector.extract_strided_slice %get3A_23 {offsets = [11], sizes = [1], strides = [1]} : vector<16xi32> to vector<1xi32>
      %squeeze3A_268 = vector.extract %slice3A_267[0] : i32 from vector<1xi32>
      %shift_right_arithmetic3A_269 = arith.constant 2 : i32
      %shift_right_arithmetic3A_270 = arith.shrsi %add3A_266, %shift_right_arithmetic3A_269 : i32
      %and3A_271 = arith.constant 3 : i32
      %and3A_272 = arith.andi %add3A_266, %and3A_271 : i32
      %mul3A_273 = arith.constant 32 : i32
      %mul3A_274 = arith.muli %and3A_272, %mul3A_273 : i32
      %dma_start3A_275 = tpu.memref_slice %arg6[%shift_right_arithmetic3A_270, %mul3A_274] : memref<256x128xf32, #tpu.memory_space<vmem>> -> memref<1x32xf32, #tpu.memory_space<vmem>>
      %dma_start3A_276 = tpu.memref_squeeze %dma_start3A_275 : memref<1x32xf32, #tpu.memory_space<vmem>> -> memref<32xf32, #tpu.memory_space<vmem>>
      %dma_start3A_277 = arith.constant 0 : i32
      %dma_start3A_278 = tpu.memref_slice %arg3[%squeeze3A_268, %dma_start3A_277] : memref<1000000x32xf32, #tpu.memory_space<hbm>> -> memref<1x32xf32, #tpu.memory_space<hbm>>
      %dma_start3A_279 = tpu.memref_squeeze %dma_start3A_278 : memref<1x32xf32, #tpu.memory_space<hbm>> -> memref<32xf32, #tpu.memory_space<hbm>>
      %dma_start3A_280 = tpu.memref_slice %arg6[%shift_right_arithmetic3A_270, %mul3A_274] : memref<256x128xf32, #tpu.memory_space<vmem>> -> memref<1x32xf32, #tpu.memory_space<vmem>>
      %dma_start3A_281 = tpu.memref_squeeze %dma_start3A_280 : memref<1x32xf32, #tpu.memory_space<vmem>> -> memref<32xf32, #tpu.memory_space<vmem>>
      %dma_start3A_282 = arith.constant 0 : i32
      %dma_start3A_283 = tpu.memref_slice %arg3[%squeeze3A_268, %dma_start3A_282] : memref<1000000x32xf32, #tpu.memory_space<hbm>> -> memref<1x32xf32, #tpu.memory_space<hbm>>
      %dma_start3A_284 = tpu.memref_squeeze %dma_start3A_283 : memref<1x32xf32, #tpu.memory_space<hbm>> -> memref<32xf32, #tpu.memory_space<hbm>>
      tpu.enqueue_dma source(%dma_start3A_284 : memref<32xf32, #tpu.memory_space<hbm>>) target(%dma_start3A_281 : memref<32xf32, #tpu.memory_space<vmem>>) target_semaphore(%arg9 : memref<!tpu.dma_semaphore, #tpu.memory_space<semaphore_mem>>)
      %mul3A_285 = arith.constant 16 : i32
      %mul3A_286 = arith.muli %scan3A_17, %mul3A_285 : i32
      %add3A_287 = arith.constant 12 : i32
      %add3A_288 = arith.addi %mul3A_286, %add3A_287 : i32
      %slice3A_289 = vector.extract_strided_slice %get3A_23 {offsets = [12], sizes = [1], strides = [1]} : vector<16xi32> to vector<1xi32>
      %squeeze3A_290 = vector.extract %slice3A_289[0] : i32 from vector<1xi32>
      %shift_right_arithmetic3A_291 = arith.constant 2 : i32
      %shift_right_arithmetic3A_292 = arith.shrsi %add3A_288, %shift_right_arithmetic3A_291 : i32
      %and3A_293 = arith.constant 3 : i32
      %and3A_294 = arith.andi %add3A_288, %and3A_293 : i32
      %mul3A_295 = arith.constant 32 : i32
      %mul3A_296 = arith.muli %and3A_294, %mul3A_295 : i32
      %dma_start3A_297 = tpu.memref_slice %arg6[%shift_right_arithmetic3A_292, %mul3A_296] : memref<256x128xf32, #tpu.memory_space<vmem>> -> memref<1x32xf32, #tpu.memory_space<vmem>>
      %dma_start3A_298 = tpu.memref_squeeze %dma_start3A_297 : memref<1x32xf32, #tpu.memory_space<vmem>> -> memref<32xf32, #tpu.memory_space<vmem>>
      %dma_start3A_299 = arith.constant 0 : i32
      %dma_start3A_300 = tpu.memref_slice %arg3[%squeeze3A_290, %dma_start3A_299] : memref<1000000x32xf32, #tpu.memory_space<hbm>> -> memref<1x32xf32, #tpu.memory_space<hbm>>
      %dma_start3A_301 = tpu.memref_squeeze %dma_start3A_300 : memref<1x32xf32, #tpu.memory_space<hbm>> -> memref<32xf32, #tpu.memory_space<hbm>>
      %dma_start3A_302 = tpu.memref_slice %arg6[%shift_right_arithmetic3A_292, %mul3A_296] : memref<256x128xf32, #tpu.memory_space<vmem>> -> memref<1x32xf32, #tpu.memory_space<vmem>>
      %dma_start3A_303 = tpu.memref_squeeze %dma_start3A_302 : memref<1x32xf32, #tpu.memory_space<vmem>> -> memref<32xf32, #tpu.memory_space<vmem>>
      %dma_start3A_304 = arith.constant 0 : i32
      %dma_start3A_305 = tpu.memref_slice %arg3[%squeeze3A_290, %dma_start3A_304] : memref<1000000x32xf32, #tpu.memory_space<hbm>> -> memref<1x32xf32, #tpu.memory_space<hbm>>
      %dma_start3A_306 = tpu.memref_squeeze %dma_start3A_305 : memref<1x32xf32, #tpu.memory_space<hbm>> -> memref<32xf32, #tpu.memory_space<hbm>>
      tpu.enqueue_dma source(%dma_start3A_306 : memref<32xf32, #tpu.memory_space<hbm>>) target(%dma_start3A_303 : memref<32xf32, #tpu.memory_space<vmem>>) target_semaphore(%arg8 : memref<!tpu.dma_semaphore, #tpu.memory_space<semaphore_mem>>)
      %mul3A_307 = arith.constant 16 : i32
      %mul3A_308 = arith.muli %scan3A_17, %mul3A_307 : i32
      %add3A_309 = arith.constant 13 : i32
      %add3A_310 = arith.addi %mul3A_308, %add3A_309 : i32
      %slice3A_311 = vector.extract_strided_slice %get3A_23 {offsets = [13], sizes = [1], strides = [1]} : vector<16xi32> to vector<1xi32>
      %squeeze3A_312 = vector.extract %slice3A_311[0] : i32 from vector<1xi32>
      %shift_right_arithmetic3A_313 = arith.constant 2 : i32
      %shift_right_arithmetic3A_314 = arith.shrsi %add3A_310, %shift_right_arithmetic3A_313 : i32
      %and3A_315 = arith.constant 3 : i32
      %and3A_316 = arith.andi %add3A_310, %and3A_315 : i32
      %mul3A_317 = arith.constant 32 : i32
      %mul3A_318 = arith.muli %and3A_316, %mul3A_317 : i32
      %dma_start3A_319 = tpu.memref_slice %arg6[%shift_right_arithmetic3A_314, %mul3A_318] : memref<256x128xf32, #tpu.memory_space<vmem>> -> memref<1x32xf32, #tpu.memory_space<vmem>>
      %dma_start3A_320 = tpu.memref_squeeze %dma_start3A_319 : memref<1x32xf32, #tpu.memory_space<vmem>> -> memref<32xf32, #tpu.memory_space<vmem>>
      %dma_start3A_321 = arith.constant 0 : i32
      %dma_start3A_322 = tpu.memref_slice %arg3[%squeeze3A_312, %dma_start3A_321] : memref<1000000x32xf32, #tpu.memory_space<hbm>> -> memref<1x32xf32, #tpu.memory_space<hbm>>
      %dma_start3A_323 = tpu.memref_squeeze %dma_start3A_322 : memref<1x32xf32, #tpu.memory_space<hbm>> -> memref<32xf32, #tpu.memory_space<hbm>>
      %dma_start3A_324 = tpu.memref_slice %arg6[%shift_right_arithmetic3A_314, %mul3A_318] : memref<256x128xf32, #tpu.memory_space<vmem>> -> memref<1x32xf32, #tpu.memory_space<vmem>>
      %dma_start3A_325 = tpu.memref_squeeze %dma_start3A_324 : memref<1x32xf32, #tpu.memory_space<vmem>> -> memref<32xf32, #tpu.memory_space<vmem>>
      %dma_start3A_326 = arith.constant 0 : i32
      %dma_start3A_327 = tpu.memref_slice %arg3[%squeeze3A_312, %dma_start3A_326] : memref<1000000x32xf32, #tpu.memory_space<hbm>> -> memref<1x32xf32, #tpu.memory_space<hbm>>
      %dma_start3A_328 = tpu.memref_squeeze %dma_start3A_327 : memref<1x32xf32, #tpu.memory_space<hbm>> -> memref<32xf32, #tpu.memory_space<hbm>>
      tpu.enqueue_dma source(%dma_start3A_328 : memref<32xf32, #tpu.memory_space<hbm>>) target(%dma_start3A_325 : memref<32xf32, #tpu.memory_space<vmem>>) target_semaphore(%arg9 : memref<!tpu.dma_semaphore, #tpu.memory_space<semaphore_mem>>)
      %mul3A_329 = arith.constant 16 : i32
      %mul3A_330 = arith.muli %scan3A_17, %mul3A_329 : i32
      %add3A_331 = arith.constant 14 : i32
      %add3A_332 = arith.addi %mul3A_330, %add3A_331 : i32
      %slice3A_333 = vector.extract_strided_slice %get3A_23 {offsets = [14], sizes = [1], strides = [1]} : vector<16xi32> to vector<1xi32>
      %squeeze3A_334 = vector.extract %slice3A_333[0] : i32 from vector<1xi32>
      %shift_right_arithmetic3A_335 = arith.constant 2 : i32
      %shift_right_arithmetic3A_336 = arith.shrsi %add3A_332, %shift_right_arithmetic3A_335 : i32
      %and3A_337 = arith.constant 3 : i32
      %and3A_338 = arith.andi %add3A_332, %and3A_337 : i32
      %mul3A_339 = arith.constant 32 : i32
      %mul3A_340 = arith.muli %and3A_338, %mul3A_339 : i32
      %dma_start3A_341 = tpu.memref_slice %arg6[%shift_right_arithmetic3A_336, %mul3A_340] : memref<256x128xf32, #tpu.memory_space<vmem>> -> memref<1x32xf32, #tpu.memory_space<vmem>>
      %dma_start3A_342 = tpu.memref_squeeze %dma_start3A_341 : memref<1x32xf32, #tpu.memory_space<vmem>> -> memref<32xf32, #tpu.memory_space<vmem>>
      %dma_start3A_343 = arith.constant 0 : i32
      %dma_start3A_344 = tpu.memref_slice %arg3[%squeeze3A_334, %dma_start3A_343] : memref<1000000x32xf32, #tpu.memory_space<hbm>> -> memref<1x32xf32, #tpu.memory_space<hbm>>
      %dma_start3A_345 = tpu.memref_squeeze %dma_start3A_344 : memref<1x32xf32, #tpu.memory_space<hbm>> -> memref<32xf32, #tpu.memory_space<hbm>>
      %dma_start3A_346 = tpu.memref_slice %arg6[%shift_right_arithmetic3A_336, %mul3A_340] : memref<256x128xf32, #tpu.memory_space<vmem>> -> memref<1x32xf32, #tpu.memory_space<vmem>>
      %dma_start3A_347 = tpu.memref_squeeze %dma_start3A_346 : memref<1x32xf32, #tpu.memory_space<vmem>> -> memref<32xf32, #tpu.memory_space<vmem>>
      %dma_start3A_348 = arith.constant 0 : i32
      %dma_start3A_349 = tpu.memref_slice %arg3[%squeeze3A_334, %dma_start3A_348] : memref<1000000x32xf32, #tpu.memory_space<hbm>> -> memref<1x32xf32, #tpu.memory_space<hbm>>
      %dma_start3A_350 = tpu.memref_squeeze %dma_start3A_349 : memref<1x32xf32, #tpu.memory_space<hbm>> -> memref<32xf32, #tpu.memory_space<hbm>>
      tpu.enqueue_dma source(%dma_start3A_350 : memref<32xf32, #tpu.memory_space<hbm>>) target(%dma_start3A_347 : memref<32xf32, #tpu.memory_space<vmem>>) target_semaphore(%arg8 : memref<!tpu.dma_semaphore, #tpu.memory_space<semaphore_mem>>)
      %mul3A_351 = arith.constant 16 : i32
      %mul3A_352 = arith.muli %scan3A_17, %mul3A_351 : i32
      %add3A_353 = arith.constant 15 : i32
      %add3A_354 = arith.addi %mul3A_352, %add3A_353 : i32
      %slice3A_355 = vector.extract_strided_slice %get3A_23 {offsets = [15], sizes = [1], strides = [1]} : vector<16xi32> to vector<1xi32>
      %squeeze3A_356 = vector.extract %slice3A_355[0] : i32 from vector<1xi32>
      %shift_right_arithmetic3A_357 = arith.constant 2 : i32
      %shift_right_arithmetic3A_358 = arith.shrsi %add3A_354, %shift_right_arithmetic3A_357 : i32
      %and3A_359 = arith.constant 3 : i32
      %and3A_360 = arith.andi %add3A_354, %and3A_359 : i32
      %mul3A_361 = arith.constant 32 : i32
      %mul3A_362 = arith.muli %and3A_360, %mul3A_361 : i32
      %dma_start3A_363 = tpu.memref_slice %arg6[%shift_right_arithmetic3A_358, %mul3A_362] : memref<256x128xf32, #tpu.memory_space<vmem>> -> memref<1x32xf32, #tpu.memory_space<vmem>>
      %dma_start3A_364 = tpu.memref_squeeze %dma_start3A_363 : memref<1x32xf32, #tpu.memory_space<vmem>> -> memref<32xf32, #tpu.memory_space<vmem>>
      %dma_start3A_365 = arith.constant 0 : i32
      %dma_start3A_366 = tpu.memref_slice %arg3[%squeeze3A_356, %dma_start3A_365] : memref<1000000x32xf32, #tpu.memory_space<hbm>> -> memref<1x32xf32, #tpu.memory_space<hbm>>
      %dma_start3A_367 = tpu.memref_squeeze %dma_start3A_366 : memref<1x32xf32, #tpu.memory_space<hbm>> -> memref<32xf32, #tpu.memory_space<hbm>>
      %dma_start3A_368 = tpu.memref_slice %arg6[%shift_right_arithmetic3A_358, %mul3A_362] : memref<256x128xf32, #tpu.memory_space<vmem>> -> memref<1x32xf32, #tpu.memory_space<vmem>>
      %dma_start3A_369 = tpu.memref_squeeze %dma_start3A_368 : memref<1x32xf32, #tpu.memory_space<vmem>> -> memref<32xf32, #tpu.memory_space<vmem>>
      %dma_start3A_370 = arith.constant 0 : i32
      %dma_start3A_371 = tpu.memref_slice %arg3[%squeeze3A_356, %dma_start3A_370] : memref<1000000x32xf32, #tpu.memory_space<hbm>> -> memref<1x32xf32, #tpu.memory_space<hbm>>
      %dma_start3A_372 = tpu.memref_squeeze %dma_start3A_371 : memref<1x32xf32, #tpu.memory_space<hbm>> -> memref<32xf32, #tpu.memory_space<hbm>>
      tpu.enqueue_dma source(%dma_start3A_372 : memref<32xf32, #tpu.memory_space<hbm>>) target(%dma_start3A_369 : memref<32xf32, #tpu.memory_space<vmem>>) target_semaphore(%arg9 : memref<!tpu.dma_semaphore, #tpu.memory_space<semaphore_mem>>)
    }
    %scan3A_4 = arith.constant 64 : i32
    %scan3A_5 = arith.constant 0 : i32
    %scan3A_6 = arith.constant 512 : i32
    %scan3A_7 = arith.addi %scan3A_5, %scan3A_6 : i32
    %scan3A_8 = arith.constant 1 : i32
    scf.for %scan3A_17 = %scan3A_5 to %scan3A_7 step %scan3A_8  : i32 {
      %dma_wait3A = arith.constant 0 : i32
      %dma_wait3A_18 = arith.constant 0 : i32
      %dma_wait3A_19 = arith.constant 0 : i32
      %dma_wait3A_20 = tpu.memref_slice %arg6[%dma_wait3A_18, %dma_wait3A_19] : memref<256x128xf32, #tpu.memory_space<vmem>> -> memref<1x32xf32, #tpu.memory_space<vmem>>
      %dma_wait3A_21 = tpu.memref_squeeze %dma_wait3A_20 : memref<1x32xf32, #tpu.memory_space<vmem>> -> memref<32xf32, #tpu.memory_space<vmem>>
      %dma_wait3A_22 = arith.constant 0 : i32
      %dma_wait3A_23 = tpu.memref_slice %arg3[%dma_wait3A, %dma_wait3A_22] : memref<1000000x32xf32, #tpu.memory_space<hbm>> -> memref<1x32xf32, #tpu.memory_space<hbm>>
      %dma_wait3A_24 = tpu.memref_squeeze %dma_wait3A_23 : memref<1x32xf32, #tpu.memory_space<hbm>> -> memref<32xf32, #tpu.memory_space<hbm>>
      %dma_wait3A_25 = arith.constant 0 : i32
      %dma_wait3A_26 = tpu.memref_slice %arg6[%dma_wait3A_18, %dma_wait3A_25] : memref<256x128xf32, #tpu.memory_space<vmem>> -> memref<1x32xf32, #tpu.memory_space<vmem>>
      %dma_wait3A_27 = tpu.memref_squeeze %dma_wait3A_26 : memref<1x32xf32, #tpu.memory_space<vmem>> -> memref<32xf32, #tpu.memory_space<vmem>>
      %dma_wait3A_28 = arith.constant 0 : i32
      %dma_wait3A_29 = tpu.memref_slice %arg3[%dma_wait3A, %dma_wait3A_28] : memref<1000000x32xf32, #tpu.memory_space<hbm>> -> memref<1x32xf32, #tpu.memory_space<hbm>>
      %dma_wait3A_30 = tpu.memref_squeeze %dma_wait3A_29 : memref<1x32xf32, #tpu.memory_space<hbm>> -> memref<32xf32, #tpu.memory_space<hbm>>
      tpu.wait_dma2 semaphore(%arg8 : memref<!tpu.dma_semaphore, #tpu.memory_space<semaphore_mem>>) src(%dma_wait3A_30 : memref<32xf32, #tpu.memory_space<hbm>>) dst(%dma_wait3A_27 : memref<32xf32, #tpu.memory_space<vmem>>)
      %dma_wait3A_31 = arith.constant 0 : i32
      %dma_wait3A_32 = arith.constant 0 : i32
      %dma_wait3A_33 = arith.constant 0 : i32
      %dma_wait3A_34 = tpu.memref_slice %arg6[%dma_wait3A_32, %dma_wait3A_33] : memref<256x128xf32, #tpu.memory_space<vmem>> -> memref<1x32xf32, #tpu.memory_space<vmem>>
      %dma_wait3A_35 = tpu.memref_squeeze %dma_wait3A_34 : memref<1x32xf32, #tpu.memory_space<vmem>> -> memref<32xf32, #tpu.memory_space<vmem>>
      %dma_wait3A_36 = arith.constant 0 : i32
      %dma_wait3A_37 = tpu.memref_slice %arg3[%dma_wait3A_31, %dma_wait3A_36] : memref<1000000x32xf32, #tpu.memory_space<hbm>> -> memref<1x32xf32, #tpu.memory_space<hbm>>
      %dma_wait3A_38 = tpu.memref_squeeze %dma_wait3A_37 : memref<1x32xf32, #tpu.memory_space<hbm>> -> memref<32xf32, #tpu.memory_space<hbm>>
      %dma_wait3A_39 = arith.constant 0 : i32
      %dma_wait3A_40 = tpu.memref_slice %arg6[%dma_wait3A_32, %dma_wait3A_39] : memref<256x128xf32, #tpu.memory_space<vmem>> -> memref<1x32xf32, #tpu.memory_space<vmem>>
      %dma_wait3A_41 = tpu.memref_squeeze %dma_wait3A_40 : memref<1x32xf32, #tpu.memory_space<vmem>> -> memref<32xf32, #tpu.memory_space<vmem>>
      %dma_wait3A_42 = arith.constant 0 : i32
      %dma_wait3A_43 = tpu.memref_slice %arg3[%dma_wait3A_31, %dma_wait3A_42] : memref<1000000x32xf32, #tpu.memory_space<hbm>> -> memref<1x32xf32, #tpu.memory_space<hbm>>
      %dma_wait3A_44 = tpu.memref_squeeze %dma_wait3A_43 : memref<1x32xf32, #tpu.memory_space<hbm>> -> memref<32xf32, #tpu.memory_space<hbm>>
      tpu.wait_dma2 semaphore(%arg9 : memref<!tpu.dma_semaphore, #tpu.memory_space<semaphore_mem>>) src(%dma_wait3A_44 : memref<32xf32, #tpu.memory_space<hbm>>) dst(%dma_wait3A_41 : memref<32xf32, #tpu.memory_space<vmem>>)
    }
    %scan3A_9 = arith.constant 512 : i32
    %iota3A = tpu.iota {dimensions = array<i32: 0>} : vector<16xi32>
    %scan3A_10 = arith.constant 0 : i32
    %scan3A_11 = arith.constant 32 : i32
    %scan3A_12 = arith.addi %scan3A_10, %scan3A_11 : i32
    %scan3A_13 = arith.constant 1 : i32
    scf.for %scan3A_17 = %scan3A_10 to %scan3A_12 step %scan3A_13  : i32 {
      %mul3A_18 = arith.constant 512 : i32
      %mul3A_19 = arith.muli %scan3A_17, %mul3A_18 : i32
      %mul3A_20 = arith.constant 32 : i32
      %mul3A_21 = vector.broadcast %mul3A_20 : i32 to vector<16xi32>
      %mul3A_22 = arith.muli %mul3A_21, %iota3A : vector<16xi32>
      %add3A_23 = vector.broadcast %mul3A_19 : i32 to vector<16xi32>
      %add3A_24 = arith.addi %add3A_23, %mul3A_22 : vector<16xi32>
      %add3A_25 = arith.constant 16384 : i32
      %add3A_26 = vector.broadcast %add3A_25 : i32 to vector<16xi32>
      %add3A_27 = arith.addi %add3A_24, %add3A_26 : vector<16xi32>
      %broadcast_in_dim3A = arith.constant 0.000000e+00 : f32
      %broadcast_in_dim3A_28 = vector.broadcast %broadcast_in_dim3A : f32 to vector<16xf32>
      %broadcast_in_dim3A_29 = arith.constant 0.000000e+00 : f32
      %broadcast_in_dim3A_30 = vector.broadcast %broadcast_in_dim3A_29 : f32 to vector<16xf32>
      %broadcast_in_dim3A_31 = arith.constant 0.000000e+00 : f32
      %broadcast_in_dim3A_32 = vector.broadcast %broadcast_in_dim3A_31 : f32 to vector<16xf32>
      %add3A_33 = arith.constant 0 : i32
      %add3A_34 = vector.broadcast %add3A_33 : i32 to vector<16xi32>
      %add3A_35 = arith.addi %iota3A, %add3A_34 : vector<16xi32>
      %and3A = arith.constant 31 : i32
      %and3A_36 = vector.broadcast %and3A : i32 to vector<16xi32>
      %and3A_37 = arith.andi %add3A_35, %and3A_36 : vector<16xi32>
      %add3A_38 = arith.addi %add3A_24, %and3A_37 : vector<16xi32>
      %add3A_39 = arith.addi %add3A_27, %and3A_37 : vector<16xi32>
      %shift_right_arithmetic3A = arith.constant 7 : i32
      %shift_right_arithmetic3A_40 = vector.broadcast %shift_right_arithmetic3A : i32 to vector<16xi32>
      %shift_right_arithmetic3A_41 = arith.shrsi %add3A_38, %shift_right_arithmetic3A_40 : vector<16xi32>
      %and3A_42 = arith.constant 127 : i32
      %and3A_43 = vector.broadcast %and3A_42 : i32 to vector<16xi32>
      %and3A_44 = arith.andi %add3A_38, %and3A_43 : vector<16xi32>
      %gather3A = tpu.vector_load_idx %arg6[%shift_right_arithmetic3A_41, %and3A_44] : memref<256x128xf32, #tpu.memory_space<vmem>>[vector<16xi32>, vector<16xi32>], vector<16xf32>,
      %shift_right_arithmetic3A_45 = arith.constant 7 : i32
      %shift_right_arithmetic3A_46 = vector.broadcast %shift_right_arithmetic3A_45 : i32 to vector<16xi32>
      %shift_right_arithmetic3A_47 = arith.shrsi %add3A_39, %shift_right_arithmetic3A_46 : vector<16xi32>
      %and3A_48 = arith.constant 127 : i32
      %and3A_49 = vector.broadcast %and3A_48 : i32 to vector<16xi32>
      %and3A_50 = arith.andi %add3A_39, %and3A_49 : vector<16xi32>
      %gather3A_51 = tpu.vector_load_idx %arg6[%shift_right_arithmetic3A_47, %and3A_50] : memref<256x128xf32, #tpu.memory_space<vmem>>[vector<16xi32>, vector<16xi32>], vector<16xf32>,
      %mul3A_52 = arith.mulf %gather3A, %gather3A_51 : vector<16xf32>
      %add3A_53 = arith.addf %broadcast_in_dim3A_28, %mul3A_52 : vector<16xf32>
      %mul3A_54 = arith.mulf %gather3A, %gather3A : vector<16xf32>
      %add3A_55 = arith.addf %broadcast_in_dim3A_30, %mul3A_54 : vector<16xf32>
      %mul3A_56 = arith.mulf %gather3A_51, %gather3A_51 : vector<16xf32>
      %add3A_57 = arith.addf %broadcast_in_dim3A_32, %mul3A_56 : vector<16xf32>
      %add3A_58 = arith.constant 1 : i32
      %add3A_59 = vector.broadcast %add3A_58 : i32 to vector<16xi32>
      %add3A_60 = arith.addi %iota3A, %add3A_59 : vector<16xi32>
      %and3A_61 = arith.constant 31 : i32
      %and3A_62 = vector.broadcast %and3A_61 : i32 to vector<16xi32>
      %and3A_63 = arith.andi %add3A_60, %and3A_62 : vector<16xi32>
      %add3A_64 = arith.addi %add3A_24, %and3A_63 : vector<16xi32>
      %add3A_65 = arith.addi %add3A_27, %and3A_63 : vector<16xi32>
      %shift_right_arithmetic3A_66 = arith.constant 7 : i32
      %shift_right_arithmetic3A_67 = vector.broadcast %shift_right_arithmetic3A_66 : i32 to vector<16xi32>
      %shift_right_arithmetic3A_68 = arith.shrsi %add3A_64, %shift_right_arithmetic3A_67 : vector<16xi32>
      %and3A_69 = arith.constant 127 : i32
      %and3A_70 = vector.broadcast %and3A_69 : i32 to vector<16xi32>
      %and3A_71 = arith.andi %add3A_64, %and3A_70 : vector<16xi32>
      %gather3A_72 = tpu.vector_load_idx %arg6[%shift_right_arithmetic3A_68, %and3A_71] : memref<256x128xf32, #tpu.memory_space<vmem>>[vector<16xi32>, vector<16xi32>], vector<16xf32>,
      %shift_right_arithmetic3A_73 = arith.constant 7 : i32
      %shift_right_arithmetic3A_74 = vector.broadcast %shift_right_arithmetic3A_73 : i32 to vector<16xi32>
      %shift_right_arithmetic3A_75 = arith.shrsi %add3A_65, %shift_right_arithmetic3A_74 : vector<16xi32>
      %and3A_76 = arith.constant 127 : i32
      %and3A_77 = vector.broadcast %and3A_76 : i32 to vector<16xi32>
      %and3A_78 = arith.andi %add3A_65, %and3A_77 : vector<16xi32>
      %gather3A_79 = tpu.vector_load_idx %arg6[%shift_right_arithmetic3A_75, %and3A_78] : memref<256x128xf32, #tpu.memory_space<vmem>>[vector<16xi32>, vector<16xi32>], vector<16xf32>,
      %mul3A_80 = arith.mulf %gather3A_72, %gather3A_79 : vector<16xf32>
      %add3A_81 = arith.addf %add3A_53, %mul3A_80 : vector<16xf32>
      %mul3A_82 = arith.mulf %gather3A_72, %gather3A_72 : vector<16xf32>
      %add3A_83 = arith.addf %add3A_55, %mul3A_82 : vector<16xf32>
      %mul3A_84 = arith.mulf %gather3A_79, %gather3A_79 : vector<16xf32>
      %add3A_85 = arith.addf %add3A_57, %mul3A_84 : vector<16xf32>
      %add3A_86 = arith.constant 2 : i32
      %add3A_87 = vector.broadcast %add3A_86 : i32 to vector<16xi32>
      %add3A_88 = arith.addi %iota3A, %add3A_87 : vector<16xi32>
      %and3A_89 = arith.constant 31 : i32
      %and3A_90 = vector.broadcast %and3A_89 : i32 to vector<16xi32>
      %and3A_91 = arith.andi %add3A_88, %and3A_90 : vector<16xi32>
      %add3A_92 = arith.addi %add3A_24, %and3A_91 : vector<16xi32>
      %add3A_93 = arith.addi %add3A_27, %and3A_91 : vector<16xi32>
      %shift_right_arithmetic3A_94 = arith.constant 7 : i32
      %shift_right_arithmetic3A_95 = vector.broadcast %shift_right_arithmetic3A_94 : i32 to vector<16xi32>
      %shift_right_arithmetic3A_96 = arith.shrsi %add3A_92, %shift_right_arithmetic3A_95 : vector<16xi32>
      %and3A_97 = arith.constant 127 : i32
      %and3A_98 = vector.broadcast %and3A_97 : i32 to vector<16xi32>
      %and3A_99 = arith.andi %add3A_92, %and3A_98 : vector<16xi32>
      %gather3A_100 = tpu.vector_load_idx %arg6[%shift_right_arithmetic3A_96, %and3A_99] : memref<256x128xf32, #tpu.memory_space<vmem>>[vector<16xi32>, vector<16xi32>], vector<16xf32>,
      %shift_right_arithmetic3A_101 = arith.constant 7 : i32
      %shift_right_arithmetic3A_102 = vector.broadcast %shift_right_arithmetic3A_101 : i32 to vector<16xi32>
      %shift_right_arithmetic3A_103 = arith.shrsi %add3A_93, %shift_right_arithmetic3A_102 : vector<16xi32>
      %and3A_104 = arith.constant 127 : i32
      %and3A_105 = vector.broadcast %and3A_104 : i32 to vector<16xi32>
      %and3A_106 = arith.andi %add3A_93, %and3A_105 : vector<16xi32>
      %gather3A_107 = tpu.vector_load_idx %arg6[%shift_right_arithmetic3A_103, %and3A_106] : memref<256x128xf32, #tpu.memory_space<vmem>>[vector<16xi32>, vector<16xi32>], vector<16xf32>,
      %mul3A_108 = arith.mulf %gather3A_100, %gather3A_107 : vector<16xf32>
      %add3A_109 = arith.addf %add3A_81, %mul3A_108 : vector<16xf32>
      %mul3A_110 = arith.mulf %gather3A_100, %gather3A_100 : vector<16xf32>
      %add3A_111 = arith.addf %add3A_83, %mul3A_110 : vector<16xf32>
      %mul3A_112 = arith.mulf %gather3A_107, %gather3A_107 : vector<16xf32>
      %add3A_113 = arith.addf %add3A_85, %mul3A_112 : vector<16xf32>
      %add3A_114 = arith.constant 3 : i32
      %add3A_115 = vector.broadcast %add3A_114 : i32 to vector<16xi32>
      %add3A_116 = arith.addi %iota3A, %add3A_115 : vector<16xi32>
      %and3A_117 = arith.constant 31 : i32
      %and3A_118 = vector.broadcast %and3A_117 : i32 to vector<16xi32>
      %and3A_119 = arith.andi %add3A_116, %and3A_118 : vector<16xi32>
      %add3A_120 = arith.addi %add3A_24, %and3A_119 : vector<16xi32>
      %add3A_121 = arith.addi %add3A_27, %and3A_119 : vector<16xi32>
      %shift_right_arithmetic3A_122 = arith.constant 7 : i32
      %shift_right_arithmetic3A_123 = vector.broadcast %shift_right_arithmetic3A_122 : i32 to vector<16xi32>
      %shift_right_arithmetic3A_124 = arith.shrsi %add3A_120, %shift_right_arithmetic3A_123 : vector<16xi32>
      %and3A_125 = arith.constant 127 : i32
      %and3A_126 = vector.broadcast %and3A_125 : i32 to vector<16xi32>
      %and3A_127 = arith.andi %add3A_120, %and3A_126 : vector<16xi32>
      %gather3A_128 = tpu.vector_load_idx %arg6[%shift_right_arithmetic3A_124, %and3A_127] : memref<256x128xf32, #tpu.memory_space<vmem>>[vector<16xi32>, vector<16xi32>], vector<16xf32>,
      %shift_right_arithmetic3A_129 = arith.constant 7 : i32
      %shift_right_arithmetic3A_130 = vector.broadcast %shift_right_arithmetic3A_129 : i32 to vector<16xi32>
      %shift_right_arithmetic3A_131 = arith.shrsi %add3A_121, %shift_right_arithmetic3A_130 : vector<16xi32>
      %and3A_132 = arith.constant 127 : i32
      %and3A_133 = vector.broadcast %and3A_132 : i32 to vector<16xi32>
      %and3A_134 = arith.andi %add3A_121, %and3A_133 : vector<16xi32>
      %gather3A_135 = tpu.vector_load_idx %arg6[%shift_right_arithmetic3A_131, %and3A_134] : memref<256x128xf32, #tpu.memory_space<vmem>>[vector<16xi32>, vector<16xi32>], vector<16xf32>,
      %mul3A_136 = arith.mulf %gather3A_128, %gather3A_135 : vector<16xf32>
      %add3A_137 = arith.addf %add3A_109, %mul3A_136 : vector<16xf32>
      %mul3A_138 = arith.mulf %gather3A_128, %gather3A_128 : vector<16xf32>
      %add3A_139 = arith.addf %add3A_111, %mul3A_138 : vector<16xf32>
      %mul3A_140 = arith.mulf %gather3A_135, %gather3A_135 : vector<16xf32>
      %add3A_141 = arith.addf %add3A_113, %mul3A_140 : vector<16xf32>
      %add3A_142 = arith.constant 4 : i32
      %add3A_143 = vector.broadcast %add3A_142 : i32 to vector<16xi32>
      %add3A_144 = arith.addi %iota3A, %add3A_143 : vector<16xi32>
      %and3A_145 = arith.constant 31 : i32
      %and3A_146 = vector.broadcast %and3A_145 : i32 to vector<16xi32>
      %and3A_147 = arith.andi %add3A_144, %and3A_146 : vector<16xi32>
      %add3A_148 = arith.addi %add3A_24, %and3A_147 : vector<16xi32>
      %add3A_149 = arith.addi %add3A_27, %and3A_147 : vector<16xi32>
      %shift_right_arithmetic3A_150 = arith.constant 7 : i32
      %shift_right_arithmetic3A_151 = vector.broadcast %shift_right_arithmetic3A_150 : i32 to vector<16xi32>
      %shift_right_arithmetic3A_152 = arith.shrsi %add3A_148, %shift_right_arithmetic3A_151 : vector<16xi32>
      %and3A_153 = arith.constant 127 : i32
      %and3A_154 = vector.broadcast %and3A_153 : i32 to vector<16xi32>
      %and3A_155 = arith.andi %add3A_148, %and3A_154 : vector<16xi32>
      %gather3A_156 = tpu.vector_load_idx %arg6[%shift_right_arithmetic3A_152, %and3A_155] : memref<256x128xf32, #tpu.memory_space<vmem>>[vector<16xi32>, vector<16xi32>], vector<16xf32>,
      %shift_right_arithmetic3A_157 = arith.constant 7 : i32
      %shift_right_arithmetic3A_158 = vector.broadcast %shift_right_arithmetic3A_157 : i32 to vector<16xi32>
      %shift_right_arithmetic3A_159 = arith.shrsi %add3A_149, %shift_right_arithmetic3A_158 : vector<16xi32>
      %and3A_160 = arith.constant 127 : i32
      %and3A_161 = vector.broadcast %and3A_160 : i32 to vector<16xi32>
      %and3A_162 = arith.andi %add3A_149, %and3A_161 : vector<16xi32>
      %gather3A_163 = tpu.vector_load_idx %arg6[%shift_right_arithmetic3A_159, %and3A_162] : memref<256x128xf32, #tpu.memory_space<vmem>>[vector<16xi32>, vector<16xi32>], vector<16xf32>,
      %mul3A_164 = arith.mulf %gather3A_156, %gather3A_163 : vector<16xf32>
      %add3A_165 = arith.addf %add3A_137, %mul3A_164 : vector<16xf32>
      %mul3A_166 = arith.mulf %gather3A_156, %gather3A_156 : vector<16xf32>
      %add3A_167 = arith.addf %add3A_139, %mul3A_166 : vector<16xf32>
      %mul3A_168 = arith.mulf %gather3A_163, %gather3A_163 : vector<16xf32>
      %add3A_169 = arith.addf %add3A_141, %mul3A_168 : vector<16xf32>
      %add3A_170 = arith.constant 5 : i32
      %add3A_171 = vector.broadcast %add3A_170 : i32 to vector<16xi32>
      %add3A_172 = arith.addi %iota3A, %add3A_171 : vector<16xi32>
      %and3A_173 = arith.constant 31 : i32
      %and3A_174 = vector.broadcast %and3A_173 : i32 to vector<16xi32>
      %and3A_175 = arith.andi %add3A_172, %and3A_174 : vector<16xi32>
      %add3A_176 = arith.addi %add3A_24, %and3A_175 : vector<16xi32>
      %add3A_177 = arith.addi %add3A_27, %and3A_175 : vector<16xi32>
      %shift_right_arithmetic3A_178 = arith.constant 7 : i32
      %shift_right_arithmetic3A_179 = vector.broadcast %shift_right_arithmetic3A_178 : i32 to vector<16xi32>
      %shift_right_arithmetic3A_180 = arith.shrsi %add3A_176, %shift_right_arithmetic3A_179 : vector<16xi32>
      %and3A_181 = arith.constant 127 : i32
      %and3A_182 = vector.broadcast %and3A_181 : i32 to vector<16xi32>
      %and3A_183 = arith.andi %add3A_176, %and3A_182 : vector<16xi32>
      %gather3A_184 = tpu.vector_load_idx %arg6[%shift_right_arithmetic3A_180, %and3A_183] : memref<256x128xf32, #tpu.memory_space<vmem>>[vector<16xi32>, vector<16xi32>], vector<16xf32>,
      %shift_right_arithmetic3A_185 = arith.constant 7 : i32
      %shift_right_arithmetic3A_186 = vector.broadcast %shift_right_arithmetic3A_185 : i32 to vector<16xi32>
      %shift_right_arithmetic3A_187 = arith.shrsi %add3A_177, %shift_right_arithmetic3A_186 : vector<16xi32>
      %and3A_188 = arith.constant 127 : i32
      %and3A_189 = vector.broadcast %and3A_188 : i32 to vector<16xi32>
      %and3A_190 = arith.andi %add3A_177, %and3A_189 : vector<16xi32>
      %gather3A_191 = tpu.vector_load_idx %arg6[%shift_right_arithmetic3A_187, %and3A_190] : memref<256x128xf32, #tpu.memory_space<vmem>>[vector<16xi32>, vector<16xi32>], vector<16xf32>,
      %mul3A_192 = arith.mulf %gather3A_184, %gather3A_191 : vector<16xf32>
      %add3A_193 = arith.addf %add3A_165, %mul3A_192 : vector<16xf32>
      %mul3A_194 = arith.mulf %gather3A_184, %gather3A_184 : vector<16xf32>
      %add3A_195 = arith.addf %add3A_167, %mul3A_194 : vector<16xf32>
      %mul3A_196 = arith.mulf %gather3A_191, %gather3A_191 : vector<16xf32>
      %add3A_197 = arith.addf %add3A_169, %mul3A_196 : vector<16xf32>
      %add3A_198 = arith.constant 6 : i32
      %add3A_199 = vector.broadcast %add3A_198 : i32 to vector<16xi32>
      %add3A_200 = arith.addi %iota3A, %add3A_199 : vector<16xi32>
      %and3A_201 = arith.constant 31 : i32
      %and3A_202 = vector.broadcast %and3A_201 : i32 to vector<16xi32>
      %and3A_203 = arith.andi %add3A_200, %and3A_202 : vector<16xi32>
      %add3A_204 = arith.addi %add3A_24, %and3A_203 : vector<16xi32>
      %add3A_205 = arith.addi %add3A_27, %and3A_203 : vector<16xi32>
      %shift_right_arithmetic3A_206 = arith.constant 7 : i32
      %shift_right_arithmetic3A_207 = vector.broadcast %shift_right_arithmetic3A_206 : i32 to vector<16xi32>
      %shift_right_arithmetic3A_208 = arith.shrsi %add3A_204, %shift_right_arithmetic3A_207 : vector<16xi32>
      %and3A_209 = arith.constant 127 : i32
      %and3A_210 = vector.broadcast %and3A_209 : i32 to vector<16xi32>
      %and3A_211 = arith.andi %add3A_204, %and3A_210 : vector<16xi32>
      %gather3A_212 = tpu.vector_load_idx %arg6[%shift_right_arithmetic3A_208, %and3A_211] : memref<256x128xf32, #tpu.memory_space<vmem>>[vector<16xi32>, vector<16xi32>], vector<16xf32>,
      %shift_right_arithmetic3A_213 = arith.constant 7 : i32
      %shift_right_arithmetic3A_214 = vector.broadcast %shift_right_arithmetic3A_213 : i32 to vector<16xi32>
      %shift_right_arithmetic3A_215 = arith.shrsi %add3A_205, %shift_right_arithmetic3A_214 : vector<16xi32>
      %and3A_216 = arith.constant 127 : i32
      %and3A_217 = vector.broadcast %and3A_216 : i32 to vector<16xi32>
      %and3A_218 = arith.andi %add3A_205, %and3A_217 : vector<16xi32>
      %gather3A_219 = tpu.vector_load_idx %arg6[%shift_right_arithmetic3A_215, %and3A_218] : memref<256x128xf32, #tpu.memory_space<vmem>>[vector<16xi32>, vector<16xi32>], vector<16xf32>,
      %mul3A_220 = arith.mulf %gather3A_212, %gather3A_219 : vector<16xf32>
      %add3A_221 = arith.addf %add3A_193, %mul3A_220 : vector<16xf32>
      %mul3A_222 = arith.mulf %gather3A_212, %gather3A_212 : vector<16xf32>
      %add3A_223 = arith.addf %add3A_195, %mul3A_222 : vector<16xf32>
      %mul3A_224 = arith.mulf %gather3A_219, %gather3A_219 : vector<16xf32>
      %add3A_225 = arith.addf %add3A_197, %mul3A_224 : vector<16xf32>
      %add3A_226 = arith.constant 7 : i32
      %add3A_227 = vector.broadcast %add3A_226 : i32 to vector<16xi32>
      %add3A_228 = arith.addi %iota3A, %add3A_227 : vector<16xi32>
      %and3A_229 = arith.constant 31 : i32
      %and3A_230 = vector.broadcast %and3A_229 : i32 to vector<16xi32>
      %and3A_231 = arith.andi %add3A_228, %and3A_230 : vector<16xi32>
      %add3A_232 = arith.addi %add3A_24, %and3A_231 : vector<16xi32>
      %add3A_233 = arith.addi %add3A_27, %and3A_231 : vector<16xi32>
      %shift_right_arithmetic3A_234 = arith.constant 7 : i32
      %shift_right_arithmetic3A_235 = vector.broadcast %shift_right_arithmetic3A_234 : i32 to vector<16xi32>
      %shift_right_arithmetic3A_236 = arith.shrsi %add3A_232, %shift_right_arithmetic3A_235 : vector<16xi32>
      %and3A_237 = arith.constant 127 : i32
      %and3A_238 = vector.broadcast %and3A_237 : i32 to vector<16xi32>
      %and3A_239 = arith.andi %add3A_232, %and3A_238 : vector<16xi32>
      %gather3A_240 = tpu.vector_load_idx %arg6[%shift_right_arithmetic3A_236, %and3A_239] : memref<256x128xf32, #tpu.memory_space<vmem>>[vector<16xi32>, vector<16xi32>], vector<16xf32>,
      %shift_right_arithmetic3A_241 = arith.constant 7 : i32
      %shift_right_arithmetic3A_242 = vector.broadcast %shift_right_arithmetic3A_241 : i32 to vector<16xi32>
      %shift_right_arithmetic3A_243 = arith.shrsi %add3A_233, %shift_right_arithmetic3A_242 : vector<16xi32>
      %and3A_244 = arith.constant 127 : i32
      %and3A_245 = vector.broadcast %and3A_244 : i32 to vector<16xi32>
      %and3A_246 = arith.andi %add3A_233, %and3A_245 : vector<16xi32>
      %gather3A_247 = tpu.vector_load_idx %arg6[%shift_right_arithmetic3A_243, %and3A_246] : memref<256x128xf32, #tpu.memory_space<vmem>>[vector<16xi32>, vector<16xi32>], vector<16xf32>,
      %mul3A_248 = arith.mulf %gather3A_240, %gather3A_247 : vector<16xf32>
      %add3A_249 = arith.addf %add3A_221, %mul3A_248 : vector<16xf32>
      %mul3A_250 = arith.mulf %gather3A_240, %gather3A_240 : vector<16xf32>
      %add3A_251 = arith.addf %add3A_223, %mul3A_250 : vector<16xf32>
      %mul3A_252 = arith.mulf %gather3A_247, %gather3A_247 : vector<16xf32>
      %add3A_253 = arith.addf %add3A_225, %mul3A_252 : vector<16xf32>
      %add3A_254 = arith.constant 8 : i32
      %add3A_255 = vector.broadcast %add3A_254 : i32 to vector<16xi32>
      %add3A_256 = arith.addi %iota3A, %add3A_255 : vector<16xi32>
      %and3A_257 = arith.constant 31 : i32
      %and3A_258 = vector.broadcast %and3A_257 : i32 to vector<16xi32>
      %and3A_259 = arith.andi %add3A_256, %and3A_258 : vector<16xi32>
      %add3A_260 = arith.addi %add3A_24, %and3A_259 : vector<16xi32>
      %add3A_261 = arith.addi %add3A_27, %and3A_259 : vector<16xi32>
      %shift_right_arithmetic3A_262 = arith.constant 7 : i32
      %shift_right_arithmetic3A_263 = vector.broadcast %shift_right_arithmetic3A_262 : i32 to vector<16xi32>
      %shift_right_arithmetic3A_264 = arith.shrsi %add3A_260, %shift_right_arithmetic3A_263 : vector<16xi32>
      %and3A_265 = arith.constant 127 : i32
      %and3A_266 = vector.broadcast %and3A_265 : i32 to vector<16xi32>
      %and3A_267 = arith.andi %add3A_260, %and3A_266 : vector<16xi32>
      %gather3A_268 = tpu.vector_load_idx %arg6[%shift_right_arithmetic3A_264, %and3A_267] : memref<256x128xf32, #tpu.memory_space<vmem>>[vector<16xi32>, vector<16xi32>], vector<16xf32>,
      %shift_right_arithmetic3A_269 = arith.constant 7 : i32
      %shift_right_arithmetic3A_270 = vector.broadcast %shift_right_arithmetic3A_269 : i32 to vector<16xi32>
      %shift_right_arithmetic3A_271 = arith.shrsi %add3A_261, %shift_right_arithmetic3A_270 : vector<16xi32>
      %and3A_272 = arith.constant 127 : i32
      %and3A_273 = vector.broadcast %and3A_272 : i32 to vector<16xi32>
      %and3A_274 = arith.andi %add3A_261, %and3A_273 : vector<16xi32>
      %gather3A_275 = tpu.vector_load_idx %arg6[%shift_right_arithmetic3A_271, %and3A_274] : memref<256x128xf32, #tpu.memory_space<vmem>>[vector<16xi32>, vector<16xi32>], vector<16xf32>,
      %mul3A_276 = arith.mulf %gather3A_268, %gather3A_275 : vector<16xf32>
      %add3A_277 = arith.addf %add3A_249, %mul3A_276 : vector<16xf32>
      %mul3A_278 = arith.mulf %gather3A_268, %gather3A_268 : vector<16xf32>
      %add3A_279 = arith.addf %add3A_251, %mul3A_278 : vector<16xf32>
      %mul3A_280 = arith.mulf %gather3A_275, %gather3A_275 : vector<16xf32>
      %add3A_281 = arith.addf %add3A_253, %mul3A_280 : vector<16xf32>
      %add3A_282 = arith.constant 9 : i32
      %add3A_283 = vector.broadcast %add3A_282 : i32 to vector<16xi32>
      %add3A_284 = arith.addi %iota3A, %add3A_283 : vector<16xi32>
      %and3A_285 = arith.constant 31 : i32
      %and3A_286 = vector.broadcast %and3A_285 : i32 to vector<16xi32>
      %and3A_287 = arith.andi %add3A_284, %and3A_286 : vector<16xi32>
      %add3A_288 = arith.addi %add3A_24, %and3A_287 : vector<16xi32>
      %add3A_289 = arith.addi %add3A_27, %and3A_287 : vector<16xi32>
      %shift_right_arithmetic3A_290 = arith.constant 7 : i32
      %shift_right_arithmetic3A_291 = vector.broadcast %shift_right_arithmetic3A_290 : i32 to vector<16xi32>
      %shift_right_arithmetic3A_292 = arith.shrsi %add3A_288, %shift_right_arithmetic3A_291 : vector<16xi32>
      %and3A_293 = arith.constant 127 : i32
      %and3A_294 = vector.broadcast %and3A_293 : i32 to vector<16xi32>
      %and3A_295 = arith.andi %add3A_288, %and3A_294 : vector<16xi32>
      %gather3A_296 = tpu.vector_load_idx %arg6[%shift_right_arithmetic3A_292, %and3A_295] : memref<256x128xf32, #tpu.memory_space<vmem>>[vector<16xi32>, vector<16xi32>], vector<16xf32>,
      %shift_right_arithmetic3A_297 = arith.constant 7 : i32
      %shift_right_arithmetic3A_298 = vector.broadcast %shift_right_arithmetic3A_297 : i32 to vector<16xi32>
      %shift_right_arithmetic3A_299 = arith.shrsi %add3A_289, %shift_right_arithmetic3A_298 : vector<16xi32>
      %and3A_300 = arith.constant 127 : i32
      %and3A_301 = vector.broadcast %and3A_300 : i32 to vector<16xi32>
      %and3A_302 = arith.andi %add3A_289, %and3A_301 : vector<16xi32>
      %gather3A_303 = tpu.vector_load_idx %arg6[%shift_right_arithmetic3A_299, %and3A_302] : memref<256x128xf32, #tpu.memory_space<vmem>>[vector<16xi32>, vector<16xi32>], vector<16xf32>,
      %mul3A_304 = arith.mulf %gather3A_296, %gather3A_303 : vector<16xf32>
      %add3A_305 = arith.addf %add3A_277, %mul3A_304 : vector<16xf32>
      %mul3A_306 = arith.mulf %gather3A_296, %gather3A_296 : vector<16xf32>
      %add3A_307 = arith.addf %add3A_279, %mul3A_306 : vector<16xf32>
      %mul3A_308 = arith.mulf %gather3A_303, %gather3A_303 : vector<16xf32>
      %add3A_309 = arith.addf %add3A_281, %mul3A_308 : vector<16xf32>
      %add3A_310 = arith.constant 10 : i32
      %add3A_311 = vector.broadcast %add3A_310 : i32 to vector<16xi32>
      %add3A_312 = arith.addi %iota3A, %add3A_311 : vector<16xi32>
      %and3A_313 = arith.constant 31 : i32
      %and3A_314 = vector.broadcast %and3A_313 : i32 to vector<16xi32>
      %and3A_315 = arith.andi %add3A_312, %and3A_314 : vector<16xi32>
      %add3A_316 = arith.addi %add3A_24, %and3A_315 : vector<16xi32>
      %add3A_317 = arith.addi %add3A_27, %and3A_315 : vector<16xi32>
      %shift_right_arithmetic3A_318 = arith.constant 7 : i32
      %shift_right_arithmetic3A_319 = vector.broadcast %shift_right_arithmetic3A_318 : i32 to vector<16xi32>
      %shift_right_arithmetic3A_320 = arith.shrsi %add3A_316, %shift_right_arithmetic3A_319 : vector<16xi32>
      %and3A_321 = arith.constant 127 : i32
      %and3A_322 = vector.broadcast %and3A_321 : i32 to vector<16xi32>
      %and3A_323 = arith.andi %add3A_316, %and3A_322 : vector<16xi32>
      %gather3A_324 = tpu.vector_load_idx %arg6[%shift_right_arithmetic3A_320, %and3A_323] : memref<256x128xf32, #tpu.memory_space<vmem>>[vector<16xi32>, vector<16xi32>], vector<16xf32>,
      %shift_right_arithmetic3A_325 = arith.constant 7 : i32
      %shift_right_arithmetic3A_326 = vector.broadcast %shift_right_arithmetic3A_325 : i32 to vector<16xi32>
      %shift_right_arithmetic3A_327 = arith.shrsi %add3A_317, %shift_right_arithmetic3A_326 : vector<16xi32>
      %and3A_328 = arith.constant 127 : i32
      %and3A_329 = vector.broadcast %and3A_328 : i32 to vector<16xi32>
      %and3A_330 = arith.andi %add3A_317, %and3A_329 : vector<16xi32>
      %gather3A_331 = tpu.vector_load_idx %arg6[%shift_right_arithmetic3A_327, %and3A_330] : memref<256x128xf32, #tpu.memory_space<vmem>>[vector<16xi32>, vector<16xi32>], vector<16xf32>,
      %mul3A_332 = arith.mulf %gather3A_324, %gather3A_331 : vector<16xf32>
      %add3A_333 = arith.addf %add3A_305, %mul3A_332 : vector<16xf32>
      %mul3A_334 = arith.mulf %gather3A_324, %gather3A_324 : vector<16xf32>
      %add3A_335 = arith.addf %add3A_307, %mul3A_334 : vector<16xf32>
      %mul3A_336 = arith.mulf %gather3A_331, %gather3A_331 : vector<16xf32>
      %add3A_337 = arith.addf %add3A_309, %mul3A_336 : vector<16xf32>
      %add3A_338 = arith.constant 11 : i32
      %add3A_339 = vector.broadcast %add3A_338 : i32 to vector<16xi32>
      %add3A_340 = arith.addi %iota3A, %add3A_339 : vector<16xi32>
      %and3A_341 = arith.constant 31 : i32
      %and3A_342 = vector.broadcast %and3A_341 : i32 to vector<16xi32>
      %and3A_343 = arith.andi %add3A_340, %and3A_342 : vector<16xi32>
      %add3A_344 = arith.addi %add3A_24, %and3A_343 : vector<16xi32>
      %add3A_345 = arith.addi %add3A_27, %and3A_343 : vector<16xi32>
      %shift_right_arithmetic3A_346 = arith.constant 7 : i32
      %shift_right_arithmetic3A_347 = vector.broadcast %shift_right_arithmetic3A_346 : i32 to vector<16xi32>
      %shift_right_arithmetic3A_348 = arith.shrsi %add3A_344, %shift_right_arithmetic3A_347 : vector<16xi32>
      %and3A_349 = arith.constant 127 : i32
      %and3A_350 = vector.broadcast %and3A_349 : i32 to vector<16xi32>
      %and3A_351 = arith.andi %add3A_344, %and3A_350 : vector<16xi32>
      %gather3A_352 = tpu.vector_load_idx %arg6[%shift_right_arithmetic3A_348, %and3A_351] : memref<256x128xf32, #tpu.memory_space<vmem>>[vector<16xi32>, vector<16xi32>], vector<16xf32>,
      %shift_right_arithmetic3A_353 = arith.constant 7 : i32
      %shift_right_arithmetic3A_354 = vector.broadcast %shift_right_arithmetic3A_353 : i32 to vector<16xi32>
      %shift_right_arithmetic3A_355 = arith.shrsi %add3A_345, %shift_right_arithmetic3A_354 : vector<16xi32>
      %and3A_356 = arith.constant 127 : i32
      %and3A_357 = vector.broadcast %and3A_356 : i32 to vector<16xi32>
      %and3A_358 = arith.andi %add3A_345, %and3A_357 : vector<16xi32>
      %gather3A_359 = tpu.vector_load_idx %arg6[%shift_right_arithmetic3A_355, %and3A_358] : memref<256x128xf32, #tpu.memory_space<vmem>>[vector<16xi32>, vector<16xi32>], vector<16xf32>,
      %mul3A_360 = arith.mulf %gather3A_352, %gather3A_359 : vector<16xf32>
      %add3A_361 = arith.addf %add3A_333, %mul3A_360 : vector<16xf32>
      %mul3A_362 = arith.mulf %gather3A_352, %gather3A_352 : vector<16xf32>
      %add3A_363 = arith.addf %add3A_335, %mul3A_362 : vector<16xf32>
      %mul3A_364 = arith.mulf %gather3A_359, %gather3A_359 : vector<16xf32>
      %add3A_365 = arith.addf %add3A_337, %mul3A_364 : vector<16xf32>
      %add3A_366 = arith.constant 12 : i32
      %add3A_367 = vector.broadcast %add3A_366 : i32 to vector<16xi32>
      %add3A_368 = arith.addi %iota3A, %add3A_367 : vector<16xi32>
      %and3A_369 = arith.constant 31 : i32
      %and3A_370 = vector.broadcast %and3A_369 : i32 to vector<16xi32>
      %and3A_371 = arith.andi %add3A_368, %and3A_370 : vector<16xi32>
      %add3A_372 = arith.addi %add3A_24, %and3A_371 : vector<16xi32>
      %add3A_373 = arith.addi %add3A_27, %and3A_371 : vector<16xi32>
      %shift_right_arithmetic3A_374 = arith.constant 7 : i32
      %shift_right_arithmetic3A_375 = vector.broadcast %shift_right_arithmetic3A_374 : i32 to vector<16xi32>
      %shift_right_arithmetic3A_376 = arith.shrsi %add3A_372, %shift_right_arithmetic3A_375 : vector<16xi32>
      %and3A_377 = arith.constant 127 : i32
      %and3A_378 = vector.broadcast %and3A_377 : i32 to vector<16xi32>
      %and3A_379 = arith.andi %add3A_372, %and3A_378 : vector<16xi32>
      %gather3A_380 = tpu.vector_load_idx %arg6[%shift_right_arithmetic3A_376, %and3A_379] : memref<256x128xf32, #tpu.memory_space<vmem>>[vector<16xi32>, vector<16xi32>], vector<16xf32>,
      %shift_right_arithmetic3A_381 = arith.constant 7 : i32
      %shift_right_arithmetic3A_382 = vector.broadcast %shift_right_arithmetic3A_381 : i32 to vector<16xi32>
      %shift_right_arithmetic3A_383 = arith.shrsi %add3A_373, %shift_right_arithmetic3A_382 : vector<16xi32>
      %and3A_384 = arith.constant 127 : i32
      %and3A_385 = vector.broadcast %and3A_384 : i32 to vector<16xi32>
      %and3A_386 = arith.andi %add3A_373, %and3A_385 : vector<16xi32>
      %gather3A_387 = tpu.vector_load_idx %arg6[%shift_right_arithmetic3A_383, %and3A_386] : memref<256x128xf32, #tpu.memory_space<vmem>>[vector<16xi32>, vector<16xi32>], vector<16xf32>,
      %mul3A_388 = arith.mulf %gather3A_380, %gather3A_387 : vector<16xf32>
      %add3A_389 = arith.addf %add3A_361, %mul3A_388 : vector<16xf32>
      %mul3A_390 = arith.mulf %gather3A_380, %gather3A_380 : vector<16xf32>
      %add3A_391 = arith.addf %add3A_363, %mul3A_390 : vector<16xf32>
      %mul3A_392 = arith.mulf %gather3A_387, %gather3A_387 : vector<16xf32>
      %add3A_393 = arith.addf %add3A_365, %mul3A_392 : vector<16xf32>
      %add3A_394 = arith.constant 13 : i32
      %add3A_395 = vector.broadcast %add3A_394 : i32 to vector<16xi32>
      %add3A_396 = arith.addi %iota3A, %add3A_395 : vector<16xi32>
      %and3A_397 = arith.constant 31 : i32
      %and3A_398 = vector.broadcast %and3A_397 : i32 to vector<16xi32>
      %and3A_399 = arith.andi %add3A_396, %and3A_398 : vector<16xi32>
      %add3A_400 = arith.addi %add3A_24, %and3A_399 : vector<16xi32>
      %add3A_401 = arith.addi %add3A_27, %and3A_399 : vector<16xi32>
      %shift_right_arithmetic3A_402 = arith.constant 7 : i32
      %shift_right_arithmetic3A_403 = vector.broadcast %shift_right_arithmetic3A_402 : i32 to vector<16xi32>
      %shift_right_arithmetic3A_404 = arith.shrsi %add3A_400, %shift_right_arithmetic3A_403 : vector<16xi32>
      %and3A_405 = arith.constant 127 : i32
      %and3A_406 = vector.broadcast %and3A_405 : i32 to vector<16xi32>
      %and3A_407 = arith.andi %add3A_400, %and3A_406 : vector<16xi32>
      %gather3A_408 = tpu.vector_load_idx %arg6[%shift_right_arithmetic3A_404, %and3A_407] : memref<256x128xf32, #tpu.memory_space<vmem>>[vector<16xi32>, vector<16xi32>], vector<16xf32>,
      %shift_right_arithmetic3A_409 = arith.constant 7 : i32
      %shift_right_arithmetic3A_410 = vector.broadcast %shift_right_arithmetic3A_409 : i32 to vector<16xi32>
      %shift_right_arithmetic3A_411 = arith.shrsi %add3A_401, %shift_right_arithmetic3A_410 : vector<16xi32>
      %and3A_412 = arith.constant 127 : i32
      %and3A_413 = vector.broadcast %and3A_412 : i32 to vector<16xi32>
      %and3A_414 = arith.andi %add3A_401, %and3A_413 : vector<16xi32>
      %gather3A_415 = tpu.vector_load_idx %arg6[%shift_right_arithmetic3A_411, %and3A_414] : memref<256x128xf32, #tpu.memory_space<vmem>>[vector<16xi32>, vector<16xi32>], vector<16xf32>,
      %mul3A_416 = arith.mulf %gather3A_408, %gather3A_415 : vector<16xf32>
      %add3A_417 = arith.addf %add3A_389, %mul3A_416 : vector<16xf32>
      %mul3A_418 = arith.mulf %gather3A_408, %gather3A_408 : vector<16xf32>
      %add3A_419 = arith.addf %add3A_391, %mul3A_418 : vector<16xf32>
      %mul3A_420 = arith.mulf %gather3A_415, %gather3A_415 : vector<16xf32>
      %add3A_421 = arith.addf %add3A_393, %mul3A_420 : vector<16xf32>
      %add3A_422 = arith.constant 14 : i32
      %add3A_423 = vector.broadcast %add3A_422 : i32 to vector<16xi32>
      %add3A_424 = arith.addi %iota3A, %add3A_423 : vector<16xi32>
      %and3A_425 = arith.constant 31 : i32
      %and3A_426 = vector.broadcast %and3A_425 : i32 to vector<16xi32>
      %and3A_427 = arith.andi %add3A_424, %and3A_426 : vector<16xi32>
      %add3A_428 = arith.addi %add3A_24, %and3A_427 : vector<16xi32>
      %add3A_429 = arith.addi %add3A_27, %and3A_427 : vector<16xi32>
      %shift_right_arithmetic3A_430 = arith.constant 7 : i32
      %shift_right_arithmetic3A_431 = vector.broadcast %shift_right_arithmetic3A_430 : i32 to vector<16xi32>
      %shift_right_arithmetic3A_432 = arith.shrsi %add3A_428, %shift_right_arithmetic3A_431 : vector<16xi32>
      %and3A_433 = arith.constant 127 : i32
      %and3A_434 = vector.broadcast %and3A_433 : i32 to vector<16xi32>
      %and3A_435 = arith.andi %add3A_428, %and3A_434 : vector<16xi32>
      %gather3A_436 = tpu.vector_load_idx %arg6[%shift_right_arithmetic3A_432, %and3A_435] : memref<256x128xf32, #tpu.memory_space<vmem>>[vector<16xi32>, vector<16xi32>], vector<16xf32>,
      %shift_right_arithmetic3A_437 = arith.constant 7 : i32
      %shift_right_arithmetic3A_438 = vector.broadcast %shift_right_arithmetic3A_437 : i32 to vector<16xi32>
      %shift_right_arithmetic3A_439 = arith.shrsi %add3A_429, %shift_right_arithmetic3A_438 : vector<16xi32>
      %and3A_440 = arith.constant 127 : i32
      %and3A_441 = vector.broadcast %and3A_440 : i32 to vector<16xi32>
      %and3A_442 = arith.andi %add3A_429, %and3A_441 : vector<16xi32>
      %gather3A_443 = tpu.vector_load_idx %arg6[%shift_right_arithmetic3A_439, %and3A_442] : memref<256x128xf32, #tpu.memory_space<vmem>>[vector<16xi32>, vector<16xi32>], vector<16xf32>,
      %mul3A_444 = arith.mulf %gather3A_436, %gather3A_443 : vector<16xf32>
      %add3A_445 = arith.addf %add3A_417, %mul3A_444 : vector<16xf32>
      %mul3A_446 = arith.mulf %gather3A_436, %gather3A_436 : vector<16xf32>
      %add3A_447 = arith.addf %add3A_419, %mul3A_446 : vector<16xf32>
      %mul3A_448 = arith.mulf %gather3A_443, %gather3A_443 : vector<16xf32>
      %add3A_449 = arith.addf %add3A_421, %mul3A_448 : vector<16xf32>
      %add3A_450 = arith.constant 15 : i32
      %add3A_451 = vector.broadcast %add3A_450 : i32 to vector<16xi32>
      %add3A_452 = arith.addi %iota3A, %add3A_451 : vector<16xi32>
      %and3A_453 = arith.constant 31 : i32
      %and3A_454 = vector.broadcast %and3A_453 : i32 to vector<16xi32>
      %and3A_455 = arith.andi %add3A_452, %and3A_454 : vector<16xi32>
      %add3A_456 = arith.addi %add3A_24, %and3A_455 : vector<16xi32>
      %add3A_457 = arith.addi %add3A_27, %and3A_455 : vector<16xi32>
      %shift_right_arithmetic3A_458 = arith.constant 7 : i32
      %shift_right_arithmetic3A_459 = vector.broadcast %shift_right_arithmetic3A_458 : i32 to vector<16xi32>
      %shift_right_arithmetic3A_460 = arith.shrsi %add3A_456, %shift_right_arithmetic3A_459 : vector<16xi32>
      %and3A_461 = arith.constant 127 : i32
      %and3A_462 = vector.broadcast %and3A_461 : i32 to vector<16xi32>
      %and3A_463 = arith.andi %add3A_456, %and3A_462 : vector<16xi32>
      %gather3A_464 = tpu.vector_load_idx %arg6[%shift_right_arithmetic3A_460, %and3A_463] : memref<256x128xf32, #tpu.memory_space<vmem>>[vector<16xi32>, vector<16xi32>], vector<16xf32>,
      %shift_right_arithmetic3A_465 = arith.constant 7 : i32
      %shift_right_arithmetic3A_466 = vector.broadcast %shift_right_arithmetic3A_465 : i32 to vector<16xi32>
      %shift_right_arithmetic3A_467 = arith.shrsi %add3A_457, %shift_right_arithmetic3A_466 : vector<16xi32>
      %and3A_468 = arith.constant 127 : i32
      %and3A_469 = vector.broadcast %and3A_468 : i32 to vector<16xi32>
      %and3A_470 = arith.andi %add3A_457, %and3A_469 : vector<16xi32>
      %gather3A_471 = tpu.vector_load_idx %arg6[%shift_right_arithmetic3A_467, %and3A_470] : memref<256x128xf32, #tpu.memory_space<vmem>>[vector<16xi32>, vector<16xi32>], vector<16xf32>,
      %mul3A_472 = arith.mulf %gather3A_464, %gather3A_471 : vector<16xf32>
      %add3A_473 = arith.addf %add3A_445, %mul3A_472 : vector<16xf32>
      %mul3A_474 = arith.mulf %gather3A_464, %gather3A_464 : vector<16xf32>
      %add3A_475 = arith.addf %add3A_447, %mul3A_474 : vector<16xf32>
      %mul3A_476 = arith.mulf %gather3A_471, %gather3A_471 : vector<16xf32>
      %add3A_477 = arith.addf %add3A_449, %mul3A_476 : vector<16xf32>
      %add3A_478 = arith.constant 16 : i32
      %add3A_479 = vector.broadcast %add3A_478 : i32 to vector<16xi32>
      %add3A_480 = arith.addi %iota3A, %add3A_479 : vector<16xi32>
      %and3A_481 = arith.constant 31 : i32
      %and3A_482 = vector.broadcast %and3A_481 : i32 to vector<16xi32>
      %and3A_483 = arith.andi %add3A_480, %and3A_482 : vector<16xi32>
      %add3A_484 = arith.addi %add3A_24, %and3A_483 : vector<16xi32>
      %add3A_485 = arith.addi %add3A_27, %and3A_483 : vector<16xi32>
      %shift_right_arithmetic3A_486 = arith.constant 7 : i32
      %shift_right_arithmetic3A_487 = vector.broadcast %shift_right_arithmetic3A_486 : i32 to vector<16xi32>
      %shift_right_arithmetic3A_488 = arith.shrsi %add3A_484, %shift_right_arithmetic3A_487 : vector<16xi32>
      %and3A_489 = arith.constant 127 : i32
      %and3A_490 = vector.broadcast %and3A_489 : i32 to vector<16xi32>
      %and3A_491 = arith.andi %add3A_484, %and3A_490 : vector<16xi32>
      %gather3A_492 = tpu.vector_load_idx %arg6[%shift_right_arithmetic3A_488, %and3A_491] : memref<256x128xf32, #tpu.memory_space<vmem>>[vector<16xi32>, vector<16xi32>], vector<16xf32>,
      %shift_right_arithmetic3A_493 = arith.constant 7 : i32
      %shift_right_arithmetic3A_494 = vector.broadcast %shift_right_arithmetic3A_493 : i32 to vector<16xi32>
      %shift_right_arithmetic3A_495 = arith.shrsi %add3A_485, %shift_right_arithmetic3A_494 : vector<16xi32>
      %and3A_496 = arith.constant 127 : i32
      %and3A_497 = vector.broadcast %and3A_496 : i32 to vector<16xi32>
      %and3A_498 = arith.andi %add3A_485, %and3A_497 : vector<16xi32>
      %gather3A_499 = tpu.vector_load_idx %arg6[%shift_right_arithmetic3A_495, %and3A_498] : memref<256x128xf32, #tpu.memory_space<vmem>>[vector<16xi32>, vector<16xi32>], vector<16xf32>,
      %mul3A_500 = arith.mulf %gather3A_492, %gather3A_499 : vector<16xf32>
      %add3A_501 = arith.addf %add3A_473, %mul3A_500 : vector<16xf32>
      %mul3A_502 = arith.mulf %gather3A_492, %gather3A_492 : vector<16xf32>
      %add3A_503 = arith.addf %add3A_475, %mul3A_502 : vector<16xf32>
      %mul3A_504 = arith.mulf %gather3A_499, %gather3A_499 : vector<16xf32>
      %add3A_505 = arith.addf %add3A_477, %mul3A_504 : vector<16xf32>
      %add3A_506 = arith.constant 17 : i32
      %add3A_507 = vector.broadcast %add3A_506 : i32 to vector<16xi32>
      %add3A_508 = arith.addi %iota3A, %add3A_507 : vector<16xi32>
      %and3A_509 = arith.constant 31 : i32
      %and3A_510 = vector.broadcast %and3A_509 : i32 to vector<16xi32>
      %and3A_511 = arith.andi %add3A_508, %and3A_510 : vector<16xi32>
      %add3A_512 = arith.addi %add3A_24, %and3A_511 : vector<16xi32>
      %add3A_513 = arith.addi %add3A_27, %and3A_511 : vector<16xi32>
      %shift_right_arithmetic3A_514 = arith.constant 7 : i32
      %shift_right_arithmetic3A_515 = vector.broadcast %shift_right_arithmetic3A_514 : i32 to vector<16xi32>
      %shift_right_arithmetic3A_516 = arith.shrsi %add3A_512, %shift_right_arithmetic3A_515 : vector<16xi32>
      %and3A_517 = arith.constant 127 : i32
      %and3A_518 = vector.broadcast %and3A_517 : i32 to vector<16xi32>
      %and3A_519 = arith.andi %add3A_512, %and3A_518 : vector<16xi32>
      %gather3A_520 = tpu.vector_load_idx %arg6[%shift_right_arithmetic3A_516, %and3A_519] : memref<256x128xf32, #tpu.memory_space<vmem>>[vector<16xi32>, vector<16xi32>], vector<16xf32>,
      %shift_right_arithmetic3A_521 = arith.constant 7 : i32
      %shift_right_arithmetic3A_522 = vector.broadcast %shift_right_arithmetic3A_521 : i32 to vector<16xi32>
      %shift_right_arithmetic3A_523 = arith.shrsi %add3A_513, %shift_right_arithmetic3A_522 : vector<16xi32>
      %and3A_524 = arith.constant 127 : i32
      %and3A_525 = vector.broadcast %and3A_524 : i32 to vector<16xi32>
      %and3A_526 = arith.andi %add3A_513, %and3A_525 : vector<16xi32>
      %gather3A_527 = tpu.vector_load_idx %arg6[%shift_right_arithmetic3A_523, %and3A_526] : memref<256x128xf32, #tpu.memory_space<vmem>>[vector<16xi32>, vector<16xi32>], vector<16xf32>,
      %mul3A_528 = arith.mulf %gather3A_520, %gather3A_527 : vector<16xf32>
      %add3A_529 = arith.addf %add3A_501, %mul3A_528 : vector<16xf32>
      %mul3A_530 = arith.mulf %gather3A_520, %gather3A_520 : vector<16xf32>
      %add3A_531 = arith.addf %add3A_503, %mul3A_530 : vector<16xf32>
      %mul3A_532 = arith.mulf %gather3A_527, %gather3A_527 : vector<16xf32>
      %add3A_533 = arith.addf %add3A_505, %mul3A_532 : vector<16xf32>
      %add3A_534 = arith.constant 18 : i32
      %add3A_535 = vector.broadcast %add3A_534 : i32 to vector<16xi32>
      %add3A_536 = arith.addi %iota3A, %add3A_535 : vector<16xi32>
      %and3A_537 = arith.constant 31 : i32
      %and3A_538 = vector.broadcast %and3A_537 : i32 to vector<16xi32>
      %and3A_539 = arith.andi %add3A_536, %and3A_538 : vector<16xi32>
      %add3A_540 = arith.addi %add3A_24, %and3A_539 : vector<16xi32>
      %add3A_541 = arith.addi %add3A_27, %and3A_539 : vector<16xi32>
      %shift_right_arithmetic3A_542 = arith.constant 7 : i32
      %shift_right_arithmetic3A_543 = vector.broadcast %shift_right_arithmetic3A_542 : i32 to vector<16xi32>
      %shift_right_arithmetic3A_544 = arith.shrsi %add3A_540, %shift_right_arithmetic3A_543 : vector<16xi32>
      %and3A_545 = arith.constant 127 : i32
      %and3A_546 = vector.broadcast %and3A_545 : i32 to vector<16xi32>
      %and3A_547 = arith.andi %add3A_540, %and3A_546 : vector<16xi32>
      %gather3A_548 = tpu.vector_load_idx %arg6[%shift_right_arithmetic3A_544, %and3A_547] : memref<256x128xf32, #tpu.memory_space<vmem>>[vector<16xi32>, vector<16xi32>], vector<16xf32>,
      %shift_right_arithmetic3A_549 = arith.constant 7 : i32
      %shift_right_arithmetic3A_550 = vector.broadcast %shift_right_arithmetic3A_549 : i32 to vector<16xi32>
      %shift_right_arithmetic3A_551 = arith.shrsi %add3A_541, %shift_right_arithmetic3A_550 : vector<16xi32>
      %and3A_552 = arith.constant 127 : i32
      %and3A_553 = vector.broadcast %and3A_552 : i32 to vector<16xi32>
      %and3A_554 = arith.andi %add3A_541, %and3A_553 : vector<16xi32>
      %gather3A_555 = tpu.vector_load_idx %arg6[%shift_right_arithmetic3A_551, %and3A_554] : memref<256x128xf32, #tpu.memory_space<vmem>>[vector<16xi32>, vector<16xi32>], vector<16xf32>,
      %mul3A_556 = arith.mulf %gather3A_548, %gather3A_555 : vector<16xf32>
      %add3A_557 = arith.addf %add3A_529, %mul3A_556 : vector<16xf32>
      %mul3A_558 = arith.mulf %gather3A_548, %gather3A_548 : vector<16xf32>
      %add3A_559 = arith.addf %add3A_531, %mul3A_558 : vector<16xf32>
      %mul3A_560 = arith.mulf %gather3A_555, %gather3A_555 : vector<16xf32>
      %add3A_561 = arith.addf %add3A_533, %mul3A_560 : vector<16xf32>
      %add3A_562 = arith.constant 19 : i32
      %add3A_563 = vector.broadcast %add3A_562 : i32 to vector<16xi32>
      %add3A_564 = arith.addi %iota3A, %add3A_563 : vector<16xi32>
      %and3A_565 = arith.constant 31 : i32
      %and3A_566 = vector.broadcast %and3A_565 : i32 to vector<16xi32>
      %and3A_567 = arith.andi %add3A_564, %and3A_566 : vector<16xi32>
      %add3A_568 = arith.addi %add3A_24, %and3A_567 : vector<16xi32>
      %add3A_569 = arith.addi %add3A_27, %and3A_567 : vector<16xi32>
      %shift_right_arithmetic3A_570 = arith.constant 7 : i32
      %shift_right_arithmetic3A_571 = vector.broadcast %shift_right_arithmetic3A_570 : i32 to vector<16xi32>
      %shift_right_arithmetic3A_572 = arith.shrsi %add3A_568, %shift_right_arithmetic3A_571 : vector<16xi32>
      %and3A_573 = arith.constant 127 : i32
      %and3A_574 = vector.broadcast %and3A_573 : i32 to vector<16xi32>
      %and3A_575 = arith.andi %add3A_568, %and3A_574 : vector<16xi32>
      %gather3A_576 = tpu.vector_load_idx %arg6[%shift_right_arithmetic3A_572, %and3A_575] : memref<256x128xf32, #tpu.memory_space<vmem>>[vector<16xi32>, vector<16xi32>], vector<16xf32>,
      %shift_right_arithmetic3A_577 = arith.constant 7 : i32
      %shift_right_arithmetic3A_578 = vector.broadcast %shift_right_arithmetic3A_577 : i32 to vector<16xi32>
      %shift_right_arithmetic3A_579 = arith.shrsi %add3A_569, %shift_right_arithmetic3A_578 : vector<16xi32>
      %and3A_580 = arith.constant 127 : i32
      %and3A_581 = vector.broadcast %and3A_580 : i32 to vector<16xi32>
      %and3A_582 = arith.andi %add3A_569, %and3A_581 : vector<16xi32>
      %gather3A_583 = tpu.vector_load_idx %arg6[%shift_right_arithmetic3A_579, %and3A_582] : memref<256x128xf32, #tpu.memory_space<vmem>>[vector<16xi32>, vector<16xi32>], vector<16xf32>,
      %mul3A_584 = arith.mulf %gather3A_576, %gather3A_583 : vector<16xf32>
      %add3A_585 = arith.addf %add3A_557, %mul3A_584 : vector<16xf32>
      %mul3A_586 = arith.mulf %gather3A_576, %gather3A_576 : vector<16xf32>
      %add3A_587 = arith.addf %add3A_559, %mul3A_586 : vector<16xf32>
      %mul3A_588 = arith.mulf %gather3A_583, %gather3A_583 : vector<16xf32>
      %add3A_589 = arith.addf %add3A_561, %mul3A_588 : vector<16xf32>
      %add3A_590 = arith.constant 20 : i32
      %add3A_591 = vector.broadcast %add3A_590 : i32 to vector<16xi32>
      %add3A_592 = arith.addi %iota3A, %add3A_591 : vector<16xi32>
      %and3A_593 = arith.constant 31 : i32
      %and3A_594 = vector.broadcast %and3A_593 : i32 to vector<16xi32>
      %and3A_595 = arith.andi %add3A_592, %and3A_594 : vector<16xi32>
      %add3A_596 = arith.addi %add3A_24, %and3A_595 : vector<16xi32>
      %add3A_597 = arith.addi %add3A_27, %and3A_595 : vector<16xi32>
      %shift_right_arithmetic3A_598 = arith.constant 7 : i32
      %shift_right_arithmetic3A_599 = vector.broadcast %shift_right_arithmetic3A_598 : i32 to vector<16xi32>
      %shift_right_arithmetic3A_600 = arith.shrsi %add3A_596, %shift_right_arithmetic3A_599 : vector<16xi32>
      %and3A_601 = arith.constant 127 : i32
      %and3A_602 = vector.broadcast %and3A_601 : i32 to vector<16xi32>
      %and3A_603 = arith.andi %add3A_596, %and3A_602 : vector<16xi32>
      %gather3A_604 = tpu.vector_load_idx %arg6[%shift_right_arithmetic3A_600, %and3A_603] : memref<256x128xf32, #tpu.memory_space<vmem>>[vector<16xi32>, vector<16xi32>], vector<16xf32>,
      %shift_right_arithmetic3A_605 = arith.constant 7 : i32
      %shift_right_arithmetic3A_606 = vector.broadcast %shift_right_arithmetic3A_605 : i32 to vector<16xi32>
      %shift_right_arithmetic3A_607 = arith.shrsi %add3A_597, %shift_right_arithmetic3A_606 : vector<16xi32>
      %and3A_608 = arith.constant 127 : i32
      %and3A_609 = vector.broadcast %and3A_608 : i32 to vector<16xi32>
      %and3A_610 = arith.andi %add3A_597, %and3A_609 : vector<16xi32>
      %gather3A_611 = tpu.vector_load_idx %arg6[%shift_right_arithmetic3A_607, %and3A_610] : memref<256x128xf32, #tpu.memory_space<vmem>>[vector<16xi32>, vector<16xi32>], vector<16xf32>,
      %mul3A_612 = arith.mulf %gather3A_604, %gather3A_611 : vector<16xf32>
      %add3A_613 = arith.addf %add3A_585, %mul3A_612 : vector<16xf32>
      %mul3A_614 = arith.mulf %gather3A_604, %gather3A_604 : vector<16xf32>
      %add3A_615 = arith.addf %add3A_587, %mul3A_614 : vector<16xf32>
      %mul3A_616 = arith.mulf %gather3A_611, %gather3A_611 : vector<16xf32>
      %add3A_617 = arith.addf %add3A_589, %mul3A_616 : vector<16xf32>
      %add3A_618 = arith.constant 21 : i32
      %add3A_619 = vector.broadcast %add3A_618 : i32 to vector<16xi32>
      %add3A_620 = arith.addi %iota3A, %add3A_619 : vector<16xi32>
      %and3A_621 = arith.constant 31 : i32
      %and3A_622 = vector.broadcast %and3A_621 : i32 to vector<16xi32>
      %and3A_623 = arith.andi %add3A_620, %and3A_622 : vector<16xi32>
      %add3A_624 = arith.addi %add3A_24, %and3A_623 : vector<16xi32>
      %add3A_625 = arith.addi %add3A_27, %and3A_623 : vector<16xi32>
      %shift_right_arithmetic3A_626 = arith.constant 7 : i32
      %shift_right_arithmetic3A_627 = vector.broadcast %shift_right_arithmetic3A_626 : i32 to vector<16xi32>
      %shift_right_arithmetic3A_628 = arith.shrsi %add3A_624, %shift_right_arithmetic3A_627 : vector<16xi32>
      %and3A_629 = arith.constant 127 : i32
      %and3A_630 = vector.broadcast %and3A_629 : i32 to vector<16xi32>
      %and3A_631 = arith.andi %add3A_624, %and3A_630 : vector<16xi32>
      %gather3A_632 = tpu.vector_load_idx %arg6[%shift_right_arithmetic3A_628, %and3A_631] : memref<256x128xf32, #tpu.memory_space<vmem>>[vector<16xi32>, vector<16xi32>], vector<16xf32>,
      %shift_right_arithmetic3A_633 = arith.constant 7 : i32
      %shift_right_arithmetic3A_634 = vector.broadcast %shift_right_arithmetic3A_633 : i32 to vector<16xi32>
      %shift_right_arithmetic3A_635 = arith.shrsi %add3A_625, %shift_right_arithmetic3A_634 : vector<16xi32>
      %and3A_636 = arith.constant 127 : i32
      %and3A_637 = vector.broadcast %and3A_636 : i32 to vector<16xi32>
      %and3A_638 = arith.andi %add3A_625, %and3A_637 : vector<16xi32>
      %gather3A_639 = tpu.vector_load_idx %arg6[%shift_right_arithmetic3A_635, %and3A_638] : memref<256x128xf32, #tpu.memory_space<vmem>>[vector<16xi32>, vector<16xi32>], vector<16xf32>,
      %mul3A_640 = arith.mulf %gather3A_632, %gather3A_639 : vector<16xf32>
      %add3A_641 = arith.addf %add3A_613, %mul3A_640 : vector<16xf32>
      %mul3A_642 = arith.mulf %gather3A_632, %gather3A_632 : vector<16xf32>
      %add3A_643 = arith.addf %add3A_615, %mul3A_642 : vector<16xf32>
      %mul3A_644 = arith.mulf %gather3A_639, %gather3A_639 : vector<16xf32>
      %add3A_645 = arith.addf %add3A_617, %mul3A_644 : vector<16xf32>
      %add3A_646 = arith.constant 22 : i32
      %add3A_647 = vector.broadcast %add3A_646 : i32 to vector<16xi32>
      %add3A_648 = arith.addi %iota3A, %add3A_647 : vector<16xi32>
      %and3A_649 = arith.constant 31 : i32
      %and3A_650 = vector.broadcast %and3A_649 : i32 to vector<16xi32>
      %and3A_651 = arith.andi %add3A_648, %and3A_650 : vector<16xi32>
      %add3A_652 = arith.addi %add3A_24, %and3A_651 : vector<16xi32>
      %add3A_653 = arith.addi %add3A_27, %and3A_651 : vector<16xi32>
      %shift_right_arithmetic3A_654 = arith.constant 7 : i32
      %shift_right_arithmetic3A_655 = vector.broadcast %shift_right_arithmetic3A_654 : i32 to vector<16xi32>
      %shift_right_arithmetic3A_656 = arith.shrsi %add3A_652, %shift_right_arithmetic3A_655 : vector<16xi32>
      %and3A_657 = arith.constant 127 : i32
      %and3A_658 = vector.broadcast %and3A_657 : i32 to vector<16xi32>
      %and3A_659 = arith.andi %add3A_652, %and3A_658 : vector<16xi32>
      %gather3A_660 = tpu.vector_load_idx %arg6[%shift_right_arithmetic3A_656, %and3A_659] : memref<256x128xf32, #tpu.memory_space<vmem>>[vector<16xi32>, vector<16xi32>], vector<16xf32>,
      %shift_right_arithmetic3A_661 = arith.constant 7 : i32
      %shift_right_arithmetic3A_662 = vector.broadcast %shift_right_arithmetic3A_661 : i32 to vector<16xi32>
      %shift_right_arithmetic3A_663 = arith.shrsi %add3A_653, %shift_right_arithmetic3A_662 : vector<16xi32>
      %and3A_664 = arith.constant 127 : i32
      %and3A_665 = vector.broadcast %and3A_664 : i32 to vector<16xi32>
      %and3A_666 = arith.andi %add3A_653, %and3A_665 : vector<16xi32>
      %gather3A_667 = tpu.vector_load_idx %arg6[%shift_right_arithmetic3A_663, %and3A_666] : memref<256x128xf32, #tpu.memory_space<vmem>>[vector<16xi32>, vector<16xi32>], vector<16xf32>,
      %mul3A_668 = arith.mulf %gather3A_660, %gather3A_667 : vector<16xf32>
      %add3A_669 = arith.addf %add3A_641, %mul3A_668 : vector<16xf32>
      %mul3A_670 = arith.mulf %gather3A_660, %gather3A_660 : vector<16xf32>
      %add3A_671 = arith.addf %add3A_643, %mul3A_670 : vector<16xf32>
      %mul3A_672 = arith.mulf %gather3A_667, %gather3A_667 : vector<16xf32>
      %add3A_673 = arith.addf %add3A_645, %mul3A_672 : vector<16xf32>
      %add3A_674 = arith.constant 23 : i32
      %add3A_675 = vector.broadcast %add3A_674 : i32 to vector<16xi32>
      %add3A_676 = arith.addi %iota3A, %add3A_675 : vector<16xi32>
      %and3A_677 = arith.constant 31 : i32
      %and3A_678 = vector.broadcast %and3A_677 : i32 to vector<16xi32>
      %and3A_679 = arith.andi %add3A_676, %and3A_678 : vector<16xi32>
      %add3A_680 = arith.addi %add3A_24, %and3A_679 : vector<16xi32>
      %add3A_681 = arith.addi %add3A_27, %and3A_679 : vector<16xi32>
      %shift_right_arithmetic3A_682 = arith.constant 7 : i32
      %shift_right_arithmetic3A_683 = vector.broadcast %shift_right_arithmetic3A_682 : i32 to vector<16xi32>
      %shift_right_arithmetic3A_684 = arith.shrsi %add3A_680, %shift_right_arithmetic3A_683 : vector<16xi32>
      %and3A_685 = arith.constant 127 : i32
      %and3A_686 = vector.broadcast %and3A_685 : i32 to vector<16xi32>
      %and3A_687 = arith.andi %add3A_680, %and3A_686 : vector<16xi32>
      %gather3A_688 = tpu.vector_load_idx %arg6[%shift_right_arithmetic3A_684, %and3A_687] : memref<256x128xf32, #tpu.memory_space<vmem>>[vector<16xi32>, vector<16xi32>], vector<16xf32>,
      %shift_right_arithmetic3A_689 = arith.constant 7 : i32
      %shift_right_arithmetic3A_690 = vector.broadcast %shift_right_arithmetic3A_689 : i32 to vector<16xi32>
      %shift_right_arithmetic3A_691 = arith.shrsi %add3A_681, %shift_right_arithmetic3A_690 : vector<16xi32>
      %and3A_692 = arith.constant 127 : i32
      %and3A_693 = vector.broadcast %and3A_692 : i32 to vector<16xi32>
      %and3A_694 = arith.andi %add3A_681, %and3A_693 : vector<16xi32>
      %gather3A_695 = tpu.vector_load_idx %arg6[%shift_right_arithmetic3A_691, %and3A_694] : memref<256x128xf32, #tpu.memory_space<vmem>>[vector<16xi32>, vector<16xi32>], vector<16xf32>,
      %mul3A_696 = arith.mulf %gather3A_688, %gather3A_695 : vector<16xf32>
      %add3A_697 = arith.addf %add3A_669, %mul3A_696 : vector<16xf32>
      %mul3A_698 = arith.mulf %gather3A_688, %gather3A_688 : vector<16xf32>
      %add3A_699 = arith.addf %add3A_671, %mul3A_698 : vector<16xf32>
      %mul3A_700 = arith.mulf %gather3A_695, %gather3A_695 : vector<16xf32>
      %add3A_701 = arith.addf %add3A_673, %mul3A_700 : vector<16xf32>
      %add3A_702 = arith.constant 24 : i32
      %add3A_703 = vector.broadcast %add3A_702 : i32 to vector<16xi32>
      %add3A_704 = arith.addi %iota3A, %add3A_703 : vector<16xi32>
      %and3A_705 = arith.constant 31 : i32
      %and3A_706 = vector.broadcast %and3A_705 : i32 to vector<16xi32>
      %and3A_707 = arith.andi %add3A_704, %and3A_706 : vector<16xi32>
      %add3A_708 = arith.addi %add3A_24, %and3A_707 : vector<16xi32>
      %add3A_709 = arith.addi %add3A_27, %and3A_707 : vector<16xi32>
      %shift_right_arithmetic3A_710 = arith.constant 7 : i32
      %shift_right_arithmetic3A_711 = vector.broadcast %shift_right_arithmetic3A_710 : i32 to vector<16xi32>
      %shift_right_arithmetic3A_712 = arith.shrsi %add3A_708, %shift_right_arithmetic3A_711 : vector<16xi32>
      %and3A_713 = arith.constant 127 : i32
      %and3A_714 = vector.broadcast %and3A_713 : i32 to vector<16xi32>
      %and3A_715 = arith.andi %add3A_708, %and3A_714 : vector<16xi32>
      %gather3A_716 = tpu.vector_load_idx %arg6[%shift_right_arithmetic3A_712, %and3A_715] : memref<256x128xf32, #tpu.memory_space<vmem>>[vector<16xi32>, vector<16xi32>], vector<16xf32>,
      %shift_right_arithmetic3A_717 = arith.constant 7 : i32
      %shift_right_arithmetic3A_718 = vector.broadcast %shift_right_arithmetic3A_717 : i32 to vector<16xi32>
      %shift_right_arithmetic3A_719 = arith.shrsi %add3A_709, %shift_right_arithmetic3A_718 : vector<16xi32>
      %and3A_720 = arith.constant 127 : i32
      %and3A_721 = vector.broadcast %and3A_720 : i32 to vector<16xi32>
      %and3A_722 = arith.andi %add3A_709, %and3A_721 : vector<16xi32>
      %gather3A_723 = tpu.vector_load_idx %arg6[%shift_right_arithmetic3A_719, %and3A_722] : memref<256x128xf32, #tpu.memory_space<vmem>>[vector<16xi32>, vector<16xi32>], vector<16xf32>,
      %mul3A_724 = arith.mulf %gather3A_716, %gather3A_723 : vector<16xf32>
      %add3A_725 = arith.addf %add3A_697, %mul3A_724 : vector<16xf32>
      %mul3A_726 = arith.mulf %gather3A_716, %gather3A_716 : vector<16xf32>
      %add3A_727 = arith.addf %add3A_699, %mul3A_726 : vector<16xf32>
      %mul3A_728 = arith.mulf %gather3A_723, %gather3A_723 : vector<16xf32>
      %add3A_729 = arith.addf %add3A_701, %mul3A_728 : vector<16xf32>
      %add3A_730 = arith.constant 25 : i32
      %add3A_731 = vector.broadcast %add3A_730 : i32 to vector<16xi32>
      %add3A_732 = arith.addi %iota3A, %add3A_731 : vector<16xi32>
      %and3A_733 = arith.constant 31 : i32
      %and3A_734 = vector.broadcast %and3A_733 : i32 to vector<16xi32>
      %and3A_735 = arith.andi %add3A_732, %and3A_734 : vector<16xi32>
      %add3A_736 = arith.addi %add3A_24, %and3A_735 : vector<16xi32>
      %add3A_737 = arith.addi %add3A_27, %and3A_735 : vector<16xi32>
      %shift_right_arithmetic3A_738 = arith.constant 7 : i32
      %shift_right_arithmetic3A_739 = vector.broadcast %shift_right_arithmetic3A_738 : i32 to vector<16xi32>
      %shift_right_arithmetic3A_740 = arith.shrsi %add3A_736, %shift_right_arithmetic3A_739 : vector<16xi32>
      %and3A_741 = arith.constant 127 : i32
      %and3A_742 = vector.broadcast %and3A_741 : i32 to vector<16xi32>
      %and3A_743 = arith.andi %add3A_736, %and3A_742 : vector<16xi32>
      %gather3A_744 = tpu.vector_load_idx %arg6[%shift_right_arithmetic3A_740, %and3A_743] : memref<256x128xf32, #tpu.memory_space<vmem>>[vector<16xi32>, vector<16xi32>], vector<16xf32>,
      %shift_right_arithmetic3A_745 = arith.constant 7 : i32
      %shift_right_arithmetic3A_746 = vector.broadcast %shift_right_arithmetic3A_745 : i32 to vector<16xi32>
      %shift_right_arithmetic3A_747 = arith.shrsi %add3A_737, %shift_right_arithmetic3A_746 : vector<16xi32>
      %and3A_748 = arith.constant 127 : i32
      %and3A_749 = vector.broadcast %and3A_748 : i32 to vector<16xi32>
      %and3A_750 = arith.andi %add3A_737, %and3A_749 : vector<16xi32>
      %gather3A_751 = tpu.vector_load_idx %arg6[%shift_right_arithmetic3A_747, %and3A_750] : memref<256x128xf32, #tpu.memory_space<vmem>>[vector<16xi32>, vector<16xi32>], vector<16xf32>,
      %mul3A_752 = arith.mulf %gather3A_744, %gather3A_751 : vector<16xf32>
      %add3A_753 = arith.addf %add3A_725, %mul3A_752 : vector<16xf32>
      %mul3A_754 = arith.mulf %gather3A_744, %gather3A_744 : vector<16xf32>
      %add3A_755 = arith.addf %add3A_727, %mul3A_754 : vector<16xf32>
      %mul3A_756 = arith.mulf %gather3A_751, %gather3A_751 : vector<16xf32>
      %add3A_757 = arith.addf %add3A_729, %mul3A_756 : vector<16xf32>
      %add3A_758 = arith.constant 26 : i32
      %add3A_759 = vector.broadcast %add3A_758 : i32 to vector<16xi32>
      %add3A_760 = arith.addi %iota3A, %add3A_759 : vector<16xi32>
      %and3A_761 = arith.constant 31 : i32
      %and3A_762 = vector.broadcast %and3A_761 : i32 to vector<16xi32>
      %and3A_763 = arith.andi %add3A_760, %and3A_762 : vector<16xi32>
      %add3A_764 = arith.addi %add3A_24, %and3A_763 : vector<16xi32>
      %add3A_765 = arith.addi %add3A_27, %and3A_763 : vector<16xi32>
      %shift_right_arithmetic3A_766 = arith.constant 7 : i32
      %shift_right_arithmetic3A_767 = vector.broadcast %shift_right_arithmetic3A_766 : i32 to vector<16xi32>
      %shift_right_arithmetic3A_768 = arith.shrsi %add3A_764, %shift_right_arithmetic3A_767 : vector<16xi32>
      %and3A_769 = arith.constant 127 : i32
      %and3A_770 = vector.broadcast %and3A_769 : i32 to vector<16xi32>
      %and3A_771 = arith.andi %add3A_764, %and3A_770 : vector<16xi32>
      %gather3A_772 = tpu.vector_load_idx %arg6[%shift_right_arithmetic3A_768, %and3A_771] : memref<256x128xf32, #tpu.memory_space<vmem>>[vector<16xi32>, vector<16xi32>], vector<16xf32>,
      %shift_right_arithmetic3A_773 = arith.constant 7 : i32
      %shift_right_arithmetic3A_774 = vector.broadcast %shift_right_arithmetic3A_773 : i32 to vector<16xi32>
      %shift_right_arithmetic3A_775 = arith.shrsi %add3A_765, %shift_right_arithmetic3A_774 : vector<16xi32>
      %and3A_776 = arith.constant 127 : i32
      %and3A_777 = vector.broadcast %and3A_776 : i32 to vector<16xi32>
      %and3A_778 = arith.andi %add3A_765, %and3A_777 : vector<16xi32>
      %gather3A_779 = tpu.vector_load_idx %arg6[%shift_right_arithmetic3A_775, %and3A_778] : memref<256x128xf32, #tpu.memory_space<vmem>>[vector<16xi32>, vector<16xi32>], vector<16xf32>,
      %mul3A_780 = arith.mulf %gather3A_772, %gather3A_779 : vector<16xf32>
      %add3A_781 = arith.addf %add3A_753, %mul3A_780 : vector<16xf32>
      %mul3A_782 = arith.mulf %gather3A_772, %gather3A_772 : vector<16xf32>
      %add3A_783 = arith.addf %add3A_755, %mul3A_782 : vector<16xf32>
      %mul3A_784 = arith.mulf %gather3A_779, %gather3A_779 : vector<16xf32>
      %add3A_785 = arith.addf %add3A_757, %mul3A_784 : vector<16xf32>
      %add3A_786 = arith.constant 27 : i32
      %add3A_787 = vector.broadcast %add3A_786 : i32 to vector<16xi32>
      %add3A_788 = arith.addi %iota3A, %add3A_787 : vector<16xi32>
      %and3A_789 = arith.constant 31 : i32
      %and3A_790 = vector.broadcast %and3A_789 : i32 to vector<16xi32>
      %and3A_791 = arith.andi %add3A_788, %and3A_790 : vector<16xi32>
      %add3A_792 = arith.addi %add3A_24, %and3A_791 : vector<16xi32>
      %add3A_793 = arith.addi %add3A_27, %and3A_791 : vector<16xi32>
      %shift_right_arithmetic3A_794 = arith.constant 7 : i32
      %shift_right_arithmetic3A_795 = vector.broadcast %shift_right_arithmetic3A_794 : i32 to vector<16xi32>
      %shift_right_arithmetic3A_796 = arith.shrsi %add3A_792, %shift_right_arithmetic3A_795 : vector<16xi32>
      %and3A_797 = arith.constant 127 : i32
      %and3A_798 = vector.broadcast %and3A_797 : i32 to vector<16xi32>
      %and3A_799 = arith.andi %add3A_792, %and3A_798 : vector<16xi32>
      %gather3A_800 = tpu.vector_load_idx %arg6[%shift_right_arithmetic3A_796, %and3A_799] : memref<256x128xf32, #tpu.memory_space<vmem>>[vector<16xi32>, vector<16xi32>], vector<16xf32>,
      %shift_right_arithmetic3A_801 = arith.constant 7 : i32
      %shift_right_arithmetic3A_802 = vector.broadcast %shift_right_arithmetic3A_801 : i32 to vector<16xi32>
      %shift_right_arithmetic3A_803 = arith.shrsi %add3A_793, %shift_right_arithmetic3A_802 : vector<16xi32>
      %and3A_804 = arith.constant 127 : i32
      %and3A_805 = vector.broadcast %and3A_804 : i32 to vector<16xi32>
      %and3A_806 = arith.andi %add3A_793, %and3A_805 : vector<16xi32>
      %gather3A_807 = tpu.vector_load_idx %arg6[%shift_right_arithmetic3A_803, %and3A_806] : memref<256x128xf32, #tpu.memory_space<vmem>>[vector<16xi32>, vector<16xi32>], vector<16xf32>,
      %mul3A_808 = arith.mulf %gather3A_800, %gather3A_807 : vector<16xf32>
      %add3A_809 = arith.addf %add3A_781, %mul3A_808 : vector<16xf32>
      %mul3A_810 = arith.mulf %gather3A_800, %gather3A_800 : vector<16xf32>
      %add3A_811 = arith.addf %add3A_783, %mul3A_810 : vector<16xf32>
      %mul3A_812 = arith.mulf %gather3A_807, %gather3A_807 : vector<16xf32>
      %add3A_813 = arith.addf %add3A_785, %mul3A_812 : vector<16xf32>
      %add3A_814 = arith.constant 28 : i32
      %add3A_815 = vector.broadcast %add3A_814 : i32 to vector<16xi32>
      %add3A_816 = arith.addi %iota3A, %add3A_815 : vector<16xi32>
      %and3A_817 = arith.constant 31 : i32
      %and3A_818 = vector.broadcast %and3A_817 : i32 to vector<16xi32>
      %and3A_819 = arith.andi %add3A_816, %and3A_818 : vector<16xi32>
      %add3A_820 = arith.addi %add3A_24, %and3A_819 : vector<16xi32>
      %add3A_821 = arith.addi %add3A_27, %and3A_819 : vector<16xi32>
      %shift_right_arithmetic3A_822 = arith.constant 7 : i32
      %shift_right_arithmetic3A_823 = vector.broadcast %shift_right_arithmetic3A_822 : i32 to vector<16xi32>
      %shift_right_arithmetic3A_824 = arith.shrsi %add3A_820, %shift_right_arithmetic3A_823 : vector<16xi32>
      %and3A_825 = arith.constant 127 : i32
      %and3A_826 = vector.broadcast %and3A_825 : i32 to vector<16xi32>
      %and3A_827 = arith.andi %add3A_820, %and3A_826 : vector<16xi32>
      %gather3A_828 = tpu.vector_load_idx %arg6[%shift_right_arithmetic3A_824, %and3A_827] : memref<256x128xf32, #tpu.memory_space<vmem>>[vector<16xi32>, vector<16xi32>], vector<16xf32>,
      %shift_right_arithmetic3A_829 = arith.constant 7 : i32
      %shift_right_arithmetic3A_830 = vector.broadcast %shift_right_arithmetic3A_829 : i32 to vector<16xi32>
      %shift_right_arithmetic3A_831 = arith.shrsi %add3A_821, %shift_right_arithmetic3A_830 : vector<16xi32>
      %and3A_832 = arith.constant 127 : i32
      %and3A_833 = vector.broadcast %and3A_832 : i32 to vector<16xi32>
      %and3A_834 = arith.andi %add3A_821, %and3A_833 : vector<16xi32>
      %gather3A_835 = tpu.vector_load_idx %arg6[%shift_right_arithmetic3A_831, %and3A_834] : memref<256x128xf32, #tpu.memory_space<vmem>>[vector<16xi32>, vector<16xi32>], vector<16xf32>,
      %mul3A_836 = arith.mulf %gather3A_828, %gather3A_835 : vector<16xf32>
      %add3A_837 = arith.addf %add3A_809, %mul3A_836 : vector<16xf32>
      %mul3A_838 = arith.mulf %gather3A_828, %gather3A_828 : vector<16xf32>
      %add3A_839 = arith.addf %add3A_811, %mul3A_838 : vector<16xf32>
      %mul3A_840 = arith.mulf %gather3A_835, %gather3A_835 : vector<16xf32>
      %add3A_841 = arith.addf %add3A_813, %mul3A_840 : vector<16xf32>
      %add3A_842 = arith.constant 29 : i32
      %add3A_843 = vector.broadcast %add3A_842 : i32 to vector<16xi32>
      %add3A_844 = arith.addi %iota3A, %add3A_843 : vector<16xi32>
      %and3A_845 = arith.constant 31 : i32
      %and3A_846 = vector.broadcast %and3A_845 : i32 to vector<16xi32>
      %and3A_847 = arith.andi %add3A_844, %and3A_846 : vector<16xi32>
      %add3A_848 = arith.addi %add3A_24, %and3A_847 : vector<16xi32>
      %add3A_849 = arith.addi %add3A_27, %and3A_847 : vector<16xi32>
      %shift_right_arithmetic3A_850 = arith.constant 7 : i32
      %shift_right_arithmetic3A_851 = vector.broadcast %shift_right_arithmetic3A_850 : i32 to vector<16xi32>
      %shift_right_arithmetic3A_852 = arith.shrsi %add3A_848, %shift_right_arithmetic3A_851 : vector<16xi32>
      %and3A_853 = arith.constant 127 : i32
      %and3A_854 = vector.broadcast %and3A_853 : i32 to vector<16xi32>
      %and3A_855 = arith.andi %add3A_848, %and3A_854 : vector<16xi32>
      %gather3A_856 = tpu.vector_load_idx %arg6[%shift_right_arithmetic3A_852, %and3A_855] : memref<256x128xf32, #tpu.memory_space<vmem>>[vector<16xi32>, vector<16xi32>], vector<16xf32>,
      %shift_right_arithmetic3A_857 = arith.constant 7 : i32
      %shift_right_arithmetic3A_858 = vector.broadcast %shift_right_arithmetic3A_857 : i32 to vector<16xi32>
      %shift_right_arithmetic3A_859 = arith.shrsi %add3A_849, %shift_right_arithmetic3A_858 : vector<16xi32>
      %and3A_860 = arith.constant 127 : i32
      %and3A_861 = vector.broadcast %and3A_860 : i32 to vector<16xi32>
      %and3A_862 = arith.andi %add3A_849, %and3A_861 : vector<16xi32>
      %gather3A_863 = tpu.vector_load_idx %arg6[%shift_right_arithmetic3A_859, %and3A_862] : memref<256x128xf32, #tpu.memory_space<vmem>>[vector<16xi32>, vector<16xi32>], vector<16xf32>,
      %mul3A_864 = arith.mulf %gather3A_856, %gather3A_863 : vector<16xf32>
      %add3A_865 = arith.addf %add3A_837, %mul3A_864 : vector<16xf32>
      %mul3A_866 = arith.mulf %gather3A_856, %gather3A_856 : vector<16xf32>
      %add3A_867 = arith.addf %add3A_839, %mul3A_866 : vector<16xf32>
      %mul3A_868 = arith.mulf %gather3A_863, %gather3A_863 : vector<16xf32>
      %add3A_869 = arith.addf %add3A_841, %mul3A_868 : vector<16xf32>
      %add3A_870 = arith.constant 30 : i32
      %add3A_871 = vector.broadcast %add3A_870 : i32 to vector<16xi32>
      %add3A_872 = arith.addi %iota3A, %add3A_871 : vector<16xi32>
      %and3A_873 = arith.constant 31 : i32
      %and3A_874 = vector.broadcast %and3A_873 : i32 to vector<16xi32>
      %and3A_875 = arith.andi %add3A_872, %and3A_874 : vector<16xi32>
      %add3A_876 = arith.addi %add3A_24, %and3A_875 : vector<16xi32>
      %add3A_877 = arith.addi %add3A_27, %and3A_875 : vector<16xi32>
      %shift_right_arithmetic3A_878 = arith.constant 7 : i32
      %shift_right_arithmetic3A_879 = vector.broadcast %shift_right_arithmetic3A_878 : i32 to vector<16xi32>
      %shift_right_arithmetic3A_880 = arith.shrsi %add3A_876, %shift_right_arithmetic3A_879 : vector<16xi32>
      %and3A_881 = arith.constant 127 : i32
      %and3A_882 = vector.broadcast %and3A_881 : i32 to vector<16xi32>
      %and3A_883 = arith.andi %add3A_876, %and3A_882 : vector<16xi32>
      %gather3A_884 = tpu.vector_load_idx %arg6[%shift_right_arithmetic3A_880, %and3A_883] : memref<256x128xf32, #tpu.memory_space<vmem>>[vector<16xi32>, vector<16xi32>], vector<16xf32>,
      %shift_right_arithmetic3A_885 = arith.constant 7 : i32
      %shift_right_arithmetic3A_886 = vector.broadcast %shift_right_arithmetic3A_885 : i32 to vector<16xi32>
      %shift_right_arithmetic3A_887 = arith.shrsi %add3A_877, %shift_right_arithmetic3A_886 : vector<16xi32>
      %and3A_888 = arith.constant 127 : i32
      %and3A_889 = vector.broadcast %and3A_888 : i32 to vector<16xi32>
      %and3A_890 = arith.andi %add3A_877, %and3A_889 : vector<16xi32>
      %gather3A_891 = tpu.vector_load_idx %arg6[%shift_right_arithmetic3A_887, %and3A_890] : memref<256x128xf32, #tpu.memory_space<vmem>>[vector<16xi32>, vector<16xi32>], vector<16xf32>,
      %mul3A_892 = arith.mulf %gather3A_884, %gather3A_891 : vector<16xf32>
      %add3A_893 = arith.addf %add3A_865, %mul3A_892 : vector<16xf32>
      %mul3A_894 = arith.mulf %gather3A_884, %gather3A_884 : vector<16xf32>
      %add3A_895 = arith.addf %add3A_867, %mul3A_894 : vector<16xf32>
      %mul3A_896 = arith.mulf %gather3A_891, %gather3A_891 : vector<16xf32>
      %add3A_897 = arith.addf %add3A_869, %mul3A_896 : vector<16xf32>
      %add3A_898 = arith.constant 31 : i32
      %add3A_899 = vector.broadcast %add3A_898 : i32 to vector<16xi32>
      %add3A_900 = arith.addi %iota3A, %add3A_899 : vector<16xi32>
      %and3A_901 = arith.constant 31 : i32
      %and3A_902 = vector.broadcast %and3A_901 : i32 to vector<16xi32>
      %and3A_903 = arith.andi %add3A_900, %and3A_902 : vector<16xi32>
      %add3A_904 = arith.addi %add3A_24, %and3A_903 : vector<16xi32>
      %add3A_905 = arith.addi %add3A_27, %and3A_903 : vector<16xi32>
      %shift_right_arithmetic3A_906 = arith.constant 7 : i32
      %shift_right_arithmetic3A_907 = vector.broadcast %shift_right_arithmetic3A_906 : i32 to vector<16xi32>
      %shift_right_arithmetic3A_908 = arith.shrsi %add3A_904, %shift_right_arithmetic3A_907 : vector<16xi32>
      %and3A_909 = arith.constant 127 : i32
      %and3A_910 = vector.broadcast %and3A_909 : i32 to vector<16xi32>
      %and3A_911 = arith.andi %add3A_904, %and3A_910 : vector<16xi32>
      %gather3A_912 = tpu.vector_load_idx %arg6[%shift_right_arithmetic3A_908, %and3A_911] : memref<256x128xf32, #tpu.memory_space<vmem>>[vector<16xi32>, vector<16xi32>], vector<16xf32>,
      %shift_right_arithmetic3A_913 = arith.constant 7 : i32
      %shift_right_arithmetic3A_914 = vector.broadcast %shift_right_arithmetic3A_913 : i32 to vector<16xi32>
      %shift_right_arithmetic3A_915 = arith.shrsi %add3A_905, %shift_right_arithmetic3A_914 : vector<16xi32>
      %and3A_916 = arith.constant 127 : i32
      %and3A_917 = vector.broadcast %and3A_916 : i32 to vector<16xi32>
      %and3A_918 = arith.andi %add3A_905, %and3A_917 : vector<16xi32>
      %gather3A_919 = tpu.vector_load_idx %arg6[%shift_right_arithmetic3A_915, %and3A_918] : memref<256x128xf32, #tpu.memory_space<vmem>>[vector<16xi32>, vector<16xi32>], vector<16xf32>,
      %mul3A_920 = arith.mulf %gather3A_912, %gather3A_919 : vector<16xf32>
      %add3A_921 = arith.addf %add3A_893, %mul3A_920 : vector<16xf32>
      %mul3A_922 = arith.mulf %gather3A_912, %gather3A_912 : vector<16xf32>
      %add3A_923 = arith.addf %add3A_895, %mul3A_922 : vector<16xf32>
      %mul3A_924 = arith.mulf %gather3A_919, %gather3A_919 : vector<16xf32>
      %add3A_925 = arith.addf %add3A_897, %mul3A_924 : vector<16xf32>
      %mul3A_926 = arith.mulf %add3A_923, %add3A_925 : vector<16xf32>
      %max3A = arith.constant 1.000000e-16 : f32
      %max3A_927 = vector.broadcast %max3A : f32 to vector<16xf32>
      %max3A_928 = arith.maximumf %mul3A_926, %max3A_927 : vector<16xf32>
      %bitcast_convert_type3A = tpu.bitcast %max3A_928 : vector<16xf32> -> vector<16xi32>
      %shift_right_arithmetic3A_929 = arith.constant 1 : i32
      %shift_right_arithmetic3A_930 = vector.broadcast %shift_right_arithmetic3A_929 : i32 to vector<16xi32>
      %shift_right_arithmetic3A_931 = arith.shrsi %bitcast_convert_type3A, %shift_right_arithmetic3A_930 : vector<16xi32>
      %sub3A = arith.constant 1597463007 : i32
      %sub3A_932 = vector.broadcast %sub3A : i32 to vector<16xi32>
      %sub3A_933 = arith.subi %sub3A_932, %shift_right_arithmetic3A_931 : vector<16xi32>
      %bitcast_convert_type3A_934 = tpu.bitcast %sub3A_933 : vector<16xi32> -> vector<16xf32>
      %mul3A_935 = arith.constant 5.000000e-01 : f32
      %mul3A_936 = vector.broadcast %mul3A_935 : f32 to vector<16xf32>
      %mul3A_937 = arith.mulf %mul3A_936, %max3A_928 : vector<16xf32>
      %mul3A_938 = arith.mulf %mul3A_937, %bitcast_convert_type3A_934 : vector<16xf32>
      %mul3A_939 = arith.mulf %mul3A_938, %bitcast_convert_type3A_934 : vector<16xf32>
      %sub3A_940 = arith.constant 1.500000e+00 : f32
      %sub3A_941 = vector.broadcast %sub3A_940 : f32 to vector<16xf32>
      %sub3A_942 = arith.subf %sub3A_941, %mul3A_939 : vector<16xf32>
      %mul3A_943 = arith.mulf %bitcast_convert_type3A_934, %sub3A_942 : vector<16xf32>
      %mul3A_944 = arith.constant 5.000000e-01 : f32
      %mul3A_945 = vector.broadcast %mul3A_944 : f32 to vector<16xf32>
      %mul3A_946 = arith.mulf %mul3A_945, %max3A_928 : vector<16xf32>
      %mul3A_947 = arith.mulf %mul3A_946, %mul3A_943 : vector<16xf32>
      %mul3A_948 = arith.mulf %mul3A_947, %mul3A_943 : vector<16xf32>
      %sub3A_949 = arith.constant 1.500000e+00 : f32
      %sub3A_950 = vector.broadcast %sub3A_949 : f32 to vector<16xf32>
      %sub3A_951 = arith.subf %sub3A_950, %mul3A_948 : vector<16xf32>
      %mul3A_952 = arith.mulf %mul3A_943, %sub3A_951 : vector<16xf32>
      %mul3A_953 = arith.constant 5.000000e-01 : f32
      %mul3A_954 = vector.broadcast %mul3A_953 : f32 to vector<16xf32>
      %mul3A_955 = arith.mulf %mul3A_954, %max3A_928 : vector<16xf32>
      %mul3A_956 = arith.mulf %mul3A_955, %mul3A_952 : vector<16xf32>
      %mul3A_957 = arith.mulf %mul3A_956, %mul3A_952 : vector<16xf32>
      %sub3A_958 = arith.constant 1.500000e+00 : f32
      %sub3A_959 = vector.broadcast %sub3A_958 : f32 to vector<16xf32>
      %sub3A_960 = arith.subf %sub3A_959, %mul3A_957 : vector<16xf32>
      %mul3A_961 = arith.mulf %mul3A_952, %sub3A_960 : vector<16xf32>
      %mul3A_962 = arith.mulf %add3A_921, %mul3A_961 : vector<16xf32>
      %mul3A_963 = arith.constant 16 : i32
      %mul3A_964 = arith.muli %scan3A_17, %mul3A_963 : i32
      %swap3A = arith.index_cast %mul3A_964 : i32 to index
      %swap3A_965 = tpu.vector_load %arg7[%swap3A] {strides = array<i32>} : memref<512xf32, #tpu.memory_space<vmem>>, vector<16xf32>,
      tpu.vector_store %arg7[%swap3A], %mul3A_962 {strides = array<i32>} : memref<512xf32, #tpu.memory_space<vmem>>, vector<16xf32>,
    }
    %scan3A_14 = arith.constant 32 : i32
    %mul3A_15 = arith.constant 512 : i32
    %mul3A_16 = arith.muli %add3A, %mul3A_15 : i32
    "tpu.region"() ({
      %run_scoped3A = tpu.sem_alloc : memref<!tpu.dma_semaphore, #tpu.memory_space<semaphore_mem>>
      %dma_start3A = tpu.memref_slice %arg4[%mul3A_16] : memref<16384xf32, #tpu.memory_space<hbm>> -> memref<512xf32, #tpu.memory_space<hbm>>
      %dma_start3A_17 = tpu.memref_slice %arg4[%mul3A_16] : memref<16384xf32, #tpu.memory_space<hbm>> -> memref<512xf32, #tpu.memory_space<hbm>>
      tpu.enqueue_dma source(%arg7 : memref<512xf32, #tpu.memory_space<vmem>>) target(%dma_start3A_17 : memref<512xf32, #tpu.memory_space<hbm>>) target_semaphore(%run_scoped3A : memref<!tpu.dma_semaphore, #tpu.memory_space<semaphore_mem>>)
      %dma_wait3A = tpu.memref_slice %arg4[%mul3A_16] : memref<16384xf32, #tpu.memory_space<hbm>> -> memref<512xf32, #tpu.memory_space<hbm>>
      %dma_wait3A_18 = tpu.memref_slice %arg4[%mul3A_16] : memref<16384xf32, #tpu.memory_space<hbm>> -> memref<512xf32, #tpu.memory_space<hbm>>
      tpu.wait_dma2 semaphore(%run_scoped3A : memref<!tpu.dma_semaphore, #tpu.memory_space<semaphore_mem>>) src(%arg7 : memref<512xf32, #tpu.memory_space<vmem>>) dst(%dma_wait3A_18 : memref<512xf32, #tpu.memory_space<hbm>>)
      tpu.yield
    }) : () -> ()
    return
  }
}

</mosaic_0001>

<sc_bundles>
// kernel: kernel.3.cloned.1.call-start
scs
__scs_entry_jumppad:
0x0: {  	(pc) =	sbr.rel $0x88, $3  }
0x1: {  	(tag) =	ssettag $0x0;
	lr =	simm.s32 $0x1  }
0x2: {  	[smem:$0x3F9F] =	sst lr;
	_ =	strace $0xD0000000  }
0x3: {  	_ = 	snop  }
0x4: {  	_ = 	snop  }
0x5: {  	_ = 	snop  }
0x6: {  	_ = 	snop  }
0x7: {  	_ = 	snop  }
__scs_overlays_trampoline_lowered:
0x8: {  	[smem:$0x3FAE] =	sst s0  }
0x9: {  	[smem:$0x3FAF] =	sst s1  }
0xa: {  	[smem:$0x3FB0] =	sst s2  }
0xb: {  	[smem:$0x3FB1] =	sst s3  }
0xc: {  	[smem:$0x3FB2] =	sst s4  }
0xd: {  	[smem:$0x3FB3] =	sst s5  }
0xe: {  	[smem:$0x3FB4] =	sst s6  }
0xf: {  	[smem:$0x3FB5] =	sst s7  }
0x10: {  	[smem:$0x3FB6] =	sst s8  }
0x11: {  	[smem:$0x3FB7] =	sst s9;
	s0 =	simm.s32 @!p0 $0x0  }
0x12: {  	s1 =	sld [smem:$0x3F9D];
	s0 =	simm.s32 @p0 $0x1  }
0x13: {  	[smem:$0x3FB8] =	sst s0;
	s0 =	simm.s32 @!p1 $0x0  }
0x14: {  	s2 =	sld [smem:$0x3F9C];
	s0 =	simm.s32 @p1 $0x1  }
0x15: {  	[smem:$0x3FB9] =	sst s0;
	s0 =	simm.s32 @!p2 $0x0  }
0x16: {  	s3 =	sld [smem:$0x3FDB];
	s0 =	simm.s32 @p2 $0x1  }
0x17: {  	s4 =	simm.s32 $0x1BF5;
	[smem:$0x3FBB] =	sst s0  }
0x18: {  	s0 =	sld [smem:$0x3F9E];
	_ =	swait.ge [sflag:s4], $0x0  }
0x19: {  	s7 =	sld [smem:$0x3F9F]  }
0x1a: {  	s8 =	sadd.s32 $0xFFFFE003, lr  }
0x1b: {  	s9 =	sadd.s32 $0xFFFFFEF7, lr;
	s5 =	simm.s32 $0xFFFFFFFF;
	p2 =	slt.u32 s8, $0xFFFFF086  }
0x1c: {  	p1 =	slt.u32 s9, $0xF7A;
	s5 =	simm.s32 @!p2 $0x0  }
0x1d: {  	s5 =	simm.s32 @p1 $0x1;
	p0 =	seq.s32 s7, s2  }
0x1e: {  	s7 =	smul.u32 @!p0 $0xF7A, s2;
	p2 =	seq.s32 @!p0 s5, $0x0  }
0x1f: {  	s9 =	smul.u32 $0xF7A, s1;
	s8 =	simm.s32 @!p0 $0x1BF5;
	p2 =	por !p2, p0  }
0x20: {  	[sflag:s8] =	ssyncset.s32 @!p0 $0xFFFFF086;
	s6 =	sadd.s32 @!p0 s3, s7;
	s7 =	simm.s32 @!p0 $0x108  }
0x21: {  	s3 =	sadd.s32 s3, s9;
	s6 =	sadd.s32 @!p0 $0x88, s6;
	s7 =	simm.s32 @p2 $0x1082  }
0x22: {  	[simem:s7], [sflag:s8] =	dma.local @!p0 [hbm:s6], $0xF7A  }
0x23: {  	s9 =	sor.u32 $0xD0000000, s2;
	s6 =	simm.s32 $0x108;
	_ =	swait.ge @!p0 [sflag:s8], $0x0  }
0x24: {  	s3 =	sadd.s32 $0x88, s3;
	s6 =	simm.s32 @!p1 $0x1082;
	[sflag:s4] =	ssyncset.s32 $0xFFFFF086  }
0x25: {  	[simem:s6], [sflag:s4] =	dma.local [hbm:s3], $0xF7A  }
0x26: {  	[smem:$0x3F9F] =	sst s1;
	(tag) =	ssettag s2;
	_ =	strace s9  }
0x27: {  	s1 =	sld [smem:$0x3FAF]  }
0x28: {  	s2 =	sld [smem:$0x3FB0]  }
0x29: {  	s4 =	sld [smem:$0x3FB2]  }
0x2a: {  	p0 =	seq.s32 s5, $0x0;
	s5 =	sld [smem:$0x3FB3]  }
0x2b: {  	s6 =	sld [smem:$0x3FB4]  }
0x2c: {  	s7 =	sld [smem:$0x3FB5]  }
0x2d: {  	s3 =	simm.s32 $0x108;
	s8 =	sld [smem:$0x3FB6]  }
0x2e: {  	s3 =	simm.s32 @!p0 $0x1082;
	s9 =	sld [smem:$0x3FB7]  }
0x2f: {  	lr =	sadd.s32 s0, s3;
	s0 =	sld [smem:$0x3FAE]  }
0x30: {  	s3 =	sld [smem:$0x3FB1]  }
0x31: {  	[smem:$0x3FBA] =	sst s10  }
0x32: {  	s10 =	sld [smem:$0x3FB8];
	_ =	sdelay $0x3  }
0x33: {  	p0 =	seq.s32 s10, $0x1;
	s10 =	sld [smem:$0x3FBA];
	_ =	sdelay $0x3  }
0x34: {  	[smem:$0x3FBA] =	sst s10  }
0x35: {  	s10 =	sld [smem:$0x3FB9];
	_ =	sdelay $0x3  }
0x36: {  	p1 =	seq.s32 s10, $0x1;
	s10 =	sld [smem:$0x3FBA];
	_ =	sdelay $0x3  }
0x37: {  	[smem:$0x3FBA] =	sst s10  }
0x38: {  	s10 =	sld [smem:$0x3FBB]  }
0x39: {  	_ = 	snop;
	(pc) =	sbr.ind lr, $3  }
0x3a: {  	_ = 	snop  }
0x3b: {  	_ = 	snop  }
0x3c: {  	p2 =	seq.s32 s10, $0x1;
	s10 =	sld [smem:$0x3FBA]  }
0x3d: {  	_ =	shalt  }
0x3e: {  	_ =	shalt  }
0x3f: {  	_ =	shalt  }
0x40: {  	_ =	shalt  }
0x41: {  	_ =	shalt  }
0x42: {  	_ =	shalt  }
0x43: {  	_ =	shalt  }
0x44: {  	_ =	shalt  }
0x45: {  	_ =	shalt  }
0x46: {  	_ =	shalt  }
0x47: {  	_ =	shalt  }
0x48: {  	_ =	shalt  }
0x49: {  	_ =	shalt  }
0x4a: {  	_ =	shalt  }
0x4b: {  	_ =	shalt  }
0x4c: {  	_ =	shalt  }
0x4d: {  	_ =	shalt  }
0x4e: {  	_ =	shalt  }
0x4f: {  	_ =	shalt  }
0x50: {  	_ =	shalt  }
0x51: {  	_ =	shalt  }
0x52: {  	_ =	shalt  }
0x53: {  	_ =	shalt  }
0x54: {  	_ =	shalt  }
0x55: {  	_ =	shalt  }
0x56: {  	_ =	shalt  }
0x57: {  	_ =	shalt  }
0x58: {  	_ =	shalt  }
0x59: {  	_ =	shalt  }
0x5a: {  	_ =	shalt  }
0x5b: {  	_ =	shalt  }
0x5c: {  	_ =	shalt  }
0x5d: {  	_ =	shalt  }
0x5e: {  	_ =	shalt  }
0x5f: {  	_ =	shalt  }
0x60: {  	_ =	shalt  }
0x61: {  	_ =	shalt  }
0x62: {  	_ =	shalt  }
0x63: {  	_ =	shalt  }
0x64: {  	_ =	shalt  }
0x65: {  	_ =	shalt  }
0x66: {  	_ =	shalt  }
0x67: {  	_ =	shalt  }
0x68: {  	_ =	shalt  }
0x69: {  	_ =	shalt  }
0x6a: {  	_ =	shalt  }
0x6b: {  	_ =	shalt  }
0x6c: {  	_ =	shalt  }
0x6d: {  	_ =	shalt  }
0x6e: {  	_ =	shalt  }
0x6f: {  	_ =	shalt  }
0x70: {  	_ =	shalt  }
0x71: {  	_ =	shalt  }
0x72: {  	_ =	shalt  }
0x73: {  	_ =	shalt  }
0x74: {  	_ =	shalt  }
0x75: {  	_ =	shalt  }
0x76: {  	_ =	shalt  }
0x77: {  	_ =	shalt  }
0x78: {  	_ =	shalt  }
0x79: {  	_ =	shalt  }
0x7a: {  	_ =	shalt  }
0x7b: {  	_ =	shalt  }
0x7c: {  	_ =	shalt  }
0x7d: {  	_ =	shalt  }
0x7e: {  	_ =	shalt  }
0x7f: {  	_ =	shalt  }
0x80: {  	_ =	shalt  }
0x81: {  	_ =	shalt  }
0x82: {  	_ =	shalt  }
0x83: {  	_ =	shalt  }
0x84: {  	_ =	shalt  }
0x85: {  	_ =	shalt  }
0x86: {  	_ =	shalt  }
0x87: {  	_ =	shalt  }
.Lfunc_end0:
.L_simem_size_0:
called_computation_lowered:
.L_overlay_start_0:
0x88: {  	s2 =	sld [smem:$0x3FD9]  }
0x89: {  	s3 =	sld [smem:$0x3FFE];
	_ =	sdelay $0x1  }
0x8a: {  	s1 =	srdreg.scid  }
0x8b: {  	s0 =	sand.u32 $0x1, s1  }
0x8c: {  	s17 =	sshll.u32 s0, $0xA;
	s2 =	sadd.s32 s3, s2  }
0x8d: {  	s2 =	sadd.s32 s2, s17  }
0x8e: {  	[smem:$0x3FC6] =	sst s2  }
0x8f: {  	_ = 	snop  }
0x90: {  	s2 =	sld [smem:$0x3FD0];
	(tm) =	ssettm $0x1  }
0x91: {  	s18 =	sld [smem:$0x3FFB];
	_ =	sdelay $0x3  }
0x92: {  	_ =	strace s18  }
0x93: {  	s3 =	sld [smem:$0x3FFC];
	_ =	sdelay $0x3  }
0x94: {  	_ =	strace s3  }
0x95: {  	s3 =	sld [smem:$0x3FFD];
	_ =	sdelay $0x3  }
0x96: {  	_ =	strace s3  }
0x97: {  	_ =	strace $0x8FFFFFFF  }
0x98: {  	s19 =	sld [smem:$0x3FDB];
	_ =	sdelay $0x1  }
0x99: {  	s4 =	simm.s32 $_scs_section_size  }
0x9a: {  	s5 =	simm.s32 $_size__tile_overlayer_lowered;
	s6 =	simm.s32 $_tile_overlayer_lowered  }
0x9b: {  	s22 =	simm.s32 $0x1BFF;
	s21 =	sshll.u32 s6, $0x1;
	s3 =	sadd.s32 s4, s19  }
0x9c: {  	s7 =	simm.s32 $0x0;
	s20 =	sshll.u32 s5, $0x1;
	s5 =	sadd.s32 s21, s3  }
0x9d: {  	[timem:s7], [sflag:s22] =	dma.local [hbm:s5], s20  }
0x9e: {  	_ =	swait.ge [sflag:s22], s20  }
0x9f: {  	s4 =	ssub.s32 $0x0, s20;
	[sflag:s22] =	ssyncset.done $0x0  }
0xa0: {  	[sflag:s22] =	ssyncadd.s32 s4;
	_ =	sdelay $0x1  }
0xa1: {  	s23 =	simm.s32 $0x1B8B  }
0xa2: {  	_ =	swait.ge [sflag:s23], $0x1  }
0xa3: {  	[sflag:s23] =	ssyncset.done $0x0  }
0xa4: {  	s25 =	simm.s32 $0x1B8E;
	s24 =	sld [smem:$0x3FFE];
	[sflag:s23] =	ssyncadd.s32 $0xFFFFFFFF  }
0xa5: {  	s26 =	simm.s32 $execute0_lowered;
	[smem:$0x3FD2] =	sst s25  }
0xa6: {  	s5 =	sshll.u32 s26, $0x1;
	_ =	strace $0x80000046;
	[dreg:$0x1] =	wrdreg $0xFFFFFFFF  }
0xa7: {  	s28 =	simm.s32 $_size_execute0_lowered;
	s3 =	sadd.s32 s3, s5;
	[dreg:$0x0] =	wrdreg $0x0  }
0xa8: {  	s5 =	sshll.u32 s28, $0x1;
	[dreg:$0x2] =	wrdreg s3  }
0xa9: {  	[dreg:$0x3] =	wrdreg s5  }
0xaa: {  	[dreg:$0x4] =	wrdreg $0xC0  }
0xab: {  	_ =	task [dreg:s7], $0x5FFFF  }
0xac: {  	[dreg:$0x1] =	wrdreg $0xFFFFFFFF  }
0xad: {  	[dreg:$0x0] =	wrdreg $0x60  }
0xae: {  	[dreg:$0x2] =	wrdreg s24  }
0xaf: {  	[dreg:$0x3] =	wrdreg s2  }
0xb0: {  	[dreg:$0x4] =	wrdreg $0x9  }
0xb1: {  	_ =	task.clear_ibuf [dreg:s7], $0x5FFFF;
	_ =	strace $0x90000046  }
0xb2: {  	s29 =	simm.s32 $0x9;
	_ =	strace $0x80000048  }
0xb3: {  	_ =	swait.ge [sflag:s29], $0x1  }
0xb4: {  	[sflag:s29] =	ssyncadd.s32 $0xFFFFFFFF  }
0xb5: {  	_ =	strace $0x90000048  }
0xb6: {  	_ =	sfence  }
0xb7: {  	s30 =	sld [smem:$0x0];
	_ =	sdelay $0x2  }
0xb8: {  	s31 =	sshll.u32 s1, $0xD;
	s1 =	sshrl.u32 s1, $0x2  }
0xb9: {  	s3 =	sand.u32 $0x4000, s31;
	s1 =	sadd.s32 s1, s30  }
0xba: {  	s0 =	sor.u32 s3, s0;
	s1 =	sshll.u32 s1, $0x11  }
0xbb: {  	s0 =	sor.u32 s1, s0  }
0xbc: {  	s0 =	sadd.s32 $0x8F2B, s0  }
0xbd: {  	[sflag:s0] =	ssyncadd.remote.s32 $0x1  }
0xbe: {  	_ =	sfence.sel $0xFFFF  }
0xbf: {  	[dreg:$0x0] =	wrdreg $0xFFFFFFFF;
	(pc) =	sbr.abs _section_cstart, $3  }
0xc0: {  	[dreg:$0x1] =	wrdreg $0xFFFFFFFF  }
0xc1: {  	_ =	task.clear_ibuf [dreg:s7], $0x2FFFF;
	_ =	strace $0x9FFFFFFF  }
0xc2: {  	(tm) =	ssettm $0x7FFFFFFF  }
0xc3: {  	_ =	shalt  }
tec
execute0_lowered:
.L_overlay_start_1:
0x0: {  	(tag) =	ssettag $0x1  }
0x1: {  	v0 =	vimm.s32 $0x74533211;
	v1 =	vimm.s32 $0xF8D7B695  }
0x2: {  	vm3 =	vcmask $0xF00;
	vm2 =	vcmask $0x1F10;
	v2 =	vimm.s32 $0x75543312  }
0x3: {  	v3 =	vimm.s32 $0x41E0;
	vm1 =	vcmask $0x300;
	vm0 =	vcmask $0x704  }
0x4: {  	v4 =	vimm.s32 $0x77563514;
	v5 =	vimm.s32 $0x78573615;
	v6 =	vimm.s32 $0xFAD9B897  }
0x5: {  	v7 =	vimm.s32 $0x79583716;
	v8 =	vimm.s32 $0x7A593817;
	v9 =	vimm.s32 $0x7B5A3918  }
0x6: {  	v10 =	vimm.s32 $0x7C5B3A19;
	v11 =	vimm.s32 $0x7D5C3B1A;
	v12 =	vimm.s32 $0x7E5D3C1B  }
0x7: {  	v13 =	vimm.s32 $0x7F5E3D1C;
	v15 =	vimm.s32 $0x605F3E1D;
	v16 =	vimm.s32 $0x61403F1E  }
0x8: {  	v17 =	vimm.s32 $0x6241201F;
	vm13 =	vcmask $0xB08;
	v20 =	vimm.s32 $0xFDDCBB9A  }
0x9: {  	v21 =	vimm.s32 $0x41E1;
	v59 =	vimm.s32 $0xFFDEBD9C;
	v22 =	vimm.s32 $0xE0DFBE9D  }
0xa: {  	v60 =	vimm.s32 $0xE2C1A09F;
	v61 =	vimm.s32 $0xE3C2A180;
	v63 =	vimm.s32 $0xE6C5A483  }
0xb: {  	vm14 =	vcmask $0xF0C;
	v34 =	vimm.s32 $0x41E2;
	v35 =	vimm.s32 $0x41E3  }
0xc: {  	v36 =	vimm.s32 $0x41E4;
	v37 =	vimm.s32 $0x41E5;
	v38 =	vimm.s32 $0x41E6  }
0xd: {  	v39 =	vimm.s32 $0x41E7;
	v40 =	vimm.s32 $0x41E8;
	v41 =	vimm.s32 $0x41E9  }
0xe: {  	v25 =	vimm.s32 $0x41EA;
	v26 =	vimm.s32 $0x41EB;
	v27 =	vimm.s32 $0x41EC  }
0xf: {  	v28 =	vimm.s32 $0x41ED;
	v29 =	vimm.s32 $0x41EE;
	vm15 =	vcmask $0x2320  }
0x10: {  	vm4 =	vcmask $0x1310;
	vm7 =	vcmask $0x1714;
	vm8 =	vcmask $0x2724  }
0x11: {  	vm9 =	vcmask $0x1B18;
	vm10 =	vcmask $0x1F1C;
	vm11 =	vcmask $0x2B28  }
0x12: {  	vm12 =	vcmask $0x2F2C;
	v30 =	vlaneseq.u32;
	v0 =	vunpack.c.0.s8.s32 v0  }
0x13: {  	v1 =	vunpack.c.0.s8.s32 v1;
	v2 =	vunpack.c.0.s8.s32 v2;
	v4 =	vunpack.c.0.s8.s32 v4  }
0x14: {  	v5 =	vunpack.c.0.s8.s32 v5;
	v6 =	vunpack.c.0.s8.s32 v6;
	v7 =	vunpack.c.0.s8.s32 v7  }
0x15: {  	v8 =	vunpack.c.0.s8.s32 v8;
	v9 =	vunpack.c.0.s8.s32 v9;
	v10 =	vunpack.c.0.s8.s32 v10  }
0x16: {  	v11 =	vunpack.c.0.s8.s32 v11;
	v12 =	vunpack.c.0.s8.s32 v12;
	v13 =	vunpack.c.0.s8.s32 v13  }
0x17: {  	v15 =	vunpack.c.0.s8.s32 v15;
	v16 =	vunpack.c.0.s8.s32 v16;
	v17 =	vunpack.c.0.s8.s32 v17  }
0x18: {  	v20 =	vunpack.c.0.s8.s32 v20;
	v22 =	vunpack.c.0.s8.s32 v22;
	v25 =	vsel vm1, $0x401B, v25  }
0x19: {  	v26 =	vsel vm1, $0x401C, v26;
	v27 =	vsel vm1, $0x401D, v27;
	v28 =	vsel vm1, $0x401E, v28  }
0x1a: {  	v29 =	vsel vm1, $0x401F, v29;
	v48 =	vmul.u32 $0x21, v30;
	v25 =	vsel vm0, $0x403C, v25  }
0x1b: {  	v26 =	vsel vm0, $0x403D, v26;
	v27 =	vsel vm0, $0x403E, v27;
	v28 =	vsel vm0, $0x403F, v28  }
0x1c: {  	v29 =	vsel vm0, $0x4020, v29;
	v0 =	vand.u32 $0xFF, v0;
	v1 =	vand.u32 $0xFF, v1  }
0x1d: {  	v2 =	vand.u32 $0xFF, v2;
	v4 =	vand.u32 $0xFF, v4;
	v5 =	vand.u32 $0xFF, v5  }
0x1e: {  	v7 =	vand.u32 $0xFF, v7;
	v8 =	vand.u32 $0xFF, v8;
	v9 =	vand.u32 $0xFF, v9  }
0x1f: {  	v10 =	vand.u32 $0xFF, v10;
	v11 =	vand.u32 $0xFF, v11;
	v12 =	vand.u32 $0xFF, v12  }
0x20: {  	v13 =	vand.u32 $0xFF, v13;
	v57 =	vand.u32 $0xFF, v17;
	v17 =	vsel vm1, $0x4014, v35  }
0x21: {  	v25 =	vsel vm13, $0x405D, v25;
	v26 =	vsel vm13, $0x405E, v26;
	v27 =	vsel vm13, $0x405F, v27  }
0x22: {  	v28 =	vsel vm13, $0x4040, v28;
	v29 =	vsel vm13, $0x4041, v29;
	v0 =	vnsel vm3, $0x1E0, v0  }
0x23: {  	v2 =	vnsel vm3, $0x1E1, v2;
	v4 =	vnsel vm3, $0x1E3, v4;
	v5 =	vnsel vm3, $0x1E4, v5  }
0x24: {  	v7 =	vnsel vm3, $0x1E5, v7;
	v8 =	vnsel vm3, $0x1E6, v8;
	v9 =	vnsel vm3, $0x1E7, v9  }
0x25: {  	v10 =	vnsel vm3, $0x1E8, v10;
	v11 =	vnsel vm3, $0x1E9, v11;
	v18 =	vnsel vm3, $0x1EA, v12  }
0x26: {  	v13 =	vnsel vm3, $0x1EB, v13;
	v12 =	vand.u32 $0xFF, v15;
	v17 =	vsel vm0, $0x4035, v17  }
0x27: {  	v25 =	vsel vm14, $0x407E, v25;
	v26 =	vsel vm14, $0x407F, v26;
	v27 =	vsel vm14, $0x4060, v27  }
0x28: {  	v28 =	vsel vm14, $0x4061, v28;
	v29 =	vsel vm14, $0x4062, v29;
	v14 =	vsel vm2, v1, v0  }
0x29: {  	v0 =	vsel vm1, $0x4011, v3;
	v1 =	vimm.s32 $0x76553413;
	v3 =	vimm.s32 $0xF9D8B796  }
0x2a: {  	v15 =	vnsel vm3, $0x1EC, v12;
	v12 =	vand.u32 $0xFF, v16;
	v16 =	vnsel vm3, $0x1EE, v57  }
0x2b: {  	v17 =	vsel vm13, $0x4056, v17;
	v25 =	vsel vm4, $0x409F, v25;
	v26 =	vsel vm4, $0x4080, v26  }
0x2c: {  	v27 =	vsel vm4, $0x4081, v27;
	v28 =	vsel vm4, $0x4082, v28;
	v29 =	vsel vm4, $0x4083, v29  }
0x2d: {  	v57 =	vadd.s32 $0x1, v48;
	v1 =	vunpack.c.0.s8.s32 v1;
	v0 =	vsel vm0, $0x4032, v0  }
0x2e: {  	v3 =	vunpack.c.0.s8.s32 v3;
	v58 =	vnsel vm3, $0x1ED, v12;
	v12 =	vimm.s32 $0xFCDBBA99  }
0x2f: {  	v14 =	vsel vm15, $0x119, v14;
	v17 =	vsel vm14, $0x4077, v17;
	v25 =	vsel vm7, $0x40A0, v25  }
0x30: {  	v26 =	vsel vm7, $0x40A1, v26;
	v27 =	vsel vm7, $0x40A2, v27;
	v28 =	vsel vm7, $0x40A3, v28  }
0x31: {  	v29 =	vsel vm7, $0x40A4, v29;
	v19 =	vsel vm13, $0x4053, v0;
	v12 =	vunpack.c.0.s8.s32 v12  }
0x32: {  	v17 =	vsel vm4, $0x4098, v17;
	v14 =	vsel vm8, $0x13A, v14;
	v25 =	vsel vm9, $0x40C1, v25  }
0x33: {  	v26 =	vsel vm9, $0x40C2, v26;
	v27 =	vsel vm9, $0x40C3, v27;
	v28 =	vsel vm9, $0x40C4, v28  }
0x34: {  	v29 =	vsel vm9, $0x40C5, v29;
	v1 =	vand.u32 $0xFF, v1;
	v0 =	vand.u32 $0xFF, v3  }
0x35: {  	v3 =	vand.u32 $0xFF, v6;
	v6 =	vimm.s32 $0xFBDAB998;
	v19 =	vsel vm14, $0x4074, v19  }
0x36: {  	v17 =	vsel vm7, $0x40B9, v17;
	v25 =	vsel vm10, $0x40E2, v25;
	v26 =	vsel vm10, $0x40E3, v26  }
0x37: {  	v27 =	vsel vm10, $0x40E4, v27;
	v28 =	vsel vm10, $0x40E5, v28;
	v29 =	vsel vm10, $0x40E6, v29  }
0x38: {  	v14 =	vsel vm11, $0x15B, v14;
	v1 =	vnsel vm3, $0x1E2, v1;
	v6 =	vunpack.c.0.s8.s32 v6  }
0x39: {  	v0 =	vsel vm2, v0, v2;
	v19 =	vsel vm4, $0x4095, v19;
	v17 =	vsel vm9, $0x40DA, v17  }
0x3a: {  	v25 =	vsel vm15, $0x4103, v25;
	v26 =	vsel vm15, $0x4104, v26;
	v27 =	vsel vm15, $0x4105, v27  }
0x3b: {  	v28 =	vsel vm15, $0x4106, v28;
	v29 =	vsel vm15, $0x4107, v29;
	v14 =	vsel vm12, $0x17C, v14  }
0x3c: {  	v1 =	vsel vm2, v3, v1;
	v3 =	vand.u32 $0xFF, v12;
	v12 =	vimm.s32 $0xFEDDBC9B  }
0x3d: {  	v19 =	vsel vm7, $0x40B6, v19;
	v17 =	vsel vm10, $0x40FB, v17;
	v0 =	vsel vm15, $0x11A, v0  }
0x3e: {  	v25 =	vsel vm8, $0x4124, v25;
	v26 =	vsel vm8, $0x4125, v26;
	v27 =	vsel vm8, $0x4126, v27  }
0x3f: {  	v28 =	vsel vm8, $0x4127, v28;
	v29 =	vsel vm8, $0x4128, v29;
	v2 =	vand.u32 $0xFF, v6  }
0x40: {  	v6 =	vand.u32 $0xFF, v20;
	v12 =	vunpack.c.0.s8.s32 v12;
	v20 =	vunpack.c.0.s8.s32 v59  }
0x41: {  	v3 =	vsel vm2, v3, v5;
	v19 =	vsel vm9, $0x40D7, v19;
	v1 =	vsel vm15, $0x11B, v1  }
0x42: {  	v17 =	vsel vm15, $0x411C, v17;
	v0 =	vsel vm8, $0x13B, v0;
	v25 =	vsel vm11, $0x4145, v25  }
0x43: {  	v26 =	vsel vm11, $0x4146, v26;
	v27 =	vsel vm11, $0x4147, v27;
	v28 =	vsel vm11, $0x4148, v28  }
0x44: {  	v29 =	vsel vm11, $0x4149, v29;
	v4 =	vsel vm2, v2, v4;
	v2 =	vsel vm2, v6, v7  }
0x45: {  	v7 =	vimm.s32 $0xE1C0BF9E;
	v19 =	vsel vm10, $0x40F8, v19;
	v3 =	vsel vm15, $0x11D, v3  }
0x46: {  	v1 =	vsel vm8, $0x13C, v1;
	v17 =	vsel vm8, $0x413D, v17;
	v0 =	vsel vm11, $0x15C, v0  }
0x47: {  	v25 =	vsel vm12, $0x4166, v25;
	v26 =	vsel vm12, $0x4167, v26;
	v27 =	vsel vm12, $0x4168, v27  }
0x48: {  	v28 =	vsel vm12, $0x4169, v28;
	v29 =	vsel vm12, $0x416A, v29;
	v5 =	vand.u32 $0xFF, v12  }
0x49: {  	v6 =	vand.u32 $0xFF, v20;
	v12 =	vand.u32 $0xFF, v22;
	v23 =	vunpack.c.0.s8.s32 v7  }
0x4a: {  	v20 =	vunpack.c.0.s8.s32 v60;
	v22 =	vunpack.c.0.s8.s32 v61;
	v19 =	vsel vm15, $0x4119, v19  }
0x4b: {  	v4 =	vsel vm15, $0x11C, v4;
	v2 =	vsel vm15, $0x11E, v2;
	v3 =	vsel vm8, $0x13E, v3  }
0x4c: {  	v1 =	vsel vm11, $0x15D, v1;
	v17 =	vsel vm11, $0x415E, v17;
	v0 =	vsel vm12, $0x17D, v0  }
0x4d: {  	v7 =	vsel vm2, v5, v8;
	v6 =	vsel vm2, v6, v9;
	v5 =	vsel vm2, v12, v10  }
0x4e: {  	v10 =	vimm.s32 $0xE4C3A281;
	v12 =	vimm.s32 $0xE5C4A382;
	v4 =	vsel vm8, $0x13D, v4  }
0x4f: {  	v2 =	vsel vm8, $0x13F, v2;
	v3 =	vsel vm11, $0x15F, v3;
	v1 =	vsel vm12, $0x17E, v1  }
0x50: {  	v17 =	vsel vm12, $0x417F, v17;
	v8 =	vand.u32 $0xFF, v23;
	v9 =	vand.u32 $0xFF, v20  }
0x51: {  	v62 =	vand.u32 $0xFF, v22;
	v32 =	vunpack.c.0.s8.s32 v10;
	v24 =	vunpack.c.0.s8.s32 v12  }
0x52: {  	v22 =	vunpack.c.0.s8.s32 v63;
	v20 =	vsel vm1, $0x4016, v37;
	v23 =	vsel vm1, $0x4019, v40  }
0x53: {  	v7 =	vsel vm15, $0x11F, v7;
	v6 =	vsel vm15, $0x100, v6;
	v5 =	vsel vm15, $0x101, v5  }
0x54: {  	v4 =	vsel vm11, $0x15E, v4;
	v2 =	vsel vm11, $0x140, v2;
	v3 =	vsel vm12, $0x160, v3  }
0x55: {  	v12 =	vsel vm2, v8, v11;
	v10 =	vsel vm2, v9, v18;
	v8 =	vsel vm2, v62, v13  }
0x56: {  	v18 =	vsel vm1, $0x4015, v36;
	v20 =	vsel vm0, $0x4037, v20;
	v23 =	vsel vm0, $0x403A, v23  }
0x57: {  	v7 =	vsel vm8, $0x120, v7;
	v6 =	vsel vm8, $0x121, v6;
	v5 =	vsel vm8, $0x122, v5  }
0x58: {  	v4 =	vsel vm12, $0x17F, v4;
	v2 =	vsel vm12, $0x161, v2;
	v9 =	vand.u32 $0xFF, v32  }
0x59: {  	v11 =	vand.u32 $0xFF, v24;
	v33 =	vand.u32 $0xFF, v22;
	v22 =	vsel vm1, $0x4018, v39  }
0x5a: {  	v24 =	vsel vm1, $0x401A, v41;
	v18 =	vsel vm0, $0x4036, v18;
	v20 =	vsel vm13, $0x4058, v20  }
0x5b: {  	v23 =	vsel vm13, $0x405B, v23;
	v12 =	vsel vm15, $0x102, v12;
	v10 =	vsel vm15, $0x103, v10  }
0x5c: {  	v8 =	vsel vm15, $0x104, v8;
	v7 =	vsel vm11, $0x141, v7;
	v6 =	vsel vm11, $0x142, v6  }
0x5d: {  	v5 =	vsel vm11, $0x143, v5;
	v13 =	vsel vm2, v9, v15;
	v11 =	vsel vm2, v11, v58  }
0x5e: {  	v9 =	vsel vm2, v33, v16;
	v15 =	vsel vm1, $0x4012, v21;
	v16 =	vsel vm1, $0x4013, v34  }
0x5f: {  	v21 =	vsel vm1, $0x4017, v38;
	v22 =	vsel vm0, $0x4039, v22;
	v24 =	vsel vm0, $0x403B, v24  }
0x60: {  	v18 =	vsel vm13, $0x4057, v18;
	v20 =	vsel vm14, $0x4079, v20;
	v23 =	vsel vm14, $0x407C, v23  }
0x61: {  	v12 =	vsel vm8, $0x123, v12;
	v10 =	vsel vm8, $0x124, v10;
	v8 =	vsel vm8, $0x125, v8  }
0x62: {  	v7 =	vsel vm12, $0x162, v7;
	v6 =	vsel vm12, $0x163, v6;
	v5 =	vsel vm12, $0x164, v5  }
0x63: {  	v15 =	vsel vm0, $0x4033, v15;
	v16 =	vsel vm0, $0x4034, v16;
	v21 =	vsel vm0, $0x4038, v21  }
0x64: {  	v22 =	vsel vm13, $0x405A, v22;
	v24 =	vsel vm13, $0x405C, v24;
	v18 =	vsel vm14, $0x4078, v18  }
0x65: {  	v20 =	vsel vm4, $0x409A, v20;
	v23 =	vsel vm4, $0x409D, v23;
	v13 =	vsel vm15, $0x105, v13  }
0x66: {  	v11 =	vsel vm15, $0x106, v11;
	v9 =	vsel vm15, $0x107, v9;
	v12 =	vsel vm11, $0x144, v12  }
0x67: {  	v10 =	vsel vm11, $0x145, v10;
	v8 =	vsel vm11, $0x146, v8;
	v15 =	vsel vm13, $0x4054, v15  }
0x68: {  	v16 =	vsel vm13, $0x4055, v16;
	v21 =	vsel vm13, $0x4059, v21;
	v22 =	vsel vm14, $0x407B, v22  }
0x69: {  	v24 =	vsel vm14, $0x407D, v24;
	v18 =	vsel vm4, $0x4099, v18;
	v20 =	vsel vm7, $0x40BB, v20  }
0x6a: {  	v23 =	vsel vm7, $0x40BE, v23;
	v13 =	vsel vm8, $0x126, v13;
	v11 =	vsel vm8, $0x127, v11  }
0x6b: {  	v9 =	vsel vm8, $0x128, v9;
	vm13 =	vcmask $0x3330;
	v12 =	vsel vm12, $0x165, v12  }
0x6c: {  	v10 =	vsel vm12, $0x166, v10;
	v8 =	vsel vm12, $0x167, v8;
	v15 =	vsel vm14, $0x4075, v15  }
0x6d: {  	v16 =	vsel vm14, $0x4076, v16;
	v21 =	vsel vm14, $0x407A, v21;
	v22 =	vsel vm4, $0x409C, v22  }
0x6e: {  	v24 =	vsel vm4, $0x409E, v24;
	v18 =	vsel vm7, $0x40BA, v18;
	v20 =	vsel vm9, $0x40DC, v20  }
0x6f: {  	v23 =	vsel vm9, $0x40DF, v23;
	v13 =	vsel vm11, $0x147, v13;
	v11 =	vsel vm11, $0x148, v11  }
0x70: {  	v9 =	vsel vm11, $0x149, v9;
	v14 =	vsel vm13, $0x19D, v14;
	vm14 =	vcmask $0x3734  }
0x71: {  	v0 =	vsel vm13, $0x19E, v0;
	v1 =	vsel vm13, $0x19F, v1;
	v4 =	vsel vm13, $0x180, v4  }
0x72: {  	v17 =	vsel vm13, $0x4180, v17;
	v15 =	vsel vm4, $0x4096, v15;
	v16 =	vsel vm4, $0x4097, v16  }
0x73: {  	v21 =	vsel vm4, $0x409B, v21;
	v22 =	vsel vm7, $0x40BD, v22;
	v24 =	vsel vm7, $0x40BF, v24  }
0x74: {  	v18 =	vsel vm9, $0x40DB, v18;
	v20 =	vsel vm10, $0x40FD, v20;
	v23 =	vsel vm10, $0x40E0, v23  }
0x75: {  	v0 =	vsel vm14, $0x1BF, v0;
	v15 =	vsel vm7, $0x40B7, v15;
	v16 =	vsel vm7, $0x40B8, v16  }
0x76: {  	v21 =	vsel vm7, $0x40BC, v21;
	v22 =	vsel vm9, $0x40DE, v22;
	v24 =	vsel vm9, $0x40C0, v24  }
0x77: {  	v18 =	vsel vm10, $0x40FC, v18;
	v20 =	vsel vm15, $0x411E, v20;
	v23 =	vsel vm15, $0x4101, v23  }
0x78: {  	v15 =	vsel vm9, $0x40D8, v15;
	v16 =	vsel vm9, $0x40D9, v16;
	v21 =	vsel vm9, $0x40DD, v21  }
0x79: {  	v22 =	vsel vm10, $0x40FF, v22;
	v24 =	vsel vm10, $0x40E1, v24;
	v18 =	vsel vm15, $0x411D, v18  }
0x7a: {  	v15 =	vsel vm10, $0x40F9, v15;
	v16 =	vsel vm10, $0x40FA, v16;
	v21 =	vsel vm10, $0x40FE, v21  }
0x7b: {  	v22 =	vsel vm15, $0x4100, v22;
	v24 =	vsel vm15, $0x4102, v24;
	v15 =	vsel vm15, $0x411A, v15  }
0x7c: {  	v16 =	vsel vm15, $0x411B, v16;
	v21 =	vsel vm15, $0x411F, v21;
	vm15 =	vcmask $0x3B38  }
0x7d: {  	v3 =	vsel vm13, $0x181, v3;
	v42 =	vsel vm15, $0x1C0, v0;
	v0 =	vadd.s32 $0x2, v48  }
0x7e: {  	v2 =	vsel vm13, $0x182, v2;
	v7 =	vsel vm13, $0x183, v7;
	[tilespmem:$0x1FC60] =	vst v0;
	v0 =	vadd.s32 $0x4002, v48  }
0x7f: {  	v6 =	vsel vm13, $0x184, v6;
	v5 =	vsel vm13, $0x185, v5;
	[tilespmem:$0x1FC70] =	vst v0;
	v0 =	vadd.s32 $0x3, v48  }
0x80: {  	v12 =	vsel vm13, $0x186, v12;
	v10 =	vsel vm13, $0x187, v10;
	[tilespmem:$0x1FC80] =	vst v0;
	v0 =	vadd.s32 $0x4003, v48  }
0x81: {  	v25 =	vsel vm13, $0x4187, v25;
	v8 =	vsel vm13, $0x188, v8;
	[tilespmem:$0x1FC90] =	vst v0;
	v0 =	vadd.s32 $0x4, v48  }
0x82: {  	v26 =	vsel vm13, $0x4188, v26;
	v27 =	vsel vm13, $0x4189, v27;
	[tilespmem:$0x1FCA0] =	vst v0;
	v0 =	vadd.s32 $0x4004, v48  }
0x83: {  	v28 =	vsel vm13, $0x418A, v28;
	v29 =	vsel vm13, $0x418B, v29;
	[tilespmem:$0x1FCB0] =	vst v0;
	v0 =	vadd.s32 $0x5, v48  }
0x84: {  	v13 =	vsel vm12, $0x168, v13;
	v11 =	vsel vm12, $0x169, v11;
	[tilespmem:$0x1FCC0] =	vst v0;
	v0 =	vadd.s32 $0x4005, v48  }
0x85: {  	v9 =	vsel vm12, $0x16A, v9;
	v14 =	vsel vm14, $0x1BE, v14;
	[tilespmem:$0x1FCD0] =	vst v0;
	v0 =	vadd.s32 $0x6, v48  }
0x86: {  	v1 =	vsel vm14, $0x1A0, v1;
	v18 =	vsel vm8, $0x413E, v18;
	[tilespmem:$0x1FCE0] =	vst v0;
	v0 =	vadd.s32 $0x4006, v48  }
0x87: {  	s3 =	rddreg [dreg:$0x0];
	v4 =	vsel vm14, $0x1A1, v4;
	v18 =	vsel vm11, $0x415F, v18;
	[tilespmem:$0x1FCF0] =	vst v0;
	v0 =	vadd.s32 $0x7, v48  }
0x88: {  	s5 =	rddreg [dreg:$0x1];
	s2 =	simm.s32 $0x0;
	v3 =	vsel vm14, $0x1A2, v3;
	v18 =	vsel vm12, $0x4160, v18;
	[tilespmem:$0x1FD00] =	vst v0;
	v0 =	vadd.s32 $0x4007, v48  }
0x89: {  	[smem:$0x7FF] =	sst s2;
	v2 =	vsel vm14, $0x1A3, v2;
	v18 =	vsel vm13, $0x4181, v18;
	[tilespmem:$0x1FD10] =	vst v0;
	v0 =	vadd.s32 $0x8, v48  }
0x8a: {  	s0 =	rddreg [dreg:$0x2];
	v7 =	vsel vm14, $0x1A4, v7;
	v55 =	vsel vm15, $0x1C3, v3;
	v18 =	vsel vm14, $0x41A2, v18;
	_ =	strace $0x80000047;
	[tilespmem:$0x1FD20] =	vst v0  }
0x8b: {  	v6 =	vsel vm14, $0x1A5, v6;
	v5 =	vsel vm14, $0x1A6, v5;
	v56 =	vsel vm15, $0x41C3, v18;
	[tilespmem:$0x1FE40] =	vst v55  }
0x8c: {  	v12 =	vsel vm14, $0x1A7, v12;
	v10 =	vsel vm14, $0x1A8, v10;
	v25 =	vsel vm14, $0x41A8, v25;
	[tilespmem:$0x1FE50] =	vst v56  }
0x8d: {  	v8 =	vsel vm14, $0x1A9, v8;
	v26 =	vsel vm14, $0x41A9, v26;
	v49 =	vsel vm15, $0x1C8, v12;
	[tilespmem:$0x1FE60] =	vst v48  }
0x8e: {  	v27 =	vsel vm14, $0x41AA, v27;
	v28 =	vsel vm14, $0x41AB, v28;
	v50 =	vsel vm15, $0x1C9, v10;
	[tilespmem:$0x1FE70] =	vst v49  }
0x8f: {  	v29 =	vsel vm14, $0x41AC, v29;
	v13 =	vsel vm13, $0x189, v13;
	v51 =	vsel vm15, $0x1CA, v8;
	[tilespmem:$0x1FE80] =	vst v50  }
0x90: {  	v11 =	vsel vm13, $0x18A, v11;
	v9 =	vsel vm13, $0x18B, v9;
	v52 =	vsel vm15, $0x41CB, v27;
	[tilespmem:$0x1FE90] =	vst v51  }
0x91: {  	v23 =	vsel vm8, $0x4122, v23;
	v13 =	vsel vm14, $0x1AA, v13;
	v53 =	vsel vm15, $0x41CC, v28;
	[tilespmem:$0x1FEA0] =	vst v52  }
0x92: {  	v11 =	vsel vm14, $0x1AB, v11;
	v9 =	vsel vm14, $0x1AC, v9;
	v54 =	vsel vm15, $0x41CD, v29;
	[tilespmem:$0x1FEB0] =	vst v53  }
0x93: {  	v23 =	vsel vm11, $0x4143, v23;
	v22 =	vsel vm8, $0x4121, v22;
	v8 =	vor.u32 $0x4000, v48;
	[tilespmem:$0x1FEC0] =	vst v54  }
0x94: {  	v24 =	vsel vm8, $0x4123, v24;
	v23 =	vsel vm12, $0x4164, v23;
	v15 =	vsel vm8, $0x413B, v15;
	[tilespmem:$0x1FED0] =	vst v8  }
0x95: {  	v16 =	vsel vm8, $0x413C, v16;
	v60 =	vsel vm15, $0x1C5, v7;
	v7 =	vsel vm15, $0x1CD, v9;
	[tilespmem:$0x1FEE0] =	vst v57  }
0x96: {  	v24 =	vsel vm11, $0x4144, v24;
	v23 =	vsel vm13, $0x4185, v23;
	v12 =	vadd.s32 $0x4001, v48;
	[tilespmem:$0x1FEF0] =	vst v7  }
0x97: {  	v63 =	vsel vm15, $0x1DF, v14;
	v46 =	vsel vm15, $0x1C6, v6;
	v6 =	vsel vm15, $0x1CC, v11;
	[tilespmem:$0x1FF00] =	vst v12  }
0x98: {  	v30 =	vsel vm15, $0x1C1, v1;
	v31 =	vsel vm15, $0x1C2, v4;
	v45 =	vsel vm15, $0x1CB, v13;
	[tilespmem:$0x1FF10] =	vst v6  }
0x99: {  	v1 =	vsel vm15, $0x1C7, v5;
	v24 =	vsel vm12, $0x4165, v24;
	v23 =	vsel vm14, $0x41A6, v23;
	[tilespmem:$0x1FF20] =	vst v45  }
0x9a: {  	v58 =	vsel vm15, $0x1C4, v2;
	v24 =	vsel vm13, $0x4186, v24;
	v2 =	vsel vm15, $0x41C7, v23;
	[tilespmem:$0x1FF30] =	vst v1  }
0x9b: {  	v4 =	vsel vm15, $0x41C9, v25;
	v15 =	vsel vm11, $0x415C, v15;
	v24 =	vsel vm14, $0x41A7, v24;
	[tilespmem:$0x1FF40] =	vst v2  }
0x9c: {  	v16 =	vsel vm11, $0x415D, v16;
	v15 =	vsel vm12, $0x417D, v15;
	v3 =	vsel vm15, $0x41C8, v24;
	[tilespmem:$0x1FF50] =	vst v4  }
0x9d: {  	v14 =	vsel vm15, $0x41CA, v26;
	v16 =	vsel vm12, $0x417E, v16;
	v15 =	vsel vm13, $0x419E, v15;
	[tilespmem:$0x1FF60] =	vst v3  }
0x9e: {  	v22 =	vsel vm11, $0x4142, v22;
	v16 =	vsel vm13, $0x419F, v16;
	v15 =	vsel vm14, $0x41BF, v15;
	[tilespmem:$0x1FF70] =	vst v14  }
0x9f: {  	v22 =	vsel vm12, $0x4163, v22;
	v16 =	vsel vm14, $0x41A0, v16;
	v15 =	vsel vm15, $0x41C0, v15;
	[tilespmem:$0x1FF80] =	vst v42  }
0xa0: {  	v17 =	vsel vm14, $0x41A1, v17;
	v22 =	vsel vm13, $0x4184, v22;
	v16 =	vsel vm15, $0x41C1, v16;
	[tilespmem:$0x1FF90] =	vst v15  }
0xa1: {  	v17 =	vsel vm15, $0x41C2, v17;
	v22 =	vsel vm14, $0x41A5, v22;
	[tilespmem:$0x1FFA0] =	vst v16  }
0xa2: {  	v43 =	vsel vm15, $0x41C6, v22;
	[tilespmem:$0x1FFB0] =	vst v17  }
0xa3: {  	[tilespmem:$0x1FFC0] =	vst v43  }
0xa4: {  	[tilespmem:$0x1FFD0] =	vst v30  }
0xa5: {  	[tilespmem:$0x1FFE0] =	vst v31  }
0xa6: {  	v0 =	vadd.s32 $0x4008, v48;
	[tilespmem:$0x1FFF0] =	vst v46  }
0xa7: {  	[tilespmem:$0x1FD30] =	vst v0;
	v0 =	vadd.s32 $0x9, v48  }
0xa8: {  	[tilespmem:$0x1FD40] =	vst v0;
	v0 =	vadd.s32 $0x4009, v48  }
0xa9: {  	[tilespmem:$0x1FD50] =	vst v0;
	v0 =	vadd.s32 $0xA, v48  }
0xaa: {  	[tilespmem:$0x1FD60] =	vst v0;
	v0 =	vadd.s32 $0x400A, v48  }
0xab: {  	[tilespmem:$0x1FD70] =	vst v0;
	v0 =	vadd.s32 $0xB, v48  }
0xac: {  	[tilespmem:$0x1FD80] =	vst v0;
	v0 =	vadd.s32 $0x400B, v48  }
0xad: {  	v19 =	vsel vm8, $0x413A, v19;
	[tilespmem:$0x1FD90] =	vst v0;
	v0 =	vadd.s32 $0xC, v48  }
0xae: {  	v19 =	vsel vm11, $0x415B, v19;
	[tilespmem:$0x1FDA0] =	vst v0;
	v0 =	vadd.s32 $0x400C, v48  }
0xaf: {  	v19 =	vsel vm12, $0x417C, v19;
	[tilespmem:$0x1FDB0] =	vst v0;
	v0 =	vadd.s32 $0xD, v48  }
0xb0: {  	s4 =	srdreg.scid;
	v19 =	vsel vm13, $0x419D, v19;
	[tilespmem:$0x1FDC0] =	vst v0;
	v0 =	vadd.s32 $0x400D, v48  }
0xb1: {  	s1 =	stileid.u32;
	s9 =	simm.s32 $0x400;
	s10 =	simm.s32 $0x1;
	v19 =	vsel vm14, $0x41BE, v19;
	[tilespmem:$0x1FDD0] =	vst v0;
	v0 =	vadd.s32 $0xE, v48  }
0xb2: {  	s11 =	simm.s32 $0x2;
	s4 =	sand.u32 $0x1, s4;
	s6 =	sshll.u32 s1, $0x1;
	v20 =	vsel vm8, $0x413F, v20;
	v21 =	vsel vm8, $0x4120, v21;
	[tilespmem:$0x1FDE0] =	vst v0;
	v0 =	vadd.s32 $0x400E, v48  }
0xb3: {  	s12 =	simm.s32 $0x8400;
	s6 =	sor.u32 s4, s6;
	s4 =	ssub.s32 $0x2, s4;
	v20 =	vsel vm11, $0x4140, v20;
	v21 =	vsel vm11, $0x4141, v21;
	[tilespmem:$0x1FDF0] =	vst v0;
	v0 =	vadd.s32 $0xF, v48  }
0xb4: {  	s13 =	simm.s32 $0x0;
	s7 =	sshll.u32 s6, $0x7;
	s8 =	sshrl.u32 s4, $0x1;
	v20 =	vsel vm12, $0x4161, v20;
	v21 =	vsel vm12, $0x4162, v21;
	[tilespmem:$0x1FE00] =	vst v0;
	v0 =	vadd.s32 $0x400F, v48  }
0xb5: {  	s6 =	sshll.u32 s6, $0x6;
	s7 =	sadd.s32 s7, s3;
	s3 =	sadd.s32 $0x1400, s3;
	v20 =	vsel vm13, $0x4182, v20;
	v21 =	vsel vm13, $0x4183, v21;
	[tilespmem:$0x1FE10] =	vst v0;
	v0 =	vadd.s32 $0x10, v48  }
0xb6: {  	s8 =	ssub.s32 s4, s8;
	s5 =	sadd.s32 s5, s6;
	s4 =	sadd.s32 $0x400, s7;
	v20 =	vsel vm14, $0x41A3, v20;
	v21 =	vsel vm14, $0x41A4, v21;
	[tilespmem:$0x1FE20] =	vst v0;
	v0 =	vadd.s32 $0x4010, v48  }
0xb7: {  	s6 =	smax.u32 s8, $0x1;
	s7 =	simm.s32 $0x3;
	s8 =	simm.s32 $0x80;
	v62 =	vsel vm15, $0x41DF, v19;
	v59 =	vsel vm15, $0x41C4, v20;
	v61 =	vsel vm15, $0x41C5, v21;
	[tilespmem:$0x1FE30] =	vst v0  }
.LBB2_1:
0xb8: {  	[tilespmem:s2], [sflag:$0x3] =	stream.linear.gather [hbm4b:s4+s2], $0x400, $0x38;
	[tilespmem:$0x8600] =	vst v63  }
0xb9: {  	_ =	swait.ge [sflag:s7], $0x400  }
0xba: {  	[sflag:s7] =	ssyncset.done $0x0  }
0xbb: {  	s14 =	sand.u32 $0x3F0, s2;
	[sflag:s7] =	ssyncadd.s32 $0xFFFFFC00  }
0xbc: {  	v0 =	vld [tilespmem:s14+$0x0];
	_ =	sdelay $0x4  }
0xbd: {  	v0 =	vshll.u32 v0, $0x4  }
0xbe: {  	(v2sf) =	vpush v0, $0x0;
	_ =	sdelay $0x1  }
0xbf: {  	(v2sf) =	vpush v0, $0x1;
	_ =	sdelay $0x3  }
0xc0: {  	(v2sf) =	vpush v0, $0x2;
	_ =	sdelay $0x3  }
0xc1: {  	(v2sf) =	vpush v0, $0x3;
	_ =	sdelay $0x3  }
0xc2: {  	(v2sf) =	vpush v0, $0x4  }
0xc3: {  	s16 =	spop (v2sf)  }
0xc4: {  	s14 =	sand.u32 $0x1FFFFFF0, s16  }
0xc5: {  	s15 =	spop (v2sf);
	s16 =	simm.s32 $0x400;
	s14 =	sadd.s32 s3, s14  }
0xc6: {  	(v2sf) =	vpush v0, $0x5;
	[tilespmem:s16], [sflag:$0x1] =	stream.strided.gather [hbm4b:s14+s8], $0x0, s9, s8, $0x38;
	[tilespmem:$0x8600] =	vst v63  }
0xc7: {  	s15 =	sand.u32 $0x1FFFFFF0, s15  }
0xc8: {  	[tilespmem:s16], [sflag:$0x1] =	stream.linear.gather [hbm4b:s14+s2], $0x20, $0x38;
	[tilespmem:$0x8600] =	vst v63  }
0xc9: {  	s17 =	simm.s32 $0x420;
	s18 =	spop (v2sf);
	s15 =	sadd.s32 s3, s15  }
0xca: {  	(v2sf) =	vpush v0, $0x6;
	[tilespmem:s17], [sflag:$0x2] =	stream.strided.gather [hbm4b:s15+s8], $0x0, s9, s8, $0x38;
	[tilespmem:$0x8600] =	vst v63  }
0xcb: {  	s16 =	sand.u32 $0x1FFFFFF0, s18  }
0xcc: {  	[tilespmem:s17], [sflag:$0x2] =	stream.linear.gather [hbm4b:s15+s2], $0x20, $0x38;
	[tilespmem:$0x8600] =	vst v63  }
0xcd: {  	s20 =	simm.s32 $0x440;
	s19 =	spop (v2sf);
	s16 =	sadd.s32 s3, s16  }
0xce: {  	(v2sf) =	vpush v0, $0x7;
	[tilespmem:s20], [sflag:$0x1] =	stream.strided.gather [hbm4b:s16+s8], $0x0, s9, s8, $0x38;
	[tilespmem:$0x8600] =	vst v63  }
0xcf: {  	s14 =	sand.u32 $0x1FFFFFF0, s19  }
0xd0: {  	[tilespmem:s20], [sflag:$0x1] =	stream.linear.gather [hbm4b:s16+s2], $0x20, $0x38;
	[tilespmem:$0x8600] =	vst v63  }
0xd1: {  	s22 =	simm.s32 $0x460;
	s21 =	spop (v2sf);
	s14 =	sadd.s32 s3, s14  }
0xd2: {  	(v2sf) =	vpush v0, $0x8;
	[tilespmem:s22], [sflag:$0x2] =	stream.strided.gather [hbm4b:s14+s8], $0x0, s9, s8, $0x38;
	[tilespmem:$0x8600] =	vst v63  }
0xd3: {  	s15 =	sand.u32 $0x1FFFFFF0, s21  }
0xd4: {  	[tilespmem:s22], [sflag:$0x2] =	stream.linear.gather [hbm4b:s14+s2], $0x20, $0x38;
	[tilespmem:$0x8600] =	vst v63  }
0xd5: {  	s24 =	simm.s32 $0x480;
	s15 =	sadd.s32 s3, s15;
	s23 =	spop (v2sf)  }
0xd6: {  	(v2sf) =	vpush v0, $0x9;
	[tilespmem:s24], [sflag:$0x1] =	stream.strided.gather [hbm4b:s15+s8], $0x0, s9, s8, $0x38;
	[tilespmem:$0x8600] =	vst v63  }
0xd7: {  	s14 =	sand.u32 $0x1FFFFFF0, s23  }
0xd8: {  	[tilespmem:s24], [sflag:$0x1] =	stream.linear.gather [hbm4b:s15+s2], $0x20, $0x38;
	[tilespmem:$0x8600] =	vst v63  }
0xd9: {  	s26 =	simm.s32 $0x4A0;
	s25 =	spop (v2sf);
	s14 =	sadd.s32 s3, s14  }
0xda: {  	(v2sf) =	vpush v0, $0xA;
	[tilespmem:s26], [sflag:$0x2] =	stream.strided.gather [hbm4b:s14+s8], $0x0, s9, s8, $0x38;
	[tilespmem:$0x8600] =	vst v63  }
0xdb: {  	s15 =	sand.u32 $0x1FFFFFF0, s25  }
0xdc: {  	[tilespmem:s26], [sflag:$0x2] =	stream.linear.gather [hbm4b:s14+s2], $0x20, $0x38;
	[tilespmem:$0x8600] =	vst v63  }
0xdd: {  	s29 =	simm.s32 $0x4C0;
	s28 =	spop (v2sf);
	s15 =	sadd.s32 s3, s15  }
0xde: {  	(v2sf) =	vpush v0, $0xB;
	[tilespmem:s29], [sflag:$0x1] =	stream.strided.gather [hbm4b:s15+s8], $0x0, s9, s8, $0x38;
	[tilespmem:$0x8600] =	vst v63  }
0xdf: {  	s14 =	sand.u32 $0x1FFFFFF0, s28  }
0xe0: {  	[tilespmem:s29], [sflag:$0x1] =	stream.linear.gather [hbm4b:s15+s2], $0x20, $0x38;
	[tilespmem:$0x8600] =	vst v63  }
0xe1: {  	s31 =	simm.s32 $0x4E0;
	s30 =	spop (v2sf);
	s14 =	sadd.s32 s3, s14  }
0xe2: {  	(v2sf) =	vpush v0, $0xC;
	[tilespmem:s31], [sflag:$0x2] =	stream.strided.gather [hbm4b:s14+s8], $0x0, s9, s8, $0x38;
	[tilespmem:$0x8600] =	vst v63  }
0xe3: {  	s15 =	sand.u32 $0x1FFFFFF0, s30  }
0xe4: {  	[tilespmem:s31], [sflag:$0x2] =	stream.linear.gather [hbm4b:s14+s2], $0x20, $0x38;
	[tilespmem:$0x8600] =	vst v63  }
0xe5: {  	s18 =	simm.s32 $0x500;
	s17 =	spop (v2sf);
	s15 =	sadd.s32 s3, s15  }
0xe6: {  	(v2sf) =	vpush v0, $0xD;
	[tilespmem:s18], [sflag:$0x1] =	stream.strided.gather [hbm4b:s15+s8], $0x0, s9, s8, $0x38;
	[tilespmem:$0x8600] =	vst v63  }
0xe7: {  	s14 =	sand.u32 $0x1FFFFFF0, s17  }
0xe8: {  	[tilespmem:s18], [sflag:$0x1] =	stream.linear.gather [hbm4b:s15+s2], $0x20, $0x38;
	[tilespmem:$0x8600] =	vst v63  }
0xe9: {  	s20 =	simm.s32 $0x520;
	s19 =	spop (v2sf);
	s14 =	sadd.s32 s3, s14  }
0xea: {  	(v2sf) =	vpush v0, $0xE;
	[tilespmem:s20], [sflag:$0x2] =	stream.strided.gather [hbm4b:s14+s8], $0x0, s9, s8, $0x38;
	[tilespmem:$0x8600] =	vst v63  }
0xeb: {  	s15 =	sand.u32 $0x1FFFFFF0, s19  }
0xec: {  	[tilespmem:s20], [sflag:$0x2] =	stream.linear.gather [hbm4b:s14+s2], $0x20, $0x38;
	[tilespmem:$0x8600] =	vst v63  }
0xed: {  	s22 =	simm.s32 $0x540;
	s21 =	spop (v2sf);
	s15 =	sadd.s32 s3, s15  }
0xee: {  	(v2sf) =	vpush v0, $0xF;
	[tilespmem:s22], [sflag:$0x1] =	stream.strided.gather [hbm4b:s15+s8], $0x0, s9, s8, $0x38;
	[tilespmem:$0x8600] =	vst v63  }
0xef: {  	s14 =	sand.u32 $0x1FFFFFF0, s21  }
0xf0: {  	[tilespmem:s22], [sflag:$0x1] =	stream.linear.gather [hbm4b:s15+s2], $0x20, $0x38;
	[tilespmem:$0x8600] =	vst v63  }
0xf1: {  	s24 =	simm.s32 $0x560;
	s23 =	spop (v2sf);
	s14 =	sadd.s32 s3, s14  }
0xf2: {  	[tilespmem:s24], [sflag:$0x2] =	stream.strided.gather [hbm4b:s14+s8], $0x0, s9, s8, $0x38;
	[tilespmem:$0x8600] =	vst v63  }
0xf3: {  	s15 =	sand.u32 $0x1FFFFFF0, s23  }
0xf4: {  	[tilespmem:s24], [sflag:$0x2] =	stream.linear.gather [hbm4b:s14+s2], $0x20, $0x38;
	[tilespmem:$0x8600] =	vst v63  }
0xf5: {  	s26 =	simm.s32 $0x580;
	s25 =	spop (v2sf);
	s15 =	sadd.s32 s3, s15  }
0xf6: {  	[tilespmem:s26], [sflag:$0x1] =	stream.strided.gather [hbm4b:s15+s8], $0x0, s9, s8, $0x38;
	[tilespmem:$0x8600] =	vst v63  }
0xf7: {  	s14 =	sand.u32 $0x1FFFFFF0, s25  }
0xf8: {  	[tilespmem:s26], [sflag:$0x1] =	stream.linear.gather [hbm4b:s15+s2], $0x20, $0x38;
	[tilespmem:$0x8600] =	vst v63  }
0xf9: {  	s29 =	simm.s32 $0x5A0;
	s28 =	spop (v2sf);
	s14 =	sadd.s32 s3, s14  }
0xfa: {  	[tilespmem:s29], [sflag:$0x2] =	stream.strided.gather [hbm4b:s14+s8], $0x0, s9, s8, $0x38;
	[tilespmem:$0x8600] =	vst v63  }
0xfb: {  	s15 =	sand.u32 $0x1FFFFFF0, s28  }
0xfc: {  	[tilespmem:s29], [sflag:$0x2] =	stream.linear.gather [hbm4b:s14+s2], $0x20, $0x38;
	[tilespmem:$0x8600] =	vst v63  }
0xfd: {  	s31 =	simm.s32 $0x5C0;
	s30 =	spop (v2sf);
	s15 =	sadd.s32 s3, s15  }
0xfe: {  	[tilespmem:s31], [sflag:$0x1] =	stream.strided.gather [hbm4b:s15+s8], $0x0, s9, s8, $0x38;
	[tilespmem:$0x8600] =	vst v63  }
0xff: {  	s16 =	simm.s32 $0x5E0;
	s14 =	sand.u32 $0x1FFFFFF0, s30  }
0x100: {  	[tilespmem:s31], [sflag:$0x1] =	stream.linear.gather [hbm4b:s15+s2], $0x20, $0x38;
	[tilespmem:$0x8600] =	vst v63  }
0x101: {  	s17 =	sadd.s32 s3, s14;
	s14 =	simm.s32 $0x800;
	s15 =	simm.s32 $0x10  }
0x102: {  	[tilespmem:s16], [sflag:$0x2] =	stream.strided.gather [hbm4b:s17+s8], $0x0, s9, s8, $0x38;
	[tilespmem:$0x8600] =	vst v63  }
.LBB2_2:
0x103: {  	s18 =	sand.u32 $0x3F0, s15  }
0x104: {  	p0 =	sne.s32 s14, $0x1F800;
	s19 =	smov.u32 s14;
	s14 =	sadd.s32 $0x800, s14  }
0x105: {  	[tilespmem:s16], [sflag:$0x2] =	stream.linear.gather [hbm4b:s17+s2], $0x20, $0x38;
	[tilespmem:$0x8600] =	vst v63  }
0x106: {  	v0 =	vld [tilespmem:s18+$0x0];
	_ =	sdelay $0x4  }
0x107: {  	v0 =	vshll.u32 v0, $0x4  }
0x108: {  	(v2sf) =	vpush v0, $0x0  }
0x109: {  	(v2sf) =	vpush v0, $0x1  }
0x10a: {  	(v2sf) =	vpush v0, $0x2;
	_ =	sdelay $0x2  }
0x10b: {  	(v2sf) =	vpush v0, $0x3;
	_ =	sdelay $0x1  }
0x10c: {  	(v2sf) =	vpush v0, $0x4;
	_ =	sdelay $0x1  }
0x10d: {  	(v2sf) =	vpush v0, $0x5;
	_ =	sdelay $0x1  }
0x10e: {  	(v2sf) =	vpush v0, $0x6;
	_ =	sdelay $0x1  }
0x10f: {  	(v2sf) =	vpush v0, $0x7;
	_ =	sdelay $0x1  }
0x110: {  	s17 =	spop (v2sf);
	(v2sf) =	vpush v0, $0x8  }
0x111: {  	s16 =	sshra.s32 s19, $0x2;
	s17 =	sand.u32 $0x1FFFFFF0, s17;
	s18 =	spop (v2sf)  }
0x112: {  	s19 =	sadd.s32 $0x420, s16;
	s17 =	sadd.s32 s3, s17;
	s20 =	spop (v2sf);
	(v2sf) =	vpush v0, $0x9  }
0x113: {  	s21 =	sadd.s32 $0x400, s16;
	s18 =	sand.u32 $0x1FFFFFF0, s18;
	s20 =	sand.u32 $0x1FFFFFF0, s20  }
0x114: {  	[tilespmem:s21], [sflag:$0x1] =	stream.strided.gather [hbm4b:s17+s8], $0x0, s9, s8, $0x38;
	(v2sf) =	vpush v0, $0xA;
	[tilespmem:$0x8600] =	vst v63  }
0x115: {  	s22 =	spop (v2sf)  }
0x116: {  	[tilespmem:s21], [sflag:$0x1] =	stream.linear.gather [hbm4b:s17+s2], $0x20, $0x38;
	(v2sf) =	vpush v0, $0xB;
	[tilespmem:$0x8600] =	vst v63  }
0x117: {  	s17 =	sadd.s32 s3, s18;
	s18 =	sand.u32 $0x1FFFFFF0, s22;
	s21 =	spop (v2sf)  }
0x118: {  	[tilespmem:s19], [sflag:$0x2] =	stream.strided.gather [hbm4b:s17+s8], $0x0, s9, s8, $0x38;
	(v2sf) =	vpush v0, $0xC;
	[tilespmem:$0x8600] =	vst v63  }
0x119: {  	s22 =	sadd.s32 $0x440, s16;
	s21 =	sand.u32 $0x1FFFFFF0, s21;
	s23 =	spop (v2sf)  }
0x11a: {  	[tilespmem:s19], [sflag:$0x2] =	stream.linear.gather [hbm4b:s17+s2], $0x20, $0x38;
	[tilespmem:$0x8600] =	vst v63  }
0x11b: {  	s17 =	sadd.s32 s3, s20;
	s19 =	sand.u32 $0x1FFFFFF0, s23;
	s20 =	spop (v2sf)  }
0x11c: {  	[tilespmem:s22], [sflag:$0x1] =	stream.strided.gather [hbm4b:s17+s8], $0x0, s9, s8, $0x38;
	(v2sf) =	vpush v0, $0xD;
	[tilespmem:$0x8600] =	vst v63  }
0x11d: {  	s23 =	sadd.s32 $0x460, s16;
	s20 =	sand.u32 $0x1FFFFFF0, s20;
	s24 =	spop (v2sf)  }
0x11e: {  	[tilespmem:s22], [sflag:$0x1] =	stream.linear.gather [hbm4b:s17+s2], $0x20, $0x38;
	[tilespmem:$0x8600] =	vst v63  }
0x11f: {  	s17 =	sadd.s32 s3, s18;
	s18 =	sand.u32 $0x1FFFFFF0, s24;
	s22 =	spop (v2sf)  }
0x120: {  	[tilespmem:s23], [sflag:$0x2] =	stream.strided.gather [hbm4b:s17+s8], $0x0, s9, s8, $0x38;
	(v2sf) =	vpush v0, $0xE;
	[tilespmem:$0x8600] =	vst v63  }
0x121: {  	s24 =	sadd.s32 $0x480, s16;
	s22 =	sand.u32 $0x1FFFFFF0, s22;
	s25 =	spop (v2sf)  }
0x122: {  	[tilespmem:s23], [sflag:$0x2] =	stream.linear.gather [hbm4b:s17+s2], $0x20, $0x38;
	[tilespmem:$0x8600] =	vst v63  }
0x123: {  	s17 =	sadd.s32 s3, s21;
	s21 =	sand.u32 $0x1FFFFFF0, s25;
	s23 =	spop (v2sf)  }
0x124: {  	[tilespmem:s24], [sflag:$0x1] =	stream.strided.gather [hbm4b:s17+s8], $0x0, s9, s8, $0x38;
	(v2sf) =	vpush v0, $0xF;
	[tilespmem:$0x8600] =	vst v63  }
0x125: {  	s25 =	sadd.s32 $0x4A0, s16;
	s23 =	sand.u32 $0x1FFFFFF0, s23;
	s26 =	spop (v2sf)  }
0x126: {  	[tilespmem:s24], [sflag:$0x1] =	stream.linear.gather [hbm4b:s17+s2], $0x20, $0x38;
	[tilespmem:$0x8600] =	vst v63  }
0x127: {  	s17 =	sadd.s32 s3, s19;
	s19 =	sand.u32 $0x1FFFFFF0, s26;
	s24 =	spop (v2sf)  }
0x128: {  	[tilespmem:s25], [sflag:$0x2] =	stream.strided.gather [hbm4b:s17+s8], $0x0, s9, s8, $0x38;
	[tilespmem:$0x8600] =	vst v63  }
0x129: {  	s20 =	sadd.s32 s3, s20;
	s26 =	sadd.s32 $0x4C0, s16;
	s24 =	sand.u32 $0x1FFFFFF0, s24  }
0x12a: {  	[tilespmem:s25], [sflag:$0x2] =	stream.linear.gather [hbm4b:s17+s2], $0x20, $0x38;
	[tilespmem:$0x8600] =	vst v63  }
0x12b: {  	s17 =	spop (v2sf)  }
0x12c: {  	[tilespmem:s26], [sflag:$0x1] =	stream.strided.gather [hbm4b:s20+s8], $0x0, s9, s8, $0x38;
	[tilespmem:$0x8600] =	vst v63  }
0x12d: {  	s18 =	sadd.s32 s3, s18;
	s25 =	sadd.s32 $0x4E0, s16;
	s17 =	sand.u32 $0x1FFFFFF0, s17  }
0x12e: {  	[tilespmem:s26], [sflag:$0x1] =	stream.linear.gather [hbm4b:s20+s2], $0x20, $0x38;
	[tilespmem:$0x8600] =	vst v63  }
0x12f: {  	s20 =	spop (v2sf)  }
0x130: {  	[tilespmem:s25], [sflag:$0x2] =	stream.strided.gather [hbm4b:s18+s8], $0x0, s9, s8, $0x38;
	[tilespmem:$0x8600] =	vst v63  }
0x131: {  	s22 =	sadd.s32 s3, s22;
	s26 =	sadd.s32 $0x500, s16;
	s20 =	sand.u32 $0x1FFFFFF0, s20  }
0x132: {  	[tilespmem:s25], [sflag:$0x2] =	stream.linear.gather [hbm4b:s18+s2], $0x20, $0x38;
	[tilespmem:$0x8600] =	vst v63  }
0x133: {  	s18 =	spop (v2sf)  }
0x134: {  	[tilespmem:s26], [sflag:$0x1] =	stream.strided.gather [hbm4b:s22+s8], $0x0, s9, s8, $0x38;
	[tilespmem:$0x8600] =	vst v63  }
0x135: {  	s21 =	sadd.s32 s3, s21;
	s25 =	sadd.s32 $0x520, s16;
	s18 =	sand.u32 $0x1FFFFFF0, s18  }
0x136: {  	[tilespmem:s26], [sflag:$0x1] =	stream.linear.gather [hbm4b:s22+s2], $0x20, $0x38;
	[tilespmem:$0x8600] =	vst v63  }
0x137: {  	_ = 	snop  }
0x138: {  	[tilespmem:s25], [sflag:$0x2] =	stream.strided.gather [hbm4b:s21+s8], $0x0, s9, s8, $0x38;
	[tilespmem:$0x8600] =	vst v63  }
0x139: {  	s23 =	sadd.s32 s3, s23;
	s22 =	sadd.s32 $0x540, s16  }
0x13a: {  	[tilespmem:s25], [sflag:$0x2] =	stream.linear.gather [hbm4b:s21+s2], $0x20, $0x38;
	[tilespmem:$0x8600] =	vst v63  }
0x13b: {  	_ = 	snop  }
0x13c: {  	[tilespmem:s22], [sflag:$0x1] =	stream.strided.gather [hbm4b:s23+s8], $0x0, s9, s8, $0x38;
	[tilespmem:$0x8600] =	vst v63  }
0x13d: {  	s19 =	sadd.s32 s3, s19;
	s21 =	sadd.s32 $0x560, s16  }
0x13e: {  	[tilespmem:s22], [sflag:$0x1] =	stream.linear.gather [hbm4b:s23+s2], $0x20, $0x38;
	[tilespmem:$0x8600] =	vst v63  }
0x13f: {  	_ = 	snop  }
0x140: {  	[tilespmem:s21], [sflag:$0x2] =	stream.strided.gather [hbm4b:s19+s8], $0x0, s9, s8, $0x38;
	[tilespmem:$0x8600] =	vst v63  }
0x141: {  	s22 =	sadd.s32 $0x580, s16;
	s23 =	sadd.s32 s3, s24  }
0x142: {  	[tilespmem:s21], [sflag:$0x2] =	stream.linear.gather [hbm4b:s19+s2], $0x20, $0x38;
	[tilespmem:$0x8600] =	vst v63  }
0x143: {  	_ = 	snop  }
0x144: {  	[tilespmem:s22], [sflag:$0x1] =	stream.strided.gather [hbm4b:s23+s8], $0x0, s9, s8, $0x38;
	[tilespmem:$0x8600] =	vst v63  }
0x145: {  	s17 =	sadd.s32 s3, s17;
	s19 =	sadd.s32 $0x5A0, s16  }
0x146: {  	[tilespmem:s22], [sflag:$0x1] =	stream.linear.gather [hbm4b:s23+s2], $0x20, $0x38;
	[tilespmem:$0x8600] =	vst v63  }
0x147: {  	_ = 	snop  }
0x148: {  	[tilespmem:s19], [sflag:$0x2] =	stream.strided.gather [hbm4b:s17+s8], $0x0, s9, s8, $0x38;
	[tilespmem:$0x8600] =	vst v63  }
0x149: {  	s20 =	sadd.s32 s3, s20;
	s21 =	sadd.s32 $0x5C0, s16  }
0x14a: {  	[tilespmem:s19], [sflag:$0x2] =	stream.linear.gather [hbm4b:s17+s2], $0x20, $0x38;
	[tilespmem:$0x8600] =	vst v63  }
0x14b: {  	_ = 	snop  }
0x14c: {  	[tilespmem:s21], [sflag:$0x1] =	stream.strided.gather [hbm4b:s20+s8], $0x0, s9, s8, $0x38;
	[tilespmem:$0x8600] =	vst v63  }
.Ltmp0:
0x14d: {  	_ = 	snop;
	(pc) =	sbr.rel @p0 .LBB2_2-.Ltmp0, $4  }
0x14e: {  	s16 =	sadd.s32 $0x5E0, s16;
	s17 =	sadd.s32 s3, s18  }
0x14f: {  	[tilespmem:s21], [sflag:$0x1] =	stream.linear.gather [hbm4b:s20+s2], $0x20, $0x38;
	[tilespmem:$0x8600] =	vst v63  }
0x150: {  	s15 =	sadd.s32 $0x10, s15  }
0x151: {  	[tilespmem:s16], [sflag:$0x2] =	stream.strided.gather [hbm4b:s17+s8], $0x0, s9, s8, $0x38;
	[tilespmem:$0x8600] =	vst v63  }
0x152: {  	[tilespmem:s16], [sflag:$0x2] =	stream.linear.gather [hbm4b:s17+s2], $0x20, $0x38;
	[tilespmem:$0x8600] =	vst v63  }
0x153: {  	_ =	swait.ge [sflag:s10], $0x20  }
0x154: {  	[sflag:s10] =	ssyncset.done $0x0  }
0x155: {  	[sflag:s10] =	ssyncadd.s32 $0xFFFFFFE0  }
0x156: {  	_ =	swait.ge [sflag:s11], $0x20  }
0x157: {  	v9 =	vld [tilespmem:$0x1FC60]  }
0x158: {  	v11 =	vld [tilespmem:$0x1FC70]  }
0x159: {  	v13 =	vld [tilespmem:$0x1FC80]  }
0x15a: {  	v5 =	vld [tilespmem:$0x1FC90]  }
0x15b: {  	v15 =	vld [tilespmem:$0x1FCA0]  }
0x15c: {  	v16 =	vld [tilespmem:$0x1FCB0]  }
0x15d: {  	v17 =	vld [tilespmem:$0x1FCC0]  }
0x15e: {  	v18 =	vld [tilespmem:$0x1FCD0]  }
0x15f: {  	v19 =	vld [tilespmem:$0x1FCE0]  }
0x160: {  	v21 =	vld [tilespmem:$0x1FCF0]  }
0x161: {  	v22 =	vld [tilespmem:$0x1FD00]  }
0x162: {  	v23 =	vld [tilespmem:$0x1FD10]  }
0x163: {  	v26 =	vld [tilespmem:$0x1FD20]  }
0x164: {  	v27 =	vld [tilespmem:$0x1FD30]  }
0x165: {  	v35 =	vld [tilespmem:$0x1FD40]  }
0x166: {  	v36 =	vld [tilespmem:$0x1FD50]  }
0x167: {  	v37 =	vld [tilespmem:$0x1FD60]  }
0x168: {  	v38 =	vld [tilespmem:$0x1FD70]  }
0x169: {  	v39 =	vld [tilespmem:$0x1FD80]  }
0x16a: {  	v40 =	vld [tilespmem:$0x1FD90]  }
0x16b: {  	v41 =	vld [tilespmem:$0x1FDA0]  }
0x16c: {  	v42 =	vld [tilespmem:$0x1FDB0]  }
0x16d: {  	v43 =	vld [tilespmem:$0x1FDC0]  }
0x16e: {  	v50 =	vmov v46;
	v44 =	vld [tilespmem:$0x1FDD0]  }
0x16f: {  	v52 =	vmovc v31;
	v53 =	vmovc v30;
	v51 =	vmov v4;
	v49 =	vmov v2;
	v47 =	vmov v1;
	s14 =	simm.s32 $0x1FF;
	[sflag:s11] =	ssyncset.done $0x0;
	v46 =	vld [tilespmem:$0x1FDE0]  }
.LBB2_4:
0x170: {  	p0 =	sne.s32 s14, $0x1;
	s14 =	sadd.s32 $0xFFFFFFFF, s14;
	[sflag:s11] =	ssyncadd.s32 $0xFFFFFFE0  }
.Ltmp1:
0x171: {  	_ =	swait.ge [sflag:s10], $0x20;
	(pc) =	sbr.rel @p0 .LBB2_4-.Ltmp1, $4  }
0x172: {  	[sflag:s10] =	ssyncset.done $0x0  }
0x173: {  	[sflag:s10] =	ssyncadd.s32 $0xFFFFFFE0  }
0x174: {  	_ =	swait.ge [sflag:s11], $0x20  }
0x175: {  	[sflag:s11] =	ssyncset.done $0x0  }
0x176: {  	s14 =	simm.s32 $0x0  }
0x177: {  	v0 =	vor.u32 s14, v12  }
0x178: {  	v1 =	vor.u32 s14, v57  }
0x179: {  	v2 =	vor.u32 s14, v8  }
0x17a: {  	v3 =	vor.u32 s14, v48  }
0x17b: {  	[sflag:s11] =	ssyncadd.s32 $0xFFFFFFE0;
	v4 =	vor.u32 s14, v11  }
0x17c: {  	v25 =	vor.u32 s14, v13;
	v24 =	vld.idx.msk [tilespmem:v0+s9+$0x0], $0xffff  }
0x17d: {  	v0 =	vor.u32 s14, v9;
	v34 =	vld.idx.msk [tilespmem:v1+s9+$0x0], $0xffff  }
0x17e: {  	v54 =	vor.u32 s14, v16;
	v14 =	vld.idx.msk [tilespmem:v2+s9+$0x0], $0xffff  }
0x17f: {  	v1 =	vor.u32 s14, v5;
	v20 =	vld.idx.msk [tilespmem:v3+s9+$0x0], $0xffff  }
0x180: {  	v31 =	vld.idx.msk [tilespmem:v4+s9+$0x0], $0xffff;
	v4 =	vor.u32 s14, v15  }
0x181: {  	v16 =	vor.u32 s14, v18;
	v32 =	vld.idx.msk [tilespmem:v25+s9+$0x0], $0xffff  }
0x182: {  	v17 =	vor.u32 s14, v17;
	v33 =	vld.idx.msk [tilespmem:v0+s9+$0x0], $0xffff  }
0x183: {  	v18 =	vor.u32 s14, v21;
	v25 =	vld.idx.msk [tilespmem:v54+s9+$0x0], $0xffff  }
0x184: {  	v3 =	vor.u32 s14, v19;
	v28 =	vld.idx.msk [tilespmem:v1+s9+$0x0], $0xffff;
	v5 =	vmul.f32 v34, v34;
	v7 =	vmul.f32 v20, v20  }
0x185: {  	v54 =	vmovc v8;
	v6 =	vmul.f32 v24, v24;
	v8 =	vmul.f32 v14, v14;
	v29 =	vld.idx.msk [tilespmem:v4+s9+$0x0], $0xffff;
	v4 =	vor.u32 s14, v23  }
0x186: {  	v10 =	vor.u32 s14, v22;
	v22 =	vld.idx.msk [tilespmem:v16+s9+$0x0], $0xffff;
	v23 =	vadd.f32 v5, v7;
	v7 =	vor.u32 s14, v27  }
0x187: {  	v30 =	vld.idx.msk [tilespmem:v17+s9+$0x0], $0xffff;
	v5 =	vadd.f32 v6, v8;
	v6 =	vmul.f32 v33, v33  }
0x188: {  	v19 =	vld.idx.msk [tilespmem:v18+s9+$0x0], $0xffff;
	v9 =	vmul.f32 v31, v31;
	v8 =	vor.u32 s14, v26  }
0x189: {  	v27 =	vld.idx.msk [tilespmem:v3+s9+$0x0], $0xffff;
	v21 =	vmul.f32 v28, v28;
	v0 =	vadd.f32 v6, v23  }
0x18a: {  	v17 =	vld.idx.msk [tilespmem:v4+s9+$0x0], $0xffff;
	v23 =	vadd.f32 v9, v5;
	v5 =	vmul.f32 v32, v32;
	v6 =	vor.u32 s14, v36  }
0x18b: {  	v26 =	vmul.f32 v25, v25;
	v4 =	vor.u32 s14, v38;
	v9 =	vor.u32 s14, v35;
	v15 =	vld.idx.msk [tilespmem:v7+s9+$0x0], $0xffff  }
0x18c: {  	v35 =	vmul.f32 v29, v29;
	v0 =	vadd.f32 v5, v0;
	v1 =	vadd.f32 v21, v23;
	v23 =	vld.idx.msk [tilespmem:v10+s9+$0x0], $0xffff  }
0x18d: {  	v36 =	vmul.f32 v30, v30;
	v5 =	vmul.f32 v22, v22;
	v10 =	vor.u32 s14, v37;
	v21 =	vld.idx.msk [tilespmem:v8+s9+$0x0], $0xffff  }
0x18e: {  	v37 =	vor.u32 s14, v40;
	v40 =	vld [tilespmem:$0x1FDF0];
	v0 =	vadd.f32 v35, v0;
	v1 =	vadd.f32 v26, v1  }
0x18f: {  	v7 =	vmul.f32 v19, v19;
	v38 =	vmul.f32 v27, v27;
	v11 =	vld.idx.msk [tilespmem:v6+s9+$0x0], $0xffff  }
0x190: {  	v8 =	vor.u32 s14, v39;
	v18 =	vld.idx.msk [tilespmem:v9+s9+$0x0], $0xffff;
	v0 =	vadd.f32 v36, v0;
	v1 =	vadd.f32 v5, v1  }
0x191: {  	v6 =	vor.u32 s14, v42;
	v9 =	vmul.f32 v17, v17;
	v42 =	vld [tilespmem:$0x1FE00]  }
0x192: {  	v5 =	vld.idx.msk [tilespmem:v4+s9+$0x0], $0xffff;
	v39 =	vmul.f32 v23, v23;
	v0 =	vadd.f32 v38, v0;
	v1 =	vadd.f32 v7, v1  }
0x193: {  	v13 =	vor.u32 s14, v41;
	v4 =	vor.u32 s14, v44;
	v16 =	vld.idx.msk [tilespmem:v10+s9+$0x0], $0xffff;
	v7 =	vmul.f32 v15, v15  }
0x194: {  	v3 =	vld.idx.msk [tilespmem:v37+s9+$0x0], $0xffff;
	v0 =	vadd.f32 v39, v0;
	v1 =	vadd.f32 v9, v1;
	v9 =	vmul.f32 v21, v21  }
0x195: {  	v10 =	vor.u32 s14, v43;
	v12 =	vld.idx.msk [tilespmem:v8+s9+$0x0], $0xffff  }
0x196: {  	v43 =	vld [tilespmem:$0x1FE10];
	v9 =	vadd.f32 v9, v0;
	v1 =	vadd.f32 v7, v1;
	v7 =	vmul.f32 v18, v18  }
0x197: {  	v41 =	vor.u32 s14, v40;
	v2 =	vld.idx.msk [tilespmem:v6+s9+$0x0], $0xffff  }
0x198: {  	v8 =	vmul.f32 v11, v11;
	v0 =	vld.idx.msk [tilespmem:v4+s9+$0x0], $0xffff;
	v4 =	vadd.f32 v7, v9;
	v9 =	vmul.f32 v16, v16  }
0x199: {  	v46 =	vor.u32 s14, v46;
	v6 =	vld.idx.msk [tilespmem:v13+s9+$0x0], $0xffff;
	v36 =	vor.u32 s14, v42  }
0x19a: {  	v13 =	vmul.f32 v5, v5;
	v8 =	vadd.f32 v8, v1;
	v4 =	vadd.f32 v9, v4;
	v9 =	vld [tilespmem:$0x1FE20]  }
0x19b: {  	v44 =	vld [tilespmem:$0x1FE30];
	v37 =	vor.u32 s14, v43  }
0x19c: {  	v7 =	vld.idx.msk [tilespmem:v10+s9+$0x0], $0xffff;
	v8 =	vadd.f32 v13, v8;
	v13 =	vmul.f32 v12, v12  }
0x19d: {  	v26 =	vor.u32 s14, v45;
	v10 =	vmul.f32 v3, v3;
	v1 =	vld.idx.msk [tilespmem:v41+s9+$0x0], $0xffff  }
0x19e: {  	v42 =	vor.u32 s14, v63;
	v45 =	vmul.f32 v6, v6;
	v13 =	vadd.f32 v13, v4;
	v4 =	vld.idx.msk [tilespmem:v36+s9+$0x0], $0xffff  }
0x19f: {  	v8 =	vadd.f32 v10, v8;
	v39 =	vor.u32 s14, v9;
	v9 =	vld.idx.msk [tilespmem:v46+s9+$0x0], $0xffff;
	v46 =	vmul.f32 v2, v2  }
0x1a0: {  	v41 =	vor.u32 s14, v62;
	v10 =	vld.idx.msk [tilespmem:v37+s9+$0x0], $0xffff  }
0x1a1: {  	v40 =	vmul.f32 v7, v7;
	v37 =	vadd.f32 v45, v13;
	v35 =	vadd.f32 v46, v8;
	v8 =	vld [tilespmem:$0x1FF90]  }
0x1a2: {  	v38 =	vor.u32 s14, v44;
	v13 =	vld [tilespmem:$0x1FF80]  }
0x1a3: {  	v34 =	vmul.f32 v24, v34;
	v37 =	vadd.f32 v40, v37;
	v40 =	vmul.f32 v14, v20;
	v46 =	vld [tilespmem:$0x1FFA0]  }
0x1a4: {  	v25 =	vmul.f32 v25, v29;
	v29 =	vor.u32 s14, v60;
	v36 =	vmul.f32 v0, v0;
	v14 =	vld.idx.msk [tilespmem:v42+s9+$0x0], $0xffff  }
0x1a5: {  	v44 =	vmul.f32 v1, v1;
	v45 =	vor.u32 s14, v53;
	v20 =	vld.idx.msk [tilespmem:v41+s9+$0x0], $0xffff;
	v40 =	vadd.f32 $0.0e+00, v40  }
0x1a6: {  	v42 =	vor.u32 s14, v52;
	v52 =	vld [tilespmem:$0x1FFB0];
	v35 =	vadd.f32 v36, v35;
	v43 =	vor.u32 s14, v8  }
0x1a7: {  	v36 =	vmul.f32 v9, v9;
	v40 =	vadd.f32 v34, v40;
	v8 =	vld.idx.msk [tilespmem:v38+s9+$0x0], $0xffff;
	v38 =	vor.u32 s14, v13  }
0x1a8: {  	v35 =	vadd.f32 v44, v35;
	v44 =	vmul.f32 v31, v33;
	v13 =	vld.idx.msk [tilespmem:v39+s9+$0x0], $0xffff;
	v39 =	vor.u32 s14, v46  }
0x1a9: {  	v29 =	vld.idx.msk [tilespmem:v29+s9+$0x0], $0xffff;
	v53 =	vmul.f32 v4, v4;
	v36 =	vadd.f32 v36, v37;
	v46 =	vmul.f32 v10, v10  }
0x1aa: {  	v32 =	vmul.f32 v28, v32;
	v41 =	vor.u32 s14, v58;
	v34 =	vld.idx.msk [tilespmem:v45+s9+$0x0], $0xffff;
	v45 =	vadd.f32 v44, v40  }
0x1ab: {  	v36 =	vadd.f32 v53, v36;
	v35 =	vadd.f32 v46, v35;
	v33 =	vld.idx.msk [tilespmem:v43+s9+$0x0], $0xffff  }
0x1ac: {  	v46 =	vor.u32 s14, v52;
	v32 =	vadd.f32 v32, v45;
	v37 =	vmul.f32 v8, v8;
	v24 =	vld.idx.msk [tilespmem:v38+s9+$0x0], $0xffff  }
0x1ad: {  	v52 =	vmul.f32 v20, v20;
	v53 =	vmul.f32 v13, v13;
	v31 =	vld.idx.msk [tilespmem:v39+s9+$0x0], $0xffff;
	v38 =	vor.u32 s14, v55  }
0x1ae: {  	v28 =	vld.idx.msk [tilespmem:v42+s9+$0x0], $0xffff;
	v43 =	vor.u32 s14, v56;
	v25 =	vadd.f32 v25, v32;
	v35 =	vadd.f32 v37, v35  }
0x1af: {  	v41 =	vld.idx.msk [tilespmem:v41+s9+$0x0], $0xffff;
	v32 =	vor.u32 s14, v47;
	v36 =	vadd.f32 v53, v36;
	v53 =	vmul.f32 v14, v14  }
0x1b0: {  	v47 =	vor.u32 s14, v49;
	v49 =	vld [tilespmem:$0x1FE70];
	v35 =	vadd.f32 v52, v35;
	v45 =	vmul.f32 v33, v33  }
0x1b1: {  	v37 =	vor.u32 s14, v59;
	v42 =	vld.idx.msk [tilespmem:v46+s9+$0x0], $0xffff;
	v36 =	vadd.f32 v53, v36;
	v53 =	vmul.f32 v24, v24  }
0x1b2: {  	v40 =	vor.u32 s14, v50;
	v46 =	vmul.f32 v31, v31;
	v38 =	vld.idx.msk [tilespmem:v38+s9+$0x0], $0xffff;
	v35 =	vadd.f32 v45, v35  }
0x1b3: {  	v43 =	vld.idx.msk [tilespmem:v43+s9+$0x0], $0xffff;
	v36 =	vadd.f32 v53, v36;
	v53 =	vor.u32 s14, v61  }
0x1b4: {  	v52 =	vmul.f32 v34, v34;
	v35 =	vadd.f32 v46, v35;
	v46 =	vld [tilespmem:$0x1FFC0]  }
0x1b5: {  	v22 =	vmul.f32 v22, v30;
	v50 =	vld [tilespmem:$0x1FE80]  }
0x1b6: {  	v19 =	vmul.f32 v19, v27;
	v44 =	vmul.f32 v28, v28;
	v37 =	vld.idx.msk [tilespmem:v37+s9+$0x0], $0xffff;
	v36 =	vadd.f32 v52, v36  }
0x1b7: {  	v17 =	vmul.f32 v17, v23;
	v40 =	vld.idx.msk [tilespmem:v40+s9+$0x0], $0xffff;
	v22 =	vadd.f32 v22, v25;
	v45 =	vmul.f32 v42, v42  }
0x1b8: {  	v23 =	vor.u32 s14, v49;
	v52 =	vmul.f32 v38, v38;
	v36 =	vadd.f32 v44, v36;
	v30 =	vld.idx.msk [tilespmem:v53+s9+$0x0], $0xffff  }
0x1b9: {  	v25 =	vadd.f32 v45, v35;
	v53 =	vmul.f32 v43, v43;
	v27 =	vor.u32 s14, v46;
	v46 =	vld [tilespmem:$0x1FF60]  }
0x1ba: {  	v19 =	vadd.f32 v19, v22;
	v39 =	vld.idx.msk [tilespmem:v47+s9+$0x0], $0xffff;
	v45 =	vmul.f32 v41, v41  }
0x1bb: {  	v32 =	vld.idx.msk [tilespmem:v32+s9+$0x0], $0xffff;
	v44 =	vmul.f32 v37, v37;
	v35 =	vadd.f32 v52, v36;
	v22 =	vadd.f32 v53, v25  }
0x1bc: {  	v47 =	vmul.f32 v29, v29;
	v17 =	vadd.f32 v17, v19;
	v19 =	vor.u32 s14, v51;
	v51 =	vld [tilespmem:$0x1FE90]  }
0x1bd: {  	v23 =	vld.idx.msk [tilespmem:v23+s9+$0x0], $0xffff;
	v25 =	vadd.f32 v45, v35;
	v22 =	vadd.f32 v44, v22;
	v44 =	vor.u32 s14, v50  }
0x1be: {  	v15 =	vmul.f32 v15, v21;
	v21 =	vor.u32 s14, v46;
	v46 =	vld [tilespmem:$0x1FF70]  }
0x1bf: {  	v52 =	vld [tilespmem:$0x1FEA0];
	v45 =	vmul.f32 v30, v30;
	v25 =	vadd.f32 v47, v25;
	v47 =	vmul.f32 v40, v40  }
0x1c0: {  	v15 =	vadd.f32 v15, v17;
	v27 =	vld.idx.msk [tilespmem:v27+s9+$0x0], $0xffff  }
0x1c1: {  	v11 =	vmul.f32 v11, v18;
	v17 =	vadd.f32 v45, v22;
	v22 =	vadd.f32 v47, v25;
	v47 =	vld [tilespmem:$0x1FEF0]  }
0x1c2: {  	v36 =	vld.idx.msk [tilespmem:v44+s9+$0x0], $0xffff  }
0x1c3: {  	v5 =	vmul.f32 v5, v16;
	v11 =	vadd.f32 v11, v15;
	v35 =	vor.u32 s14, v46;
	v46 =	vld [tilespmem:$0x1FF10]  }
0x1c4: {  	v18 =	vor.u32 s14, v51;
	v44 =	vld [tilespmem:$0x1FEB0]  }
0x1c5: {  	v3 =	vmul.f32 v3, v12;
	v5 =	vadd.f32 v5, v11;
	v21 =	vld.idx.msk [tilespmem:v21+s9+$0x0], $0xffff  }
0x1c6: {  	v2 =	vmul.f32 v2, v6;
	v45 =	vld [tilespmem:$0x1FEC0];
	v15 =	vmul.f32 v27, v27  }
0x1c7: {  	v53 =	vmul.f32 v32, v32;
	v3 =	vadd.f32 v3, v5;
	v16 =	vor.u32 s14, v52  }
0x1c8: {  	v19 =	vld.idx.msk [tilespmem:v19+s9+$0x0], $0xffff;
	v25 =	vmul.f32 v39, v39;
	v15 =	vadd.f32 v15, v17;
	v11 =	vor.u32 s14, v46  }
0x1c9: {  	v18 =	vld.idx.msk [tilespmem:v18+s9+$0x0], $0xffff;
	v6 =	vor.u32 s14, v47;
	v12 =	vor.u32 s14, v44;
	v17 =	vadd.f32 v53, v22  }
0x1ca: {  	v53 =	vmul.f32 v23, v23;
	v15 =	vadd.f32 v25, v15;
	v35 =	vld.idx.msk [tilespmem:v35+s9+$0x0], $0xffff;
	v5 =	vmul.f32 v21, v21  }
0x1cb: {  	v26 =	vld.idx.msk [tilespmem:v26+s9+$0x0], $0xffff;
	v25 =	vor.u32 s14, v45  }
0x1cc: {  	v16 =	vld.idx.msk [tilespmem:v16+s9+$0x0], $0xffff;
	v17 =	vadd.f32 v53, v17;
	v5 =	vadd.f32 v5, v15;
	v15 =	vmul.f32 v36, v36  }
0x1cd: {  	v2 =	vadd.f32 v2, v3;
	v53 =	vmul.f32 v19, v19;
	v3 =	vld.idx.msk [tilespmem:v11+s9+$0x0], $0xffff  }
0x1ce: {  	v0 =	vmul.f32 v0, v7;
	v7 =	vadd.f32 v15, v17;
	v11 =	vld.idx.msk [tilespmem:v12+s9+$0x0], $0xffff;
	v12 =	vmul.f32 v18, v18  }
0x1cf: {  	v1 =	vmul.f32 v1, v9;
	v6 =	vld.idx.msk [tilespmem:v6+s9+$0x0], $0xffff;
	v5 =	vadd.f32 v53, v5;
	v53 =	vmul.f32 v35, v35  }
0x1d0: {  	v0 =	vadd.f32 v0, v2;
	v9 =	vld.idx.msk [tilespmem:v25+s9+$0x0], $0xffff;
	v7 =	vadd.f32 v12, v7;
	v12 =	vmul.f32 v26, v26  }
0x1d1: {  	v17 =	vmul.f32 v16, v16;
	v2 =	vadd.f32 v53, v5  }
0x1d2: {  	v4 =	vmul.f32 v10, v4;
	v0 =	vadd.f32 v1, v0;
	v5 =	vadd.f32 v12, v7  }
0x1d3: {  	v1 =	vadd.f32 v17, v2;
	v7 =	vmul.f32 v3, v3;
	v22 =	vmul.f32 v11, v11  }
0x1d4: {  	v0 =	vadd.f32 v4, v0;
	v4 =	vmul.f32 v8, v13;
	v25 =	vmul.f32 v6, v6  }
0x1d5: {  	v5 =	vadd.f32 v7, v5;
	v7 =	vmul.f32 v9, v9;
	v1 =	vadd.f32 v22, v1  }
0x1d6: {  	v0 =	vadd.f32 v4, v0;
	v4 =	vmul.f32 v20, v14  }
0x1d7: {  	v2 =	vadd.f32 v25, v5;
	v1 =	vadd.f32 v7, v1  }
0x1d8: {  	v0 =	vadd.f32 v4, v0;
	v4 =	vmul.f32 v33, v24  }
0x1d9: {  	v1 =	vmul.f32 v1, v2  }
0x1da: {  	v33 =	vmul.f32 v31, v34;
	v0 =	vadd.f32 v4, v0  }
0x1db: {  	v4 =	vmul.f32 v42, v28;
	v1 =	vmax.f32 v1, $1.000000020e-16  }
0x1dc: {  	v0 =	vadd.f32 v33, v0;
	v34 =	vshra.s32 v1, $0x1;
	v1 =	vmul.f32 $5.000000000e-01, v1  }
0x1dd: {  	v2 =	vsub.s32 $0x5F3759DF, v34  }
0x1de: {  	v0 =	vadd.f32 v4, v0;
	v4 =	vmul.f32 v43, v38;
	v5 =	vmul.f32 v2, v1;
	_ =	sdelay $0x1  }
0x1df: {  	v0 =	vadd.f32 v4, v0;
	v4 =	vmul.f32 v37, v41;
	v5 =	vmul.f32 v2, v5;
	_ =	sdelay $0x1  }
0x1e0: {  	v0 =	vadd.f32 v4, v0;
	v4 =	vmul.f32 v30, v29;
	v5 =	vsub.f32 $1.500000000e+00, v5;
	_ =	sdelay $0x1  }
0x1e1: {  	v0 =	vadd.f32 v4, v0;
	v4 =	vmul.f32 v27, v40;
	v2 =	vmul.f32 v2, v5;
	_ =	sdelay $0x1  }
0x1e2: {  	v0 =	vadd.f32 v4, v0;
	v4 =	vmul.f32 v39, v32;
	v5 =	vmul.f32 v2, v1;
	_ =	sdelay $0x1  }
0x1e3: {  	v0 =	vadd.f32 v4, v0;
	v4 =	vmul.f32 v21, v23;
	v5 =	vmul.f32 v5, v2;
	_ =	sdelay $0x1  }
0x1e4: {  	v0 =	vadd.f32 v4, v0;
	v4 =	vmul.f32 v19, v36;
	v5 =	vsub.f32 $1.500000000e+00, v5;
	_ =	sdelay $0x1  }
0x1e5: {  	v0 =	vadd.f32 v4, v0;
	v4 =	vmul.f32 v35, v18;
	v2 =	vmul.f32 v5, v2;
	_ =	sdelay $0x1  }
0x1e6: {  	v0 =	vadd.f32 v4, v0;
	v4 =	vmul.f32 v16, v26;
	v1 =	vmul.f32 v2, v1;
	_ =	sdelay $0x1  }
0x1e7: {  	s15 =	simm.s32 $0x200;
	v3 =	vmul.f32 v11, v3;
	v0 =	vadd.f32 v4, v0;
	v1 =	vmul.f32 v1, v2  }
0x1e8: {  	v47 =	vor.u32 s15, v47;
	v43 =	vld [tilespmem:$0x1FF00]  }
0x1e9: {  	v42 =	vmul.f32 v9, v6;
	v0 =	vadd.f32 v3, v0;
	v1 =	vsub.f32 $1.500000000e+00, v1  }
0x1ea: {  	v10 =	vor.u32 s15, v54;
	v8 =	vor.u32 s15, v57;
	[tilespmem:$0x1FC20] =	vst v47;
	v57 =	vor.u32 s15, v44  }
0x1eb: {  	[tilespmem:$0x1FC50] =	vst v57;
	v54 =	vor.u32 s15, v46;
	v3 =	vadd.f32 v42, v0;
	v2 =	vmul.f32 v1, v2  }
0x1ec: {  	[tilespmem:$0x1FC40] =	vst v54;
	v53 =	vor.u32 s15, v45  }
0x1ed: {  	s16 =	simm.s32 $0x400;
	s14 =	simm.s32 $0x8400;
	[tilespmem:$0x1FC30] =	vst v53;
	v6 =	vor.u32 s15, v43;
	v12 =	vor.u32 s15, v48;
	v7 =	vmul.f32 v2, v3  }
.LBB2_6:
0x1ee: {  	v0 =	vld [tilespmem:$0x1FC70]  }
0x1ef: {  	v21 =	vld [tilespmem:$0x1FF20]  }
0x1f0: {  	v23 =	vld [tilespmem:$0x1FC60]  }
0x1f1: {  	v25 =	vld [tilespmem:$0x1FF70]  }
0x1f2: {  	v26 =	vld [tilespmem:$0x1FC90]  }
0x1f3: {  	v28 =	vld [tilespmem:$0x1FF50]  }
0x1f4: {  	v29 =	vld [tilespmem:$0x1FC80]  }
0x1f5: {  	v31 =	vld [tilespmem:$0x1FF60]  }
0x1f6: {  	v32 =	vld [tilespmem:$0x1FCB0]  }
0x1f7: {  	v33 =	vld [tilespmem:$0x1FF30]  }
0x1f8: {  	v34 =	vld [tilespmem:$0x1FF40]  }
0x1f9: {  	v35 =	vld [tilespmem:$0x1FCA0]  }
0x1fa: {  	v36 =	vld [tilespmem:$0x1FFF0]  }
0x1fb: {  	v37 =	vld [tilespmem:$0x1FFC0]  }
0x1fc: {  	v38 =	vld [tilespmem:$0x1FCD0]  }
0x1fd: {  	v39 =	vld [tilespmem:$0x1FCC0]  }
0x1fe: {  	v40 =	vld [tilespmem:$0x1FCF0]  }
0x1ff: {  	v41 =	vld [tilespmem:$0x1FCE0]  }
0x200: {  	v42 =	vld [tilespmem:$0x1FD10]  }
0x201: {  	v43 =	vld [tilespmem:$0x1FD00]  }
0x202: {  	v44 =	vld [tilespmem:$0x1FD30]  }
0x203: {  	v53 =	vld [tilespmem:$0x1FD50]  }
0x204: {  	v1 =	vld [tilespmem:$0x1FF80]  }
0x205: {  	[tilespmem:s14+$0x0] =	vst v7;
	v2 =	vld [tilespmem:$0x1FFB0]  }
0x206: {  	v19 =	vld.idx.msk [tilespmem:v6+s9+$0x0], $0xffff  }
0x207: {  	v54 =	vld.idx.msk [tilespmem:v10+s9+$0x0], $0xffff  }
0x208: {  	v20 =	vor.u32 s15, v59;
	v57 =	vld.idx.msk [tilespmem:v12+s9+$0x0], $0xffff  }
0x209: {  	v22 =	vor.u32 s15, v52;
	v52 =	vld [tilespmem:$0x1FD20];
	v14 =	vor.u32 s15, v0  }
0x20a: {  	v27 =	vor.u32 s15, v50;
	v50 =	vld [tilespmem:$0x1FD40];
	v16 =	vor.u32 s15, v23  }
0x20b: {  	v24 =	vor.u32 s15, v51;
	v51 =	vld [tilespmem:$0x1FD70];
	v18 =	vor.u32 s15, v26  }
0x20c: {  	v0 =	vor.u32 s15, v21;
	[tilespmem:$0x1FBF0] =	vst v24;
	v21 =	vld.idx.msk [tilespmem:v8+s9+$0x0], $0xffff;
	v24 =	vor.u32 s15, v29  }
0x20d: {  	v26 =	vor.u32 s15, v35;
	v20 =	vld.idx.msk [tilespmem:v20+s9+$0x0], $0xffff  }
0x20e: {  	[tilespmem:$0x1FC00] =	vst v22;
	v29 =	vor.u32 s15, v40;
	v22 =	vld.idx.msk [tilespmem:v14+s9+$0x0], $0xffff  }
0x20f: {  	v15 =	vor.u32 s15, v37;
	[tilespmem:$0x1FC10] =	vst v0;
	v0 =	vor.u32 s15, v25;
	v25 =	vor.u32 s15, v32;
	v37 =	vld.idx.msk [tilespmem:v16+s9+$0x0], $0xffff  }
0x210: {  	[tilespmem:$0x1FBD0] =	vst v27;
	v27 =	vor.u32 s15, v38;
	v23 =	vld.idx.msk [tilespmem:v18+s9+$0x0], $0xffff  }
0x211: {  	v32 =	vor.u32 s15, v41;
	v38 =	vld.idx.msk [tilespmem:v24+s9+$0x0], $0xffff  }
0x212: {  	[tilespmem:$0x1FBE0] =	vst v0;
	v0 =	vor.u32 s15, v28;
	v28 =	vor.u32 s15, v39;
	v41 =	vld.idx.msk [tilespmem:v26+s9+$0x0], $0xffff  }
0x213: {  	v26 =	vld.idx.msk [tilespmem:v29+s9+$0x0], $0xffff  }
0x214: {  	v30 =	vor.u32 s15, v49;
	v11 =	vor.u32 s15, v31;
	v46 =	vor.u32 s15, v44;
	v35 =	vld.idx.msk [tilespmem:v25+s9+$0x0], $0xffff  }
0x215: {  	v12 =	vor.u32 s15, v33;
	v14 =	vor.u32 s15, v36;
	v36 =	vor.u32 s15, v42;
	v25 =	vld.idx.msk [tilespmem:v27+s9+$0x0], $0xffff  }
0x216: {  	[tilespmem:$0x1FBB0] =	vst v30;
	v33 =	vmul.f32 v57, v57;
	v30 =	vmul.f32 v21, v21;
	v29 =	vor.u32 s15, v52;
	v44 =	vld.idx.msk [tilespmem:v32+s9+$0x0], $0xffff  }
0x217: {  	v13 =	vor.u32 s15, v34;
	v31 =	vmul.f32 v19, v19;
	v42 =	vor.u32 s15, v43;
	v43 =	vld.idx.msk [tilespmem:v28+s9+$0x0], $0xffff  }
0x218: {  	v34 =	vmul.f32 v54, v54;
	v45 =	vadd.f32 v30, v33;
	v33 =	vor.u32 s15, v53;
	v53 =	vld [tilespmem:$0x1FD60]  }
0x219: {  	v40 =	vor.u32 s15, v56;
	v28 =	vld.idx.msk [tilespmem:v46+s9+$0x0], $0xffff  }
0x21a: {  	v47 =	vadd.f32 v31, v34;
	v39 =	vmul.f32 v22, v22;
	v48 =	vmul.f32 v37, v37;
	v27 =	vld.idx.msk [tilespmem:v36+s9+$0x0], $0xffff  }
0x21b: {  	v24 =	vor.u32 s15, v55;
	v49 =	vmul.f32 v23, v23;
	v55 =	vmul.f32 v38, v38;
	v46 =	vld.idx.msk [tilespmem:v29+s9+$0x0], $0xffff  }
0x21c: {  	v36 =	vor.u32 s15, v50;
	v31 =	vadd.f32 v48, v45;
	v30 =	vadd.f32 v39, v47;
	v45 =	vld.idx.msk [tilespmem:v42+s9+$0x0], $0xffff  }
0x21d: {  	v52 =	vmul.f32 v41, v41;
	v56 =	vmul.f32 v35, v35;
	v48 =	vor.u32 s15, v53;
	v53 =	vld [tilespmem:$0x1FDB0]  }
0x21e: {  	v39 =	vor.u32 s15, v51;
	v31 =	vadd.f32 v55, v31;
	v30 =	vadd.f32 v49, v30;
	v55 =	vld [tilespmem:$0x1FD90]  }
0x21f: {  	v29 =	vld.idx.msk [tilespmem:v33+s9+$0x0], $0xffff  }
0x220: {  	v31 =	vadd.f32 v52, v31;
	v30 =	vadd.f32 v56, v30;
	v56 =	vmul.f32 v43, v43;
	v52 =	vld [tilespmem:$0x1FD80]  }
0x221: {  	v42 =	vmul.f32 v25, v25;
	v47 =	vld.idx.msk [tilespmem:v36+s9+$0x0], $0xffff  }
0x222: {  	v50 =	vor.u32 s15, v53;
	v53 =	vld [tilespmem:$0x1FDD0];
	v31 =	vadd.f32 v56, v31;
	v56 =	vmul.f32 v44, v44  }
0x223: {  	v34 =	vmul.f32 v26, v26;
	v49 =	vor.u32 s15, v55;
	v55 =	vadd.f32 v42, v30;
	v30 =	vld.idx.msk [tilespmem:v39+s9+$0x0], $0xffff  }
0x224: {  	v42 =	vadd.f32 v56, v31;
	v56 =	vld [tilespmem:$0x1FDF0]  }
0x225: {  	v36 =	vmul.f32 v27, v27;
	v33 =	vor.u32 s15, v52;
	v52 =	vld [tilespmem:$0x1FDA0];
	v32 =	vadd.f32 v34, v55  }
0x226: {  	v55 =	vld [tilespmem:$0x1FDC0]  }
0x227: {  	v17 =	vor.u32 s15, v61;
	v36 =	vadd.f32 v36, v32;
	v32 =	vld.idx.msk [tilespmem:v50+s9+$0x0], $0xffff  }
0x228: {  	v50 =	vld [tilespmem:$0x1FE10]  }
0x229: {  	v31 =	vld.idx.msk [tilespmem:v49+s9+$0x0], $0xffff  }
0x22a: {  	v49 =	vld.idx.msk [tilespmem:v33+s9+$0x0], $0xffff  }
0x22b: {  	v51 =	vor.u32 s15, v53;
	v39 =	vor.u32 s15, v52;
	v52 =	vmul.f32 v28, v28;
	v33 =	vld [tilespmem:$0x1FDE0]  }
0x22c: {  	v17 =	vld.idx.msk [tilespmem:v17+s9+$0x0], $0xffff;
	v34 =	vmul.f32 v45, v45;
	v53 =	vor.u32 s15, v55  }
0x22d: {  	v48 =	vld.idx.msk [tilespmem:v48+s9+$0x0], $0xffff;
	v55 =	vor.u32 s15, v56;
	v56 =	vmul.f32 v29, v29;
	v36 =	vadd.f32 v52, v36  }
0x22e: {  	v34 =	vadd.f32 v34, v42;
	v52 =	vld [tilespmem:$0x1FE30]  }
0x22f: {  	v10 =	vmovc v59;
	v42 =	vmul.f32 v46, v46;
	v59 =	vor.u32 s15, v50;
	v36 =	vadd.f32 v56, v36;
	v56 =	vld [tilespmem:$0x1FE20]  }
0x230: {  	v9 =	vmov v58;
	v18 =	vor.u32 s15, v58;
	v58 =	vor.u32 s15, v33;
	v33 =	vld.idx.msk [tilespmem:v51+s9+$0x0], $0xffff  }
0x231: {  	v34 =	vadd.f32 v42, v34;
	v42 =	vmul.f32 v47, v47;
	v51 =	vld [tilespmem:$0x1FE00]  }
0x232: {  	v50 =	vld.idx.msk [tilespmem:v39+s9+$0x0], $0xffff;
	v39 =	vmul.f32 v30, v30  }
0x233: {  	v8 =	vmovc v61;
	v42 =	vadd.f32 v42, v34;
	v34 =	vld.idx.msk [tilespmem:v55+s9+$0x0], $0xffff;
	v61 =	vor.u32 s15, v52;
	v52 =	vmul.f32 v48, v48  }
0x234: {  	v16 =	vor.u32 s15, v60;
	v39 =	vadd.f32 v39, v36;
	v36 =	vld.idx.msk [tilespmem:v59+s9+$0x0], $0xffff;
	v59 =	vor.u32 s15, v63  }
0x235: {  	v7 =	vmovc v60;
	v6 =	vmovc v63;
	v63 =	vld [tilespmem:$0x1FF90];
	v55 =	vor.u32 s15, v56;
	v56 =	vor.u32 s15, v62;
	v42 =	vadd.f32 v52, v42  }
0x236: {  	v3 =	vmovc v62;
	v62 =	vmul.f32 v49, v49;
	v60 =	vor.u32 s15, v51;
	v51 =	vld.idx.msk [tilespmem:v53+s9+$0x0], $0xffff;
	v53 =	vmul.f32 v31, v31  }
0x237: {  	[tilespmem:$0x1FBC0] =	vst v0;
	v52 =	vld.idx.msk [tilespmem:v58+s9+$0x0], $0xffff  }
0x238: {  	v0 =	vmul.f32 v50, v50;
	v42 =	vadd.f32 v62, v42;
	v62 =	vadd.f32 v53, v39;
	v39 =	vld.idx.msk [tilespmem:v61+s9+$0x0], $0xffff  }
0x239: {  	v61 =	vor.u32 s15, v1;
	v1 =	vld [tilespmem:$0x1FFA0]  }
0x23a: {  	v0 =	vadd.f32 v0, v42;
	v42 =	vld.idx.msk [tilespmem:v56+s9+$0x0], $0xffff  }
0x23b: {  	v58 =	vmul.f32 v32, v32;
	v56 =	vld [tilespmem:$0x1FFD0]  }
0x23c: {  	v15 =	vld.idx.msk [tilespmem:v15+s9+$0x0], $0xffff;
	v63 =	vor.u32 s15, v63  }
0x23d: {  	v58 =	vadd.f32 v58, v62;
	v53 =	vld.idx.msk [tilespmem:v60+s9+$0x0], $0xffff;
	v60 =	vmul.f32 v33, v33;
	v62 =	vmul.f32 v51, v51  }
0x23e: {  	v13 =	vld.idx.msk [tilespmem:v13+s9+$0x0], $0xffff;
	v4 =	vor.u32 s15, v1  }
0x23f: {  	v55 =	vld.idx.msk [tilespmem:v55+s9+$0x0], $0xffff;
	v0 =	vadd.f32 v62, v0;
	v58 =	vadd.f32 v60, v58;
	v60 =	vmul.f32 v52, v52  }
0x240: {  	v2 =	vor.u32 s15, v2;
	v5 =	vmul.f32 v34, v34;
	v1 =	vor.u32 s15, v56;
	v56 =	vld.idx.msk [tilespmem:v59+s9+$0x0], $0xffff  }
0x241: {  	v62 =	vmul.f32 v36, v36;
	v59 =	vmul.f32 v54, v57;
	v54 =	vld.idx.msk [tilespmem:v63+s9+$0x0], $0xffff;
	v0 =	vadd.f32 v60, v0  }
0x242: {  	v63 =	vld [tilespmem:$0x1FFE0];
	v5 =	vadd.f32 v5, v58;
	v60 =	vmul.f32 v19, v21;
	v58 =	vmul.f32 v53, v53  }
0x243: {  	v57 =	vld.idx.msk [tilespmem:v61+s9+$0x0], $0xffff;
	v59 =	vadd.f32 $0.0e+00, v59  }
0x244: {  	v61 =	vmul.f32 v39, v39;
	v19 =	vld.idx.msk [tilespmem:v4+s9+$0x0], $0xffff;
	v0 =	vadd.f32 v58, v0;
	v4 =	vadd.f32 v62, v5  }
0x245: {  	v12 =	vld.idx.msk [tilespmem:v12+s9+$0x0], $0xffff;
	v5 =	vmul.f32 v55, v55;
	v58 =	vadd.f32 v60, v59;
	v59 =	vmul.f32 v22, v37  }
0x246: {  	v60 =	vmov v7;
	v7 =	vmul.f32 v42, v42;
	v22 =	vld.idx.msk [tilespmem:v2+s9+$0x0], $0xffff;
	v2 =	vadd.f32 v61, v4  }
0x247: {  	v21 =	vld.idx.msk [tilespmem:v1+s9+$0x0], $0xffff;
	v0 =	vadd.f32 v5, v0;
	v5 =	vmul.f32 v23, v38;
	v1 =	vadd.f32 v59, v58  }
0x248: {  	v11 =	vld.idx.msk [tilespmem:v11+s9+$0x0], $0xffff;
	v63 =	vor.u32 s15, v63;
	v38 =	vmul.f32 v54, v54;
	v2 =	vadd.f32 v7, v2  }
0x249: {  	v23 =	vld.idx.msk [tilespmem:v40+s9+$0x0], $0xffff;
	v1 =	vadd.f32 v5, v1;
	v5 =	vmul.f32 v35, v41  }
0x24a: {  	v24 =	vld.idx.msk [tilespmem:v24+s9+$0x0], $0xffff;
	v41 =	vmul.f32 v19, v19;
	v2 =	vadd.f32 v38, v2  }
0x24b: {  	v18 =	vld.idx.msk [tilespmem:v18+s9+$0x0], $0xffff;
	v4 =	vmul.f32 v56, v56;
	v1 =	vadd.f32 v5, v1;
	v5 =	vmul.f32 v25, v43  }
0x24c: {  	v16 =	vld.idx.msk [tilespmem:v16+s9+$0x0], $0xffff;
	v43 =	vmul.f32 v22, v22;
	v2 =	vadd.f32 v41, v2  }
0x24d: {  	v0 =	vadd.f32 v4, v0;
	v37 =	vld.idx.msk [tilespmem:v63+s9+$0x0], $0xffff;
	v1 =	vadd.f32 v5, v1;
	v5 =	vmul.f32 v26, v44  }
0x24e: {  	v4 =	vmul.f32 v57, v57;
	v38 =	vmul.f32 v23, v23;
	v2 =	vadd.f32 v43, v2;
	v43 =	vld [tilespmem:$0x1FBB0]  }
0x24f: {  	v14 =	vld.idx.msk [tilespmem:v14+s9+$0x0], $0xffff;
	v40 =	vmul.f32 v20, v20;
	v1 =	vadd.f32 v5, v1;
	v5 =	vmul.f32 v27, v45  }
0x250: {  	v0 =	vadd.f32 v4, v0;
	v4 =	vmul.f32 v21, v21;
	v45 =	vld [tilespmem:$0x1FBC0];
	v2 =	vadd.f32 v38, v2  }
0x251: {  	v35 =	vld [tilespmem:$0x1FBF0];
	v41 =	vmul.f32 v17, v17;
	v1 =	vadd.f32 v5, v1;
	v5 =	vmul.f32 v28, v46  }
0x252: {  	v0 =	vadd.f32 v4, v0;
	v4 =	vmul.f32 v37, v37;
	v46 =	vld [tilespmem:$0x1FBD0];
	v2 =	vadd.f32 v40, v2  }
0x253: {  	v40 =	vld [tilespmem:$0x1FC00];
	v1 =	vadd.f32 v5, v1;
	v5 =	vmul.f32 v29, v47  }
0x254: {  	v44 =	vmul.f32 v15, v15;
	v0 =	vadd.f32 v4, v0;
	v2 =	vadd.f32 v41, v2;
	v41 =	vld [tilespmem:$0x1FC10]  }
0x255: {  	v4 =	vmul.f32 v24, v24;
	v1 =	vadd.f32 v5, v1;
	v5 =	vmul.f32 v30, v48;
	v30 =	vld [tilespmem:$0x1FBE0]  }
0x256: {  	v59 =	vmov v10;
	v10 =	vld.idx.msk [tilespmem:v43+s9+$0x0], $0xffff  }
0x257: {  	v58 =	vmovc v9;
	v0 =	vadd.f32 v4, v0;
	v4 =	vmul.f32 v18, v18;
	v2 =	vadd.f32 v44, v2;
	v44 =	vld [tilespmem:$0x1FC50]  }
0x258: {  	v47 =	vmul.f32 v13, v13;
	v9 =	vld.idx.msk [tilespmem:v45+s9+$0x0], $0xffff;
	v1 =	vadd.f32 v5, v1;
	v5 =	vmul.f32 v31, v49  }
0x259: {  	v0 =	vadd.f32 v4, v0;
	v4 =	vmul.f32 v16, v16;
	v45 =	vld [tilespmem:$0x1FC40]  }
0x25a: {  	v2 =	vadd.f32 v47, v2;
	v47 =	vld [tilespmem:$0x1FC30];
	v1 =	vadd.f32 v5, v1;
	v5 =	vmul.f32 v32, v50  }
0x25b: {  	v61 =	vmov v8;
	v0 =	vadd.f32 v4, v0;
	v4 =	vmul.f32 v14, v14;
	v8 =	vld.idx.msk [tilespmem:v46+s9+$0x0], $0xffff  }
0x25c: {  	v1 =	vadd.f32 v5, v1;
	v5 =	vmul.f32 v33, v51;
	v33 =	vld [tilespmem:$0x1FC20]  }
0x25d: {  	v63 =	vmov v6;
	v6 =	vld.idx.msk [tilespmem:v35+s9+$0x0], $0xffff;
	v0 =	vadd.f32 v4, v0;
	v4 =	vmul.f32 v12, v12  }
0x25e: {  	v38 =	vmul.f32 v11, v11;
	v7 =	vld.idx.msk [tilespmem:v30+s9+$0x0], $0xffff  }
0x25f: {  	v27 =	vld.idx.msk [tilespmem:v40+s9+$0x0], $0xffff;
	v0 =	vadd.f32 v4, v0;
	v4 =	vmul.f32 v10, v10  }
0x260: {  	v2 =	vadd.f32 v38, v2;
	v26 =	vld.idx.msk [tilespmem:v41+s9+$0x0], $0xffff;
	v43 =	vmul.f32 v9, v9  }
0x261: {  	v62 =	vmov v3;
	v3 =	vld.idx.msk [tilespmem:v44+s9+$0x0], $0xffff;
	v0 =	vadd.f32 v4, v0;
	v4 =	vmul.f32 v8, v8  }
0x262: {  	v2 =	vadd.f32 v43, v2;
	v25 =	vld.idx.msk [tilespmem:v45+s9+$0x0], $0xffff  }
0x263: {  	v30 =	vld.idx.msk [tilespmem:v47+s9+$0x0], $0xffff;
	v0 =	vadd.f32 v4, v0;
	v4 =	vmul.f32 v6, v6;
	v46 =	vmul.f32 v7, v7  }
0x264: {  	v1 =	vadd.f32 v5, v1;
	v5 =	vmul.f32 v34, v52;
	v35 =	vmul.f32 v27, v27;
	v28 =	vld.idx.msk [tilespmem:v33+s9+$0x0], $0xffff  }
0x265: {  	v0 =	vadd.f32 v4, v0;
	v4 =	vmul.f32 v26, v26;
	v2 =	vadd.f32 v46, v2  }
0x266: {  	v1 =	vadd.f32 v5, v1;
	v5 =	vmul.f32 v36, v53;
	v38 =	vmul.f32 v3, v3  }
0x267: {  	v0 =	vadd.f32 v4, v0;
	v4 =	vmul.f32 v25, v25;
	v2 =	vadd.f32 v35, v2  }
0x268: {  	v1 =	vadd.f32 v5, v1;
	v5 =	vmul.f32 v39, v55;
	v39 =	vmul.f32 v30, v30  }
0x269: {  	v0 =	vadd.f32 v4, v0;
	v2 =	vadd.f32 v38, v2;
	v4 =	vmul.f32 v28, v28  }
0x26a: {  	v1 =	vadd.f32 v5, v1;
	v5 =	vmul.f32 v42, v56  }
0x26b: {  	v0 =	vadd.f32 v4, v0;
	v2 =	vadd.f32 v39, v2  }
0x26c: {  	v1 =	vadd.f32 v5, v1;
	v4 =	vmul.f32 v54, v57  }
0x26d: {  	v0 =	vmul.f32 v2, v0  }
0x26e: {  	v41 =	vmul.f32 v19, v21;
	v1 =	vadd.f32 v4, v1  }
0x26f: {  	v4 =	vmul.f32 v22, v37;
	v0 =	vmax.f32 v0, $1.000000020e-16  }
0x270: {  	v1 =	vadd.f32 v41, v1;
	v42 =	vshra.s32 v0, $0x1;
	v0 =	vmul.f32 $5.000000000e-01, v0  }
0x271: {  	v2 =	vsub.s32 $0x5F3759DF, v42  }
0x272: {  	v1 =	vadd.f32 v4, v1;
	v4 =	vmul.f32 v23, v24;
	v5 =	vmul.f32 v2, v0;
	_ =	sdelay $0x1  }
0x273: {  	v1 =	vadd.f32 v4, v1;
	v4 =	vmul.f32 v20, v18;
	v5 =	vmul.f32 v2, v5;
	_ =	sdelay $0x1  }
0x274: {  	v1 =	vadd.f32 v4, v1;
	v4 =	vmul.f32 v17, v16;
	v5 =	vsub.f32 $1.500000000e+00, v5;
	_ =	sdelay $0x1  }
0x275: {  	v1 =	vadd.f32 v4, v1;
	v4 =	vmul.f32 v15, v14;
	v2 =	vmul.f32 v2, v5;
	_ =	sdelay $0x1  }
0x276: {  	v1 =	vadd.f32 v4, v1;
	v4 =	vmul.f32 v13, v12;
	v5 =	vmul.f32 v2, v0;
	_ =	sdelay $0x1  }
0x277: {  	v1 =	vadd.f32 v4, v1;
	v4 =	vmul.f32 v11, v10;
	v5 =	vmul.f32 v5, v2;
	_ =	sdelay $0x1  }
0x278: {  	v48 =	vld [tilespmem:$0x1FE60];
	v1 =	vadd.f32 v4, v1;
	v4 =	vmul.f32 v9, v8;
	v5 =	vsub.f32 $1.500000000e+00, v5  }
0x279: {  	v49 =	vld [tilespmem:$0x1FE70]  }
0x27a: {  	v40 =	vld [tilespmem:$0x1FEC0];
	v1 =	vadd.f32 v4, v1;
	v4 =	vmul.f32 v7, v6;
	v2 =	vmul.f32 v5, v2  }
0x27b: {  	v44 =	vld [tilespmem:$0x1FEE0]  }
0x27c: {  	v36 =	vld [tilespmem:$0x1FEB0];
	v1 =	vadd.f32 v4, v1;
	v4 =	vmul.f32 v27, v26;
	v0 =	vmul.f32 v2, v0  }
0x27d: {  	v45 =	vld [tilespmem:$0x1FEF0]  }
0x27e: {  	v3 =	vmul.f32 v3, v25;
	v46 =	vld [tilespmem:$0x1FED0];
	v1 =	vadd.f32 v4, v1;
	v0 =	vmul.f32 v0, v2  }
0x27f: {  	v54 =	vld [tilespmem:$0x1FF10]  }
0x280: {  	p0 =	sne.s32 s16, $0x3E00;
	v43 =	vmul.f32 v30, v28;
	v4 =	vld [tilespmem:$0x1FF00];
	v1 =	vadd.f32 v3, v1;
	v0 =	vsub.f32 $1.500000000e+00, v0  }
.Ltmp2:
0x281: {  	s15 =	smov.u32 s16;
	v50 =	vld [tilespmem:$0x1FE80];
	v47 =	vor.u32 s16, v40;
	(pc) =	sbr.rel @p0 .LBB2_6-.Ltmp2, $4  }
0x282: {  	v51 =	vld [tilespmem:$0x1FE90];
	[tilespmem:$0x1FC30] =	vst v47;
	v57 =	vor.u32 s15, v36;
	v1 =	vadd.f32 v43, v1;
	v0 =	vmul.f32 v0, v2  }
0x283: {  	v52 =	vld [tilespmem:$0x1FEA0];
	[tilespmem:$0x1FC50] =	vst v57;
	v2 =	vor.u32 s16, v45  }
0x284: {  	v55 =	vld [tilespmem:$0x1FE40];
	v12 =	vor.u32 s15, v48;
	[tilespmem:$0x1FC20] =	vst v2;
	v7 =	vmul.f32 v0, v1;
	v0 =	vor.u32 s15, v54  }
0x285: {  	s14 =	sadd.s32 $0x10, s14;
	v56 =	vld [tilespmem:$0x1FE50];
	v10 =	vor.u32 s16, v46;
	v8 =	vor.u32 s16, v44;
	v6 =	vor.u32 s16, v4;
	s16 =	sadd.s32 $0x200, s16;
	[tilespmem:$0x1FC40] =	vst v0  }
0x286: {  	v3 =	vld [tilespmem:$0x1FC80];
	_ =	sdelay $0x4  }
0x287: {  	v4 =	vor.u32 s15, v3;
	v3 =	vld [tilespmem:$0x1FCB0];
	_ =	sdelay $0x1  }
0x288: {  	v1 =	vld [tilespmem:$0x1FC60]  }
0x289: {  	[tilespmem:s14+$0x0] =	vst v7  }
0x28a: {  	v30 =	vld.idx.msk [tilespmem:v6+s9+$0x0], $0xffff  }
0x28b: {  	v6 =	vor.u32 s15, v3;
	v3 =	vld [tilespmem:$0x1FCF0];
	_ =	sdelay $0x1  }
0x28c: {  	v1 =	vor.u32 s15, v1;
	_ =	sdelay $0x1  }
0x28d: {  	v34 =	vld.idx.msk [tilespmem:v4+s9+$0x0], $0xffff  }
0x28e: {  	v4 =	vor.u32 s15, v3;
	v3 =	vld [tilespmem:$0x1FCE0]  }
0x28f: {  	v0 =	vld [tilespmem:$0x1FC70]  }
0x290: {  	v36 =	vld.idx.msk [tilespmem:v1+s9+$0x0], $0xffff  }
0x291: {  	v1 =	vld [tilespmem:$0x1FCD0]  }
0x292: {  	v27 =	vld.idx.msk [tilespmem:v6+s9+$0x0], $0xffff  }
0x293: {  	v6 =	vor.u32 s15, v3;
	v3 =	vld [tilespmem:$0x1FD00];
	_ =	sdelay $0x1  }
0x294: {  	v37 =	vld.idx.msk [tilespmem:v8+s9+$0x0], $0xffff;
	v0 =	vor.u32 s15, v0  }
0x295: {  	v23 =	vld.idx.msk [tilespmem:v12+s9+$0x0], $0xffff  }
0x296: {  	v2 =	vld [tilespmem:$0x1FC90];
	v1 =	vor.u32 s15, v1  }
0x297: {  	v12 =	vor.u32 s15, v3;
	v3 =	vld [tilespmem:$0x1FD30]  }
0x298: {  	v5 =	vld.idx.msk [tilespmem:v10+s9+$0x0], $0xffff  }
0x299: {  	v35 =	vld.idx.msk [tilespmem:v0+s9+$0x0], $0xffff  }
0x29a: {  	v7 =	vmul.f32 v37, v37;
	v9 =	vmul.f32 v23, v23;
	v0 =	vld [tilespmem:$0x1FCA0]  }
0x29b: {  	v25 =	vld.idx.msk [tilespmem:v1+s9+$0x0], $0xffff  }
0x29c: {  	v1 =	vadd.f32 v7, v9;
	v9 =	vor.u32 s15, v3;
	v3 =	vld [tilespmem:$0x1FD20]  }
0x29d: {  	v2 =	vor.u32 s15, v2;
	_ =	sdelay $0x1  }
0x29e: {  	v8 =	vmul.f32 v30, v30;
	v10 =	vmul.f32 v5, v5;
	v0 =	vor.u32 s15, v0;
	_ =	sdelay $0x1  }
0x29f: {  	v7 =	vadd.f32 v8, v10;
	v10 =	vor.u32 s15, v3;
	v3 =	vld [tilespmem:$0x1FD50]  }
0x2a0: {  	v31 =	vld.idx.msk [tilespmem:v2+s9+$0x0], $0xffff  }
0x2a1: {  	v2 =	vld [tilespmem:$0x1FCC0]  }
0x2a2: {  	v32 =	vld.idx.msk [tilespmem:v0+s9+$0x0], $0xffff;
	v8 =	vmul.f32 v36, v36  }
0x2a3: {  	v0 =	vld [tilespmem:$0x1FD10]  }
0x2a4: {  	v1 =	vadd.f32 v8, v1;
	v8 =	vor.u32 s15, v3;
	v3 =	vld [tilespmem:$0x1FD40];
	_ =	sdelay $0x2  }
0x2a5: {  	v2 =	vor.u32 s15, v2;
	v11 =	vmul.f32 v35, v35  }
0x2a6: {  	v22 =	vld.idx.msk [tilespmem:v4+s9+$0x0], $0xffff;
	v0 =	vor.u32 s15, v0  }
0x2a7: {  	v4 =	vadd.f32 v11, v7;
	v11 =	vor.u32 s15, v3;
	v3 =	vld [tilespmem:$0x1FD70];
	_ =	sdelay $0x2  }
0x2a8: {  	v33 =	vld.idx.msk [tilespmem:v2+s9+$0x0], $0xffff;
	v2 =	vmul.f32 v31, v31;
	v7 =	vmul.f32 v34, v34  }
0x2a9: {  	v19 =	vld.idx.msk [tilespmem:v0+s9+$0x0], $0xffff  }
0x2aa: {  	v0 =	vadd.f32 v7, v1;
	v1 =	vadd.f32 v2, v4;
	v4 =	vor.u32 s15, v3;
	v3 =	vld [tilespmem:$0x1FD60];
	_ =	sdelay $0x3  }
0x2ab: {  	v26 =	vld.idx.msk [tilespmem:v12+s9+$0x0], $0xffff  }
0x2ac: {  	v12 =	vor.u32 s15, v3;
	v3 =	vld [tilespmem:$0x1FD90];
	_ =	sdelay $0x2  }
0x2ad: {  	v29 =	vld.idx.msk [tilespmem:v6+s9+$0x0], $0xffff;
	v6 =	vmul.f32 v27, v27;
	_ =	sdelay $0x1  }
0x2ae: {  	v1 =	vadd.f32 v6, v1;
	v6 =	vor.u32 s15, v3;
	v3 =	vld [tilespmem:$0x1FD80];
	_ =	sdelay $0x4  }
0x2af: {  	v13 =	vor.u32 s15, v3;
	v3 =	vld [tilespmem:$0x1FDB0];
	_ =	sdelay $0x2  }
0x2b0: {  	v7 =	vmul.f32 v25, v25;
	_ =	sdelay $0x1  }
0x2b1: {  	v1 =	vadd.f32 v7, v1;
	v7 =	vor.u32 s15, v3;
	v3 =	vld [tilespmem:$0x1FDA0]  }
0x2b2: {  	v2 =	vmul.f32 v32, v32  }
0x2b3: {  	v16 =	vld.idx.msk [tilespmem:v9+s9+$0x0], $0xffff  }
0x2b4: {  	v0 =	vadd.f32 v2, v0;
	v2 =	vmul.f32 v33, v33;
	v24 =	vld.idx.msk [tilespmem:v10+s9+$0x0], $0xffff  }
0x2b5: {  	v20 =	vld.idx.msk [tilespmem:v11+s9+$0x0], $0xffff  }
0x2b6: {  	v0 =	vadd.f32 v2, v0;
	v2 =	vmul.f32 v29, v29;
	v11 =	vor.u32 s15, v3;
	v3 =	vld [tilespmem:$0x1FDD0]  }
0x2b7: {  	v10 =	vmul.f32 v22, v22  }
0x2b8: {  	v0 =	vadd.f32 v2, v0;
	v2 =	vmul.f32 v26, v26;
	v9 =	vld.idx.msk [tilespmem:v8+s9+$0x0], $0xffff  }
0x2b9: {  	v1 =	vadd.f32 v10, v1;
	v8 =	vmul.f32 v19, v19;
	v4 =	vld.idx.msk [tilespmem:v4+s9+$0x0], $0xffff  }
0x2ba: {  	v0 =	vadd.f32 v2, v0;
	v2 =	vmul.f32 v24, v24;
	v12 =	vld.idx.msk [tilespmem:v12+s9+$0x0], $0xffff  }
0x2bb: {  	v10 =	vmul.f32 v16, v16;
	v1 =	vadd.f32 v8, v1;
	v14 =	vor.u32 s15, v3;
	v3 =	vld [tilespmem:$0x1FDC0]  }
0x2bc: {  	v2 =	vadd.f32 v2, v0  }
0x2bd: {  	v1 =	vadd.f32 v10, v1;
	v17 =	vmul.f32 v9, v9;
	v21 =	vmul.f32 v20, v20;
	v13 =	vld.idx.msk [tilespmem:v13+s9+$0x0], $0xffff;
	_ =	sdelay $0x1  }
0x2be: {  	v1 =	vadd.f32 v17, v1;
	v2 =	vadd.f32 v21, v2;
	v10 =	vld.idx.msk [tilespmem:v11+s9+$0x0], $0xffff  }
0x2bf: {  	v46 =	vmul.f32 v12, v12;
	v11 =	vmul.f32 v4, v4;
	v15 =	vor.u32 s15, v3;
	v3 =	vld [tilespmem:$0x1FDF0];
	_ =	sdelay $0x1  }
0x2c0: {  	v2 =	vadd.f32 v46, v2;
	v1 =	vadd.f32 v11, v1;
	v11 =	vmul.f32 v13, v13;
	_ =	sdelay $0x1  }
0x2c1: {  	v2 =	vadd.f32 v11, v2;
	v11 =	vld [tilespmem:$0x1FF90]  }
0x2c2: {  	v8 =	vor.u32 s15, v3;
	v3 =	vld [tilespmem:$0x1FDE0];
	_ =	sdelay $0x3  }
0x2c3: {  	v44 =	vor.u32 s15, v11;
	v11 =	vld [tilespmem:$0x1FF80]  }
0x2c4: {  	v18 =	vor.u32 s15, v3;
	v3 =	vld [tilespmem:$0x1FE10];
	_ =	sdelay $0x1  }
0x2c5: {  	v0 =	vld [tilespmem:$0x1FE00]  }
0x2c6: {  	v6 =	vld.idx.msk [tilespmem:v6+s9+$0x0], $0xffff  }
0x2c7: {  	v53 =	vor.u32 s15, v11;
	v11 =	vld [tilespmem:$0x1FFA0]  }
0x2c8: {  	v47 =	vor.u32 s15, v3;
	v3 =	vld [tilespmem:$0x1FE30]  }
0x2c9: {  	v39 =	vor.u32 s15, v49;
	v7 =	vld.idx.msk [tilespmem:v7+s9+$0x0], $0xffff  }
0x2ca: {  	v28 =	vor.u32 s15, v0;
	v0 =	vld.idx.msk [tilespmem:v14+s9+$0x0], $0xffff  }
0x2cb: {  	v43 =	vor.u32 s15, v63;
	v14 =	vld [tilespmem:$0x1FE20]  }
0x2cc: {  	v54 =	vor.u32 s15, v11;
	v11 =	vld [tilespmem:$0x1FFD0]  }
0x2cd: {  	v38 =	vor.u32 s15, v3;
	v3 =	vld.idx.msk [tilespmem:v15+s9+$0x0], $0xffff;
	v15 =	vmul.f32 v6, v6  }
0x2ce: {  	v39 =	vld.idx.msk [tilespmem:v39+s9+$0x0], $0xffff;
	v27 =	vmul.f32 v27, v32  }
0x2cf: {  	v32 =	vor.u32 s15, v60;
	v41 =	vmul.f32 v7, v7;
	v8 =	vld.idx.msk [tilespmem:v8+s9+$0x0], $0xffff;
	v1 =	vadd.f32 v15, v1  }
0x2d0: {  	v5 =	vmul.f32 v5, v23;
	v23 =	vld.idx.msk [tilespmem:v43+s9+$0x0], $0xffff  }
0x2d1: {  	v1 =	vadd.f32 v41, v1;
	v41 =	vor.u32 s15, v11;
	v11 =	vld [tilespmem:$0x1FFE0]  }
0x2d2: {  	v40 =	vor.u32 s15, v14;
	v14 =	vld.idx.msk [tilespmem:v28+s9+$0x0], $0xffff;
	v28 =	vmul.f32 v0, v0  }
0x2d3: {  	v17 =	vld.idx.msk [tilespmem:v18+s9+$0x0], $0xffff;
	v15 =	vmul.f32 v10, v10  }
0x2d4: {  	v42 =	vor.u32 s15, v62;
	v32 =	vld.idx.msk [tilespmem:v32+s9+$0x0], $0xffff;
	v45 =	vmul.f32 v8, v8;
	v1 =	vadd.f32 v28, v1  }
0x2d5: {  	v37 =	vmul.f32 v30, v37;
	v5 =	vadd.f32 $0.0e+00, v5;
	v18 =	vld.idx.msk [tilespmem:v47+s9+$0x0], $0xffff;
	v2 =	vadd.f32 v15, v2  }
0x2d6: {  	v49 =	vmul.f32 v3, v3;
	v1 =	vadd.f32 v45, v1;
	v45 =	vor.u32 s15, v11;
	v11 =	vld [tilespmem:$0x1FFB0]  }
0x2d7: {  	v5 =	vadd.f32 v37, v5;
	v46 =	vmul.f32 v35, v36;
	v15 =	vld.idx.msk [tilespmem:v38+s9+$0x0], $0xffff  }
0x2d8: {  	v21 =	vld.idx.msk [tilespmem:v40+s9+$0x0], $0xffff;
	v28 =	vmul.f32 v17, v17;
	v2 =	vadd.f32 v49, v2  }
0x2d9: {  	v5 =	vadd.f32 v46, v5;
	v46 =	vld [tilespmem:$0x1FFF0]  }
0x2da: {  	[tilespmem:$0x1FBA0] =	vst v18;
	v18 =	vmul.f32 v18, v18;
	v2 =	vadd.f32 v28, v2;
	v28 =	vld.idx.msk [tilespmem:v42+s9+$0x0], $0xffff  }
0x2db: {  	v36 =	vld.idx.msk [tilespmem:v44+s9+$0x0], $0xffff;
	v57 =	vmul.f32 v14, v14;
	v47 =	vor.u32 s15, v11  }
0x2dc: {  	v30 =	vld.idx.msk [tilespmem:v53+s9+$0x0], $0xffff;
	v49 =	vmul.f32 v15, v15;
	v1 =	vadd.f32 v18, v1  }
0x2dd: {  	v53 =	vmul.f32 v21, v21;
	v35 =	vld.idx.msk [tilespmem:v54+s9+$0x0], $0xffff;
	v18 =	vor.u32 s15, v56;
	v2 =	vadd.f32 v57, v2  }
0x2de: {  	v31 =	vmul.f32 v31, v34;
	v54 =	vmul.f32 v23, v23;
	v37 =	vld.idx.msk [tilespmem:v41+s9+$0x0], $0xffff;
	v1 =	vadd.f32 v49, v1  }
0x2df: {  	v49 =	vor.u32 s15, v59;
	v2 =	vadd.f32 v53, v2;
	v57 =	vmul.f32 v28, v28;
	v43 =	vld.idx.msk [tilespmem:v45+s9+$0x0], $0xffff  }
0x2e0: {  	v25 =	vmul.f32 v25, v33;
	v5 =	vadd.f32 v31, v5;
	v31 =	vmul.f32 v36, v36;
	v44 =	vld.idx.msk [tilespmem:v47+s9+$0x0], $0xffff  }
0x2e1: {  	v53 =	vmul.f32 v30, v30;
	v11 =	vld [tilespmem:$0x1FF30];
	v2 =	vadd.f32 v54, v2;
	v1 =	vadd.f32 v57, v1  }
0x2e2: {  	v5 =	vadd.f32 v27, v5;
	v40 =	vor.u32 s15, v55;
	v34 =	vld.idx.msk [tilespmem:v18+s9+$0x0], $0xffff;
	v57 =	vor.u32 s15, v61  }
0x2e3: {  	v54 =	vmul.f32 v35, v35;
	v2 =	vadd.f32 v53, v2;
	v53 =	vld [tilespmem:$0x1FFC0];
	v1 =	vadd.f32 v31, v1  }
0x2e4: {  	v22 =	vmul.f32 v22, v29;
	v19 =	vmul.f32 v19, v26;
	v5 =	vadd.f32 v25, v5;
	v38 =	vld.idx.msk [tilespmem:v49+s9+$0x0], $0xffff  }
0x2e5: {  	v42 =	vor.u32 s15, v58;
	v47 =	vld [tilespmem:$0x1FF40];
	v1 =	vadd.f32 v54, v1;
	v49 =	vmul.f32 v44, v44  }
0x2e6: {  	v16 =	vmul.f32 v16, v24;
	v31 =	vmul.f32 v37, v37;
	v27 =	vor.u32 s15, v11;
	v11 =	vld [tilespmem:$0x1FF60]  }
0x2e7: {  	v5 =	vadd.f32 v22, v5;
	v33 =	vld.idx.msk [tilespmem:v57+s9+$0x0], $0xffff;
	v57 =	vmul.f32 v34, v34;
	v1 =	vadd.f32 v49, v1  }
0x2e8: {  	v40 =	vld.idx.msk [tilespmem:v40+s9+$0x0], $0xffff;
	v2 =	vadd.f32 v31, v2;
	v31 =	vmul.f32 v43, v43;
	v29 =	vor.u32 s15, v53  }
0x2e9: {  	v5 =	vadd.f32 v19, v5;
	v41 =	vor.u32 s15, v46;
	v1 =	vadd.f32 v57, v1;
	v57 =	vld [tilespmem:$0x1FF50]  }
0x2ea: {  	v42 =	vld.idx.msk [tilespmem:v42+s9+$0x0], $0xffff;
	v2 =	vadd.f32 v31, v2;
	v31 =	vor.u32 s15, v47  }
0x2eb: {  	v9 =	vmul.f32 v9, v20;
	v5 =	vadd.f32 v16, v5;
	[tilespmem:$0x1FB90] =	vst v14;
	v14 =	vld [tilespmem:$0x1FF70]  }
0x2ec: {  	v19 =	vor.u32 s15, v50;
	v0 =	vmul.f32 v0, v3;
	v3 =	vld [tilespmem:$0x1FC40];
	v26 =	vor.u32 s15, v11  }
0x2ed: {  	v4 =	vmul.f32 v4, v12;
	v5 =	vadd.f32 v9, v5;
	v54 =	vmul.f32 v40, v40;
	v29 =	vld.idx.msk [tilespmem:v29+s9+$0x0], $0xffff  }
0x2ee: {  	v12 =	vor.u32 s15, v52;
	v41 =	vld.idx.msk [tilespmem:v41+s9+$0x0], $0xffff;
	v45 =	vmul.f32 v38, v38;
	v24 =	vor.u32 s15, v57  }
0x2ef: {  	v4 =	vadd.f32 v4, v5;
	v2 =	vadd.f32 v54, v2;
	v49 =	vmul.f32 v42, v42;
	v31 =	vld.idx.msk [tilespmem:v31+s9+$0x0], $0xffff  }
0x2f0: {  	v6 =	vmul.f32 v6, v13;
	v27 =	vld.idx.msk [tilespmem:v27+s9+$0x0], $0xffff;
	v54 =	vmul.f32 v33, v33;
	v1 =	vadd.f32 v45, v1  }
0x2f1: {  	v50 =	vor.u32 s15, v14;
	v53 =	vmul.f32 v32, v32;
	v2 =	vadd.f32 v49, v2;
	v26 =	vld.idx.msk [tilespmem:v26+s9+$0x0], $0xffff  }
0x2f2: {  	v4 =	vadd.f32 v6, v4;
	v45 =	vld [tilespmem:$0x1FF20];
	v1 =	vadd.f32 v54, v1;
	v9 =	vmul.f32 v29, v29  }
0x2f3: {  	v49 =	vor.u32 s15, v51;
	v51 =	vmul.f32 v41, v41;
	v2 =	vadd.f32 v53, v2;
	v24 =	vld.idx.msk [tilespmem:v24+s9+$0x0], $0xffff  }
0x2f4: {  	v19 =	vld.idx.msk [tilespmem:v19+s9+$0x0], $0xffff;
	v6 =	vmul.f32 v7, v10;
	v1 =	vadd.f32 v9, v1;
	v5 =	vmul.f32 v31, v31  }
0x2f5: {  	v10 =	vld.idx.msk [tilespmem:v12+s9+$0x0], $0xffff;
	v52 =	vmul.f32 v27, v27;
	v2 =	vadd.f32 v51, v2  }
0x2f6: {  	v4 =	vadd.f32 v6, v4;
	v6 =	vld.idx.msk [tilespmem:v3+s9+$0x0], $0xffff;
	v1 =	vadd.f32 v5, v1;
	v5 =	vmul.f32 v26, v26  }
0x2f7: {  	v13 =	vmul.f32 v39, v39;
	v3 =	vld [tilespmem:$0x1FC50];
	v2 =	vadd.f32 v52, v2  }
0x2f8: {  	v53 =	vld.idx.msk [tilespmem:v50+s9+$0x0], $0xffff;
	v25 =	vor.u32 s15, v45;
	v1 =	vadd.f32 v5, v1;
	v12 =	vmul.f32 v24, v24  }
0x2f9: {  	v2 =	vadd.f32 v13, v2;
	v13 =	vld [tilespmem:$0x1FC20]  }
0x2fa: {  	v1 =	vadd.f32 v12, v1;
	v12 =	vld [tilespmem:$0x1FC30]  }
0x2fb: {  	v9 =	vld.idx.msk [tilespmem:v49+s9+$0x0], $0xffff;
	_ =	sdelay $0x1  }
0x2fc: {  	v0 =	vadd.f32 v0, v4;
	v4 =	vmul.f32 v8, v17;
	v8 =	vmul.f32 v53, v53;
	v7 =	vld.idx.msk [tilespmem:v25+s9+$0x0], $0xffff  }
0x2fd: {  	v54 =	vld [tilespmem:$0x1FBA0];
	v5 =	vmul.f32 v19, v19  }
0x2fe: {  	v1 =	vadd.f32 v8, v1;
	v8 =	vld [tilespmem:$0x1FB90]  }
0x2ff: {  	v3 =	vld.idx.msk [tilespmem:v3+s9+$0x0], $0xffff;
	v2 =	vadd.f32 v5, v2;
	v5 =	vmul.f32 v9, v9  }
0x300: {  	v13 =	vld.idx.msk [tilespmem:v13+s9+$0x0], $0xffff  }
0x301: {  	v2 =	vadd.f32 v5, v2;
	v5 =	vmul.f32 v7, v7;
	v12 =	vld.idx.msk [tilespmem:v12+s9+$0x0], $0xffff  }
0x302: {  	v0 =	vadd.f32 v4, v0;
	v4 =	vmul.f32 v10, v10  }
0x303: {  	v2 =	vadd.f32 v5, v2;
	v5 =	vmul.f32 v6, v6;
	v8 =	vmul.f32 v54, v8  }
0x304: {  	v1 =	vadd.f32 v4, v1;
	v4 =	vmul.f32 v3, v3  }
0x305: {  	v2 =	vadd.f32 v5, v2;
	v0 =	vadd.f32 v8, v0;
	v8 =	vmul.f32 v15, v21  }
0x306: {  	v1 =	vadd.f32 v4, v1;
	v4 =	vmul.f32 v13, v13;
	v5 =	vmul.f32 v12, v12  }
0x307: {  	v0 =	vadd.f32 v8, v0;
	v8 =	vmul.f32 v28, v23  }
0x308: {  	v2 =	vadd.f32 v4, v2;
	v1 =	vadd.f32 v5, v1  }
0x309: {  	v4 =	vmul.f32 v36, v30;
	v0 =	vadd.f32 v8, v0  }
0x30a: {  	v1 =	vmul.f32 v1, v2  }
0x30b: {  	v0 =	vadd.f32 v4, v0;
	v2 =	vmul.f32 v35, v37  }
0x30c: {  	v4 =	vmul.f32 v44, v43;
	v1 =	vmax.f32 v1, $1.000000020e-16  }
0x30d: {  	v0 =	vadd.f32 v2, v0;
	v2 =	vshra.s32 v1, $0x1;
	v1 =	vmul.f32 $5.000000000e-01, v1  }
0x30e: {  	v2 =	vsub.s32 $0x5F3759DF, v2  }
0x30f: {  	v0 =	vadd.f32 v4, v0;
	v4 =	vmul.f32 v34, v40;
	v5 =	vmul.f32 v2, v1;
	_ =	sdelay $0x1  }
0x310: {  	v0 =	vadd.f32 v4, v0;
	v4 =	vmul.f32 v38, v42;
	v5 =	vmul.f32 v2, v5;
	_ =	sdelay $0x1  }
0x311: {  	v0 =	vadd.f32 v4, v0;
	v4 =	vmul.f32 v33, v32;
	v5 =	vsub.f32 $1.500000000e+00, v5;
	_ =	sdelay $0x1  }
0x312: {  	v0 =	vadd.f32 v4, v0;
	v4 =	vmul.f32 v29, v41;
	v2 =	vmul.f32 v2, v5;
	_ =	sdelay $0x1  }
0x313: {  	v0 =	vadd.f32 v4, v0;
	v4 =	vmul.f32 v31, v27;
	v5 =	vmul.f32 v2, v1;
	_ =	sdelay $0x1  }
0x314: {  	v0 =	vadd.f32 v4, v0;
	v4 =	vmul.f32 v26, v39;
	v5 =	vmul.f32 v5, v2;
	_ =	sdelay $0x1  }
0x315: {  	v0 =	vadd.f32 v4, v0;
	v4 =	vmul.f32 v24, v19;
	v5 =	vsub.f32 $1.500000000e+00, v5;
	_ =	sdelay $0x1  }
0x316: {  	v0 =	vadd.f32 v4, v0;
	v4 =	vmul.f32 v53, v9;
	v2 =	vmul.f32 v5, v2;
	_ =	sdelay $0x1  }
0x317: {  	v0 =	vadd.f32 v4, v0;
	v4 =	vmul.f32 v10, v7;
	v1 =	vmul.f32 v2, v1;
	_ =	sdelay $0x1  }
0x318: {  	v3 =	vmul.f32 v3, v6;
	v0 =	vadd.f32 v4, v0;
	v1 =	vmul.f32 v1, v2;
	_ =	sdelay $0x1  }
0x319: {  	v0 =	vadd.f32 v3, v0;
	v3 =	vmul.f32 v12, v13;
	v1 =	vsub.f32 $1.500000000e+00, v1;
	_ =	sdelay $0x1  }
0x31a: {  	v0 =	vadd.f32 v3, v0;
	v1 =	vmul.f32 v1, v2;
	_ =	sdelay $0x1  }
0x31b: {  	v0 =	vmul.f32 v1, v0  }
0x31c: {  	s31 =	sadd.s32 $0x10, s14  }
0x31d: {  	[tilespmem:s31+$0x0] =	vst v0  }
0x31e: {  	[hbm4b:s5+s2] =	stream.linear.scatter [tilespmem:s12], [sflag:$0x3], $0x200, $0x38;
	[tilespmem:$0x8600] =	vst v63  }
0x31f: {  	s13 =	sadd.s32 $0x1, s13;
	_ =	swait.ge [sflag:s7], $0x200  }
0x320: {  	p0 =	sne.s32 s13, s6;
	v30 =	vld [tilespmem:$0x1FFD0]  }
.Ltmp3:
0x321: {  	v31 =	vld [tilespmem:$0x1FFE0];
	(pc) =	sbr.rel @p0 .LBB2_1-.Ltmp3, $4  }
0x322: {  	v1 =	vld [tilespmem:$0x1FF30]  }
0x323: {  	v8 =	vld [tilespmem:$0x1FED0]  }
0x324: {  	v4 =	vmov v57;
	[sflag:s7] =	ssyncset.done $0x0;
	v57 =	vld [tilespmem:$0x1FEE0]  }
0x325: {  	v2 =	vmov v47;
	v12 =	vld [tilespmem:$0x1FF00];
	[sflag:s7] =	ssyncadd.s32 $0xFFFFFE00  }
0x326: {  	_ =	sfence.sel $0x180000  }
0x327: {  	[bflag:$0x0] =	sbarrier.arrive $0xFFFF  }
0x328: {  	p0 =	sne.s32 s1, $0x0;
	_ =	strace $0x90000047  }
0x329: {  	s0 =	sadd.s32 @!p0 $0x100000, s0;
	[bflag:$0x2] =	sbarrier.arrive $0xFFFF  }
0x32a: {  	[sflag:s0] =	ssyncadd.tile.s32 @!p0 $0x1;
	_ =	shalt  }
.Lfunc_end2:
_tile_overlayer_lowered:
.L_overlay_start_2:
0x32b: {  	(tag) =	ssettag $0x2  }
0x32c: {  	s0 =	rddreg [dreg:$0x0];
	s2 =	stileid.u32  }
0x32d: {  	s1 =	rddreg [dreg:$0x1];
	p0 =	sne.s32 s2, $0x0  }
0x32e: {  	s3 =	rddreg [dreg:$0x2];
	[bflag:$0x3] =	sbarrier.arrive $0xFFFF;
	s2 =	simm.s32 @!p0 $0x1C03  }
0x32f: {  	[timem:s3], [sflag:s2] =	dma.local @!p0 [hbm:s0], s1  }
0x330: {  	s0 =	simm.s32 @!p0 $0x3  }
0x331: {  	_ =	swait.ge @!p0 [sflag:s0], s1  }
0x332: {  	s1 =	ssub.s32 @!p0 $0x0, s1;
	[sflag:s0] =	ssyncset.done @!p0 $0x0  }
0x333: {  	[sflag:s0] =	ssyncadd.s32 @!p0 s1  }
0x334: {  	[bflag:$0x3] =	sbarrier.arrive $0xFFFF  }
0x335: {  	_ =	shalt  }

</sc_bundles>
